<compile_context>
chip_gen: v7x
topology: tpu7x:2x2x1
jax: 0.10.2.dev20260603
libtpu: 0.0.44.dev20260713+nightly
codegen_flags: <defaults>
</compile_context>

<pallas_src>
import functools

import jax
import jax.numpy as jnp
from jax import lax
from jax.experimental import pallas as pl
from jax.experimental.pallas import tpu as pltpu
from jax.experimental.pallas import tpu_sc as plsc

_S = 19
_D = 128
_DH = 64
_NC, _NS, _L = 2, 16, 16
_NW = _NC * _NS
_B, _LN = 4096, 200
_N = _B * _LN
_PW = _N // _NW
_CH = 64
_NCH = _PW // _CH
_NBUF = 8
_SEG = 2560
_NSEG = _PW // _SEG
_CPS = _SEG // _CH
_RPS = _CPS // _NBUF
_VPC = _CH // _L


def _table_body(row_ref, col_ref, out_ref):
  r = jnp.broadcast_to(row_ref[...][:, None, :], (_S, _S, _DH))
  c = jnp.broadcast_to(col_ref[...][None, :, :], (_S, _S, _DH))
  out_ref[...] = jnp.concatenate([r, c], axis=-1)


def _build_table(row_emb, col_emb):
  return pl.pallas_call(
      _table_body,
      out_shape=jax.ShapeDtypeStruct((_S, _S, _D), jnp.float32),
  )(row_emb, col_emb).reshape(_S * _S, _D)


def _sc_body(rc_hbm, tab_hbm, out_hbm,
             rc2_v, idx_v, tab_v, rows_v, gsem, ssem, csem):
  wid = lax.axis_index("s") * _NC + lax.axis_index("c")
  base0 = wid * _PW

  def load_tab():
    pltpu.sync_copy(tab_hbm, tab_v)
  pl.when(lax.axis_index("s") == 0)(load_tab)
  plsc.subcore_barrier()

  def seg_slice(hbm, s):
    return hbm.at[pl.ds(base0 + s * _SEG, _SEG)]

  def idx_vec(s, t, j):
    pos = t * _CH + j * _L
    buf = lax.rem(s, 2)
    v = rc2_v[buf, pl.ds(pos, _L)]
    r = jnp.bitwise_and(v, 0xFFFF)
    c = jnp.right_shift(v, 16)
    iv = jnp.maximum(r, 0) * _S + jnp.maximum(c, 0)
    idx_v[s * _CPS + t, pl.ds(j * _L, _L)] = iv

  pltpu.sync_copy(seg_slice(rc_hbm, 0), rc2_v.at[0])
  def pro_chunk(t, _):
    for j in range(_VPC):
      idx_vec(0, t, j)
    return 0
  lax.fori_loop(0, _CPS, pro_chunk, 0)
  if _NSEG > 1:
    pltpu.async_copy(seg_slice(rc_hbm, 1), rc2_v.at[1], csem.at[0])

  def out_at(k):
    return out_hbm.at[pl.ds(base0 + k * _CH, _CH)]

  def seg_loop(s, _):
    def q_loop(q, _):
      g = s * _RPS + q
      descs = []
      for b in range(_NBUF):
        k = g * _NBUF + b
        def wait_prev(b=b, k=k):
          pltpu.make_async_copy(rows_v.at[b], out_at(k - _NBUF),
                                ssem.at[b]).wait()
        pl.when(g > 0)(wait_prev)
        descs.append(
            pltpu.async_copy(tab_v.at[idx_v.at[k]], rows_v.at[b],
                             gsem.at[b]))

      def coords_mgmt():
        def wait_next():
          pltpu.make_async_copy(seg_slice(rc_hbm, 0), rc2_v.at[0],
                                csem.at[0]).wait()
        pl.when(s + 1 < _NSEG)(wait_next)
        def issue_next2():
          nb = lax.rem(s, 2)
          pltpu.async_copy(seg_slice(rc_hbm, s + 2), rc2_v.at[nb], csem.at[0])
        pl.when(s + 2 < _NSEG)(issue_next2)
      pl.when(q == 0)(coords_mgmt)

      def next_idx():
        for u in range(_NBUF):
          for j in range(_VPC):
            idx_vec(s + 1, q * _NBUF + u, j)
      pl.when(s + 1 < _NSEG)(next_idx)

      for b in range(_NBUF):
        k = g * _NBUF + b
        descs[b].wait()
        pltpu.async_copy(rows_v.at[b], out_at(k), ssem.at[b])
      return 0
    lax.fori_loop(0, _RPS, q_loop, 0)
    return 0
  lax.fori_loop(0, _NSEG, seg_loop, 0)

  for b in range(_NBUF):
    k = _NCH - _NBUF + b
    pltpu.make_async_copy(rows_v.at[b], out_at(k), ssem.at[b]).wait()


_sc_gather = functools.partial(
    pl.kernel,
    out_type=jax.ShapeDtypeStruct((_N, _D), jnp.float32),
    mesh=plsc.VectorSubcoreMesh(
        core_axis_name="c", subcore_axis_name="s",
        num_cores=_NC, num_subcores=_NS),
    scratch_types=[
        pltpu.VMEM((2, _SEG), jnp.int32),
        pltpu.VMEM((_NCH, _CH), jnp.int32),
        pltpu.VMEM_SHARED((_S * _S, _D), jnp.float32),
        pltpu.VMEM((_NBUF, _CH, _D), jnp.float32),
        pltpu.SemaphoreType.DMA((_NBUF,)),
        pltpu.SemaphoreType.DMA((_NBUF,)),
        pltpu.SemaphoreType.DMA((1,)),
    ],
)(_sc_body)


def kernel(coords, row_emb, col_emb):
  table = _build_table(row_emb, col_emb)
  rc = jnp.bitwise_or(coords[..., 0],
                      jnp.left_shift(coords[..., 1], 16)).reshape(_N)
  out = _sc_gather(rc, table)
  return out.reshape(_B, _LN, _D)

# --- scband reference (transcript-rebuilt; emitter-appended) ---
"""Pipeline reference for scband-board-coordinate-projection-56831007261248 (READ-ONLY COPY).

The authoritative reference and input builder live on the scoring server;
editing this copy changes nothing except your own understanding.
"""

import jax, jax.numpy as jnp
import numpy as np

D_MODEL = 128
MAX_SIDE = 19
B, L = 4096, 200
D_R = D_MODEL // 2
D_C = D_MODEL - D_R


def setup_inputs(seed: int = 0) -> dict:
    key = jax.random.key(seed)
    k1, k2, k3 = jax.random.split(key, 3)
    coords = jax.random.randint(k1, (B, L, 2), 0, MAX_SIDE, dtype=jnp.int64 if jax.config.jax_enable_x64 else jnp.int32).astype(jnp.int32)
    row_emb = jax.random.normal(k2, (MAX_SIDE, D_R), dtype=jnp.float32)
    col_emb = jax.random.normal(k3, (MAX_SIDE, D_C), dtype=jnp.float32)
    return {"coords": coords, "row_emb": row_emb, "col_emb": col_emb}


def reference(coords, row_emb, col_emb):
    r_idx = jnp.clip(coords[..., 0], 0, None)
    c_idx = jnp.clip(coords[..., 1], 0, None)
    r = jnp.take(row_emb, r_idx, axis=0)
    c = jnp.take(col_emb, c_idx, axis=0)
    return jnp.concatenate([r, c], axis=-1)

if __name__ == "__main__":
    import jax
    _d = setup_inputs()
    print(jax.jit(kernel)(*tuple(_d.values())))

</pallas_src>

<mosaic_0001>
#map = affine_map<(d0, d1) -> (0)>
#map1 = affine_map<(d0, d1) -> (0, 0)>
module attributes {stable_mosaic.version = 14 : i64} {
  func.func @_sc_body(%arg0: i32, %arg1: i32, %arg2: memref<819200xi32, #tpu.memory_space<hbm>>, %arg3: memref<361x128xf32, #tpu.memory_space<hbm>>, %arg4: memref<819200x128xf32, #tpu.memory_space<hbm>>, %arg5: memref<2x2560xi32, #tpu.memory_space<vmem>>, %arg6: memref<400x64xi32, #tpu.memory_space<vmem>>, %arg7: memref<361x128xf32, #tpu.memory_space<vmem_shared>>, %arg8: memref<8x64x128xf32, #tpu.memory_space<vmem>>, %arg9: memref<8x!tpu.dma_semaphore, #tpu.memory_space<semaphore_mem>>, %arg10: memref<8x!tpu.dma_semaphore, #tpu.memory_space<semaphore_mem>>, %arg11: memref<1x!tpu.dma_semaphore, #tpu.memory_space<semaphore_mem>>) attributes {dimension_semantics = [#tpu.dimension_semantics<core_parallel>, #tpu.dimension_semantics<subcore_parallel>], iteration_bounds = array<i64: 2, 16>, scalar_prefetch = 0 : i64, scratch_operands = 7 : i64, tpu.core_type = #tpu.core_type<sc_vector_subcore>, window_params = [{transform_indices = #map}, {transform_indices = #map1}, {transform_indices = #map1}]} {
    %mul3A = arith.constant 2 : i32
    %mul3A_0 = arith.muli %arg1, %mul3A : i32
    %add3A = arith.addi %mul3A_0, %arg0 : i32
    %mul3A_1 = arith.constant 25600 : i32
    %mul3A_2 = arith.muli %add3A, %mul3A_1 : i32
    %eq3A = arith.constant 0 : i32
    %eq3A_3 = arith.cmpi eq, %arg1, %eq3A : i32
    %convert_element_type3A = arith.extui %eq3A_3 : i1 to i32
    %cond3A = arith.constant 0 : i32
    %cond3A_4 = arith.cmpi ne, %convert_element_type3A, %cond3A : i32
    scf.if %cond3A_4 {
      "tpu.region"() ({
        %run_scoped3A_176 = tpu.sem_alloc : memref<!tpu.dma_semaphore, #tpu.memory_space<semaphore_mem>>
        tpu.enqueue_dma source(%arg3 : memref<361x128xf32, #tpu.memory_space<hbm>>) target(%arg7 : memref<361x128xf32, #tpu.memory_space<vmem_shared>>) target_semaphore(%run_scoped3A_176 : memref<!tpu.dma_semaphore, #tpu.memory_space<semaphore_mem>>)
        tpu.wait_dma2 semaphore(%run_scoped3A_176 : memref<!tpu.dma_semaphore, #tpu.memory_space<semaphore_mem>>) src(%arg3 : memref<361x128xf32, #tpu.memory_space<hbm>>) dst(%arg7 : memref<361x128xf32, #tpu.memory_space<vmem_shared>>)
        tpu.yield
      }) : () -> ()
    } else {
    }
    %barrier3A = arith.constant 0 : index
    tpu.barrier barrier_id(%barrier3A)
    %add3A_5 = arith.constant 0 : i32
    %add3A_6 = arith.addi %mul3A_2, %add3A_5 : i32
    %run_scoped3A = arith.constant 0 : i32
    "tpu.region"() ({
      %run_scoped3A_176 = tpu.sem_alloc : memref<!tpu.dma_semaphore, #tpu.memory_space<semaphore_mem>>
      %dma_start3A_177 = arith.constant 0 : i32
      %dma_start3A_178 = tpu.memref_slice %arg5[%run_scoped3A, %dma_start3A_177] : memref<2x2560xi32, #tpu.memory_space<vmem>> -> memref<1x2560xi32, #tpu.memory_space<vmem>>
      %dma_start3A_179 = tpu.memref_squeeze %dma_start3A_178 : memref<1x2560xi32, #tpu.memory_space<vmem>> -> memref<2560xi32, #tpu.memory_space<vmem>>
      %dma_start3A_180 = tpu.memref_slice %arg2[%add3A_6] : memref<819200xi32, #tpu.memory_space<hbm>> -> memref<2560xi32, #tpu.memory_space<hbm>>
      %dma_start3A_181 = arith.constant 0 : i32
      %dma_start3A_182 = tpu.memref_slice %arg5[%run_scoped3A, %dma_start3A_181] : memref<2x2560xi32, #tpu.memory_space<vmem>> -> memref<1x2560xi32, #tpu.memory_space<vmem>>
      %dma_start3A_183 = tpu.memref_squeeze %dma_start3A_182 : memref<1x2560xi32, #tpu.memory_space<vmem>> -> memref<2560xi32, #tpu.memory_space<vmem>>
      %dma_start3A_184 = tpu.memref_slice %arg2[%add3A_6] : memref<819200xi32, #tpu.memory_space<hbm>> -> memref<2560xi32, #tpu.memory_space<hbm>>
      tpu.enqueue_dma source(%dma_start3A_184 : memref<2560xi32, #tpu.memory_space<hbm>>) target(%dma_start3A_183 : memref<2560xi32, #tpu.memory_space<vmem>>) target_semaphore(%run_scoped3A_176 : memref<!tpu.dma_semaphore, #tpu.memory_space<semaphore_mem>>)
      %dma_wait3A_185 = arith.constant 0 : i32
      %dma_wait3A_186 = tpu.memref_slice %arg5[%run_scoped3A, %dma_wait3A_185] : memref<2x2560xi32, #tpu.memory_space<vmem>> -> memref<1x2560xi32, #tpu.memory_space<vmem>>
      %dma_wait3A_187 = tpu.memref_squeeze %dma_wait3A_186 : memref<1x2560xi32, #tpu.memory_space<vmem>> -> memref<2560xi32, #tpu.memory_space<vmem>>
      %dma_wait3A_188 = tpu.memref_slice %arg2[%add3A_6] : memref<819200xi32, #tpu.memory_space<hbm>> -> memref<2560xi32, #tpu.memory_space<hbm>>
      %dma_wait3A_189 = arith.constant 0 : i32
      %dma_wait3A_190 = tpu.memref_slice %arg5[%run_scoped3A, %dma_wait3A_189] : memref<2x2560xi32, #tpu.memory_space<vmem>> -> memref<1x2560xi32, #tpu.memory_space<vmem>>
      %dma_wait3A_191 = tpu.memref_squeeze %dma_wait3A_190 : memref<1x2560xi32, #tpu.memory_space<vmem>> -> memref<2560xi32, #tpu.memory_space<vmem>>
      %dma_wait3A_192 = tpu.memref_slice %arg2[%add3A_6] : memref<819200xi32, #tpu.memory_space<hbm>> -> memref<2560xi32, #tpu.memory_space<hbm>>
      tpu.wait_dma2 semaphore(%run_scoped3A_176 : memref<!tpu.dma_semaphore, #tpu.memory_space<semaphore_mem>>) src(%dma_wait3A_192 : memref<2560xi32, #tpu.memory_space<hbm>>) dst(%dma_wait3A_191 : memref<2560xi32, #tpu.memory_space<vmem>>)
      tpu.yield
    }) : () -> ()
    %scan3A = arith.constant 0 : i32
    %scan3A_7 = arith.constant 0 : i32
    %scan3A_8 = arith.constant 40 : i32
    %scan3A_9 = arith.addi %scan3A_7, %scan3A_8 : i32
    %scan3A_10 = arith.constant 1 : i32
    %scan3A_11 = scf.for %scan3A_176 = %scan3A_7 to %scan3A_9 step %scan3A_10 iter_args(%scan3A_177 = %scan3A) -> (i32)  : i32 {
      %mul3A_178 = arith.constant 64 : i32
      %mul3A_179 = arith.muli %scan3A_176, %mul3A_178 : i32
      %add3A_180 = arith.constant 0 : i32
      %add3A_181 = arith.addi %mul3A_179, %add3A_180 : i32
      %rem3A = arith.constant 0 : i32
      %rem3A_182 = arith.constant 2 : i32
      %rem3A_183 = arith.remsi %rem3A, %rem3A_182 : i32
      %get3A = arith.index_cast %rem3A_183 : i32 to index
      %get3A_184 = arith.index_cast %add3A_181 : i32 to index
      %get3A_185 = tpu.vector_load %arg5[%get3A, %get3A_184] {strides = array<i32>} : memref<2x2560xi32, #tpu.memory_space<vmem>>, vector<1x16xi32>,
      %get3A_186 = vector.shape_cast %get3A_185 : vector<1x16xi32> to vector<16xi32>
      %and3A = arith.constant 65535 : i32
      %and3A_187 = vector.broadcast %and3A : i32 to vector<16xi32>
      %and3A_188 = arith.andi %get3A_186, %and3A_187 : vector<16xi32>
      %shift_right_arithmetic3A = arith.constant 16 : i32
      %shift_right_arithmetic3A_189 = vector.broadcast %shift_right_arithmetic3A : i32 to vector<16xi32>
      %shift_right_arithmetic3A_190 = arith.shrsi %get3A_186, %shift_right_arithmetic3A_189 : vector<16xi32>
      %max3A = arith.constant 0 : i32
      %max3A_191 = vector.broadcast %max3A : i32 to vector<16xi32>
      %max3A_192 = arith.maxsi %and3A_188, %max3A_191 : vector<16xi32>
      %mul3A_193 = arith.constant 19 : i32
      %mul3A_194 = vector.broadcast %mul3A_193 : i32 to vector<16xi32>
      %mul3A_195 = arith.muli %max3A_192, %mul3A_194 : vector<16xi32>
      %max3A_196 = arith.constant 0 : i32
      %max3A_197 = vector.broadcast %max3A_196 : i32 to vector<16xi32>
      %max3A_198 = arith.maxsi %shift_right_arithmetic3A_190, %max3A_197 : vector<16xi32>
      %add3A_199 = arith.addi %mul3A_195, %max3A_198 : vector<16xi32>
      %add3A_200 = arith.constant 0 : i32
      %add3A_201 = arith.addi %add3A_200, %scan3A_176 : i32
      %swap3A = arith.index_cast %add3A_201 : i32 to index
      %swap3A_202 = arith.constant 0 : index
      %swap3A_203 = tpu.vector_load %arg6[%swap3A, %swap3A_202] {strides = array<i32>} : memref<400x64xi32, #tpu.memory_space<vmem>>, vector<1x16xi32>,
      %swap3A_204 = vector.shape_cast %swap3A_203 : vector<1x16xi32> to vector<16xi32>
      %swap3A_205 = vector.shape_cast %add3A_199 : vector<16xi32> to vector<1x16xi32>
      tpu.vector_store %arg6[%swap3A, %swap3A_202], %swap3A_205 {strides = array<i32>} : memref<400x64xi32, #tpu.memory_space<vmem>>, vector<1x16xi32>,
      %mul3A_206 = arith.constant 64 : i32
      %mul3A_207 = arith.muli %scan3A_176, %mul3A_206 : i32
      %add3A_208 = arith.constant 16 : i32
      %add3A_209 = arith.addi %mul3A_207, %add3A_208 : i32
      %rem3A_210 = arith.constant 0 : i32
      %rem3A_211 = arith.constant 2 : i32
      %rem3A_212 = arith.remsi %rem3A_210, %rem3A_211 : i32
      %get3A_213 = arith.index_cast %rem3A_212 : i32 to index
      %get3A_214 = arith.index_cast %add3A_209 : i32 to index
      %get3A_215 = tpu.vector_load %arg5[%get3A_213, %get3A_214] {strides = array<i32>} : memref<2x2560xi32, #tpu.memory_space<vmem>>, vector<1x16xi32>,
      %get3A_216 = vector.shape_cast %get3A_215 : vector<1x16xi32> to vector<16xi32>
      %and3A_217 = arith.constant 65535 : i32
      %and3A_218 = vector.broadcast %and3A_217 : i32 to vector<16xi32>
      %and3A_219 = arith.andi %get3A_216, %and3A_218 : vector<16xi32>
      %shift_right_arithmetic3A_220 = arith.constant 16 : i32
      %shift_right_arithmetic3A_221 = vector.broadcast %shift_right_arithmetic3A_220 : i32 to vector<16xi32>
      %shift_right_arithmetic3A_222 = arith.shrsi %get3A_216, %shift_right_arithmetic3A_221 : vector<16xi32>
      %max3A_223 = arith.constant 0 : i32
      %max3A_224 = vector.broadcast %max3A_223 : i32 to vector<16xi32>
      %max3A_225 = arith.maxsi %and3A_219, %max3A_224 : vector<16xi32>
      %mul3A_226 = arith.constant 19 : i32
      %mul3A_227 = vector.broadcast %mul3A_226 : i32 to vector<16xi32>
      %mul3A_228 = arith.muli %max3A_225, %mul3A_227 : vector<16xi32>
      %max3A_229 = arith.constant 0 : i32
      %max3A_230 = vector.broadcast %max3A_229 : i32 to vector<16xi32>
      %max3A_231 = arith.maxsi %shift_right_arithmetic3A_222, %max3A_230 : vector<16xi32>
      %add3A_232 = arith.addi %mul3A_228, %max3A_231 : vector<16xi32>
      %add3A_233 = arith.constant 0 : i32
      %add3A_234 = arith.addi %add3A_233, %scan3A_176 : i32
      %swap3A_235 = arith.index_cast %add3A_234 : i32 to index
      %swap3A_236 = arith.constant 16 : index
      %swap3A_237 = tpu.vector_load %arg6[%swap3A_235, %swap3A_236] {strides = array<i32>} : memref<400x64xi32, #tpu.memory_space<vmem>>, vector<1x16xi32>,
      %swap3A_238 = vector.shape_cast %swap3A_237 : vector<1x16xi32> to vector<16xi32>
      %swap3A_239 = vector.shape_cast %add3A_232 : vector<16xi32> to vector<1x16xi32>
      tpu.vector_store %arg6[%swap3A_235, %swap3A_236], %swap3A_239 {strides = array<i32>} : memref<400x64xi32, #tpu.memory_space<vmem>>, vector<1x16xi32>,
      %mul3A_240 = arith.constant 64 : i32
      %mul3A_241 = arith.muli %scan3A_176, %mul3A_240 : i32
      %add3A_242 = arith.constant 32 : i32
      %add3A_243 = arith.addi %mul3A_241, %add3A_242 : i32
      %rem3A_244 = arith.constant 0 : i32
      %rem3A_245 = arith.constant 2 : i32
      %rem3A_246 = arith.remsi %rem3A_244, %rem3A_245 : i32
      %get3A_247 = arith.index_cast %rem3A_246 : i32 to index
      %get3A_248 = arith.index_cast %add3A_243 : i32 to index
      %get3A_249 = tpu.vector_load %arg5[%get3A_247, %get3A_248] {strides = array<i32>} : memref<2x2560xi32, #tpu.memory_space<vmem>>, vector<1x16xi32>,
      %get3A_250 = vector.shape_cast %get3A_249 : vector<1x16xi32> to vector<16xi32>
      %and3A_251 = arith.constant 65535 : i32
      %and3A_252 = vector.broadcast %and3A_251 : i32 to vector<16xi32>
      %and3A_253 = arith.andi %get3A_250, %and3A_252 : vector<16xi32>
      %shift_right_arithmetic3A_254 = arith.constant 16 : i32
      %shift_right_arithmetic3A_255 = vector.broadcast %shift_right_arithmetic3A_254 : i32 to vector<16xi32>
      %shift_right_arithmetic3A_256 = arith.shrsi %get3A_250, %shift_right_arithmetic3A_255 : vector<16xi32>
      %max3A_257 = arith.constant 0 : i32
      %max3A_258 = vector.broadcast %max3A_257 : i32 to vector<16xi32>
      %max3A_259 = arith.maxsi %and3A_253, %max3A_258 : vector<16xi32>
      %mul3A_260 = arith.constant 19 : i32
      %mul3A_261 = vector.broadcast %mul3A_260 : i32 to vector<16xi32>
      %mul3A_262 = arith.muli %max3A_259, %mul3A_261 : vector<16xi32>
      %max3A_263 = arith.constant 0 : i32
      %max3A_264 = vector.broadcast %max3A_263 : i32 to vector<16xi32>
      %max3A_265 = arith.maxsi %shift_right_arithmetic3A_256, %max3A_264 : vector<16xi32>
      %add3A_266 = arith.addi %mul3A_262, %max3A_265 : vector<16xi32>
      %add3A_267 = arith.constant 0 : i32
      %add3A_268 = arith.addi %add3A_267, %scan3A_176 : i32
      %swap3A_269 = arith.index_cast %add3A_268 : i32 to index
      %swap3A_270 = arith.constant 32 : index
      %swap3A_271 = tpu.vector_load %arg6[%swap3A_269, %swap3A_270] {strides = array<i32>} : memref<400x64xi32, #tpu.memory_space<vmem>>, vector<1x16xi32>,
      %swap3A_272 = vector.shape_cast %swap3A_271 : vector<1x16xi32> to vector<16xi32>
      %swap3A_273 = vector.shape_cast %add3A_266 : vector<16xi32> to vector<1x16xi32>
      tpu.vector_store %arg6[%swap3A_269, %swap3A_270], %swap3A_273 {strides = array<i32>} : memref<400x64xi32, #tpu.memory_space<vmem>>, vector<1x16xi32>,
      %mul3A_274 = arith.constant 64 : i32
      %mul3A_275 = arith.muli %scan3A_176, %mul3A_274 : i32
      %add3A_276 = arith.constant 48 : i32
      %add3A_277 = arith.addi %mul3A_275, %add3A_276 : i32
      %rem3A_278 = arith.constant 0 : i32
      %rem3A_279 = arith.constant 2 : i32
      %rem3A_280 = arith.remsi %rem3A_278, %rem3A_279 : i32
      %get3A_281 = arith.index_cast %rem3A_280 : i32 to index
      %get3A_282 = arith.index_cast %add3A_277 : i32 to index
      %get3A_283 = tpu.vector_load %arg5[%get3A_281, %get3A_282] {strides = array<i32>} : memref<2x2560xi32, #tpu.memory_space<vmem>>, vector<1x16xi32>,
      %get3A_284 = vector.shape_cast %get3A_283 : vector<1x16xi32> to vector<16xi32>
      %and3A_285 = arith.constant 65535 : i32
      %and3A_286 = vector.broadcast %and3A_285 : i32 to vector<16xi32>
      %and3A_287 = arith.andi %get3A_284, %and3A_286 : vector<16xi32>
      %shift_right_arithmetic3A_288 = arith.constant 16 : i32
      %shift_right_arithmetic3A_289 = vector.broadcast %shift_right_arithmetic3A_288 : i32 to vector<16xi32>
      %shift_right_arithmetic3A_290 = arith.shrsi %get3A_284, %shift_right_arithmetic3A_289 : vector<16xi32>
      %max3A_291 = arith.constant 0 : i32
      %max3A_292 = vector.broadcast %max3A_291 : i32 to vector<16xi32>
      %max3A_293 = arith.maxsi %and3A_287, %max3A_292 : vector<16xi32>
      %mul3A_294 = arith.constant 19 : i32
      %mul3A_295 = vector.broadcast %mul3A_294 : i32 to vector<16xi32>
      %mul3A_296 = arith.muli %max3A_293, %mul3A_295 : vector<16xi32>
      %max3A_297 = arith.constant 0 : i32
      %max3A_298 = vector.broadcast %max3A_297 : i32 to vector<16xi32>
      %max3A_299 = arith.maxsi %shift_right_arithmetic3A_290, %max3A_298 : vector<16xi32>
      %add3A_300 = arith.addi %mul3A_296, %max3A_299 : vector<16xi32>
      %add3A_301 = arith.constant 0 : i32
      %add3A_302 = arith.addi %add3A_301, %scan3A_176 : i32
      %swap3A_303 = arith.index_cast %add3A_302 : i32 to index
      %swap3A_304 = arith.constant 48 : index
      %swap3A_305 = tpu.vector_load %arg6[%swap3A_303, %swap3A_304] {strides = array<i32>} : memref<400x64xi32, #tpu.memory_space<vmem>>, vector<1x16xi32>,
      %swap3A_306 = vector.shape_cast %swap3A_305 : vector<1x16xi32> to vector<16xi32>
      %swap3A_307 = vector.shape_cast %add3A_300 : vector<16xi32> to vector<1x16xi32>
      tpu.vector_store %arg6[%swap3A_303, %swap3A_304], %swap3A_307 {strides = array<i32>} : memref<400x64xi32, #tpu.memory_space<vmem>>, vector<1x16xi32>,
      %scan3A_308 = arith.constant 0 : i32
      scf.yield %scan3A_308 : i32
    }
    %scan3A_12 = arith.constant 40 : i32
    %add3A_13 = arith.constant 2560 : i32
    %add3A_14 = arith.addi %mul3A_2, %add3A_13 : i32
    %dma_start3A = arith.constant 1 : i32
    %dma_start3A_15 = arith.constant 0 : i32
    %dma_start3A_16 = arith.constant 0 : i32
    %dma_start3A_17 = tpu.memref_slice %arg5[%dma_start3A, %dma_start3A_16] : memref<2x2560xi32, #tpu.memory_space<vmem>> -> memref<1x2560xi32, #tpu.memory_space<vmem>>
    %dma_start3A_18 = tpu.memref_squeeze %dma_start3A_17 : memref<1x2560xi32, #tpu.memory_space<vmem>> -> memref<2560xi32, #tpu.memory_space<vmem>>
    %dma_start3A_19 = tpu.memref_slice %arg2[%add3A_14] : memref<819200xi32, #tpu.memory_space<hbm>> -> memref<2560xi32, #tpu.memory_space<hbm>>
    %dma_start3A_20 = tpu.memref_slice %arg11[%dma_start3A_15] : memref<1x!tpu.dma_semaphore, #tpu.memory_space<semaphore_mem>> -> memref<1x!tpu.dma_semaphore, #tpu.memory_space<semaphore_mem>>
    %dma_start3A_21 = tpu.memref_squeeze %dma_start3A_20 : memref<1x!tpu.dma_semaphore, #tpu.memory_space<semaphore_mem>> -> memref<!tpu.dma_semaphore, #tpu.memory_space<semaphore_mem>>
    %dma_start3A_22 = arith.constant 0 : i32
    %dma_start3A_23 = tpu.memref_slice %arg5[%dma_start3A, %dma_start3A_22] : memref<2x2560xi32, #tpu.memory_space<vmem>> -> memref<1x2560xi32, #tpu.memory_space<vmem>>
    %dma_start3A_24 = tpu.memref_squeeze %dma_start3A_23 : memref<1x2560xi32, #tpu.memory_space<vmem>> -> memref<2560xi32, #tpu.memory_space<vmem>>
    %dma_start3A_25 = tpu.memref_slice %arg2[%add3A_14] : memref<819200xi32, #tpu.memory_space<hbm>> -> memref<2560xi32, #tpu.memory_space<hbm>>
    tpu.enqueue_dma source(%dma_start3A_25 : memref<2560xi32, #tpu.memory_space<hbm>>) target(%dma_start3A_24 : memref<2560xi32, #tpu.memory_space<vmem>>) target_semaphore(%dma_start3A_21 : memref<!tpu.dma_semaphore, #tpu.memory_space<semaphore_mem>>)
    %scan3A_26 = arith.constant 0 : i32
    %scan3A_27 = arith.constant 0 : i32
    %scan3A_28 = arith.constant 10 : i32
    %scan3A_29 = arith.addi %scan3A_27, %scan3A_28 : i32
    %scan3A_30 = arith.constant 1 : i32
    %scan3A_31 = scf.for %scan3A_176 = %scan3A_27 to %scan3A_29 step %scan3A_30 iter_args(%scan3A_177 = %scan3A_26) -> (i32)  : i32 {
      %scan3A_178 = arith.constant 0 : i32
      %scan3A_179 = arith.constant 0 : i32
      %scan3A_180 = arith.constant 5 : i32
      %scan3A_181 = arith.addi %scan3A_179, %scan3A_180 : i32
      %scan3A_182 = arith.constant 1 : i32
      %scan3A_183 = scf.for %scan3A_186 = %scan3A_179 to %scan3A_181 step %scan3A_182 iter_args(%scan3A_187 = %scan3A_178) -> (i32)  : i32 {
        %mul3A_188 = arith.constant 5 : i32
        %mul3A_189 = arith.muli %scan3A_176, %mul3A_188 : i32
        %add3A_190 = arith.addi %mul3A_189, %scan3A_186 : i32
        %mul3A_191 = arith.constant 8 : i32
        %mul3A_192 = arith.muli %add3A_190, %mul3A_191 : i32
        %add3A_193 = arith.constant 0 : i32
        %add3A_194 = arith.addi %mul3A_192, %add3A_193 : i32
        %gt3A = arith.constant 0 : i32
        %gt3A_195 = arith.cmpi sgt, %add3A_190, %gt3A : i32
        %convert_element_type3A_196 = arith.extui %gt3A_195 : i1 to i32
        %cond3A_197 = arith.constant 0 : i32
        %cond3A_198 = arith.cmpi ne, %convert_element_type3A_196, %cond3A_197 : i32
        scf.if %cond3A_198 {
          %sub3A = arith.constant 8 : i32
          %sub3A_682 = arith.subi %add3A_194, %sub3A : i32
          %mul3A_683 = arith.constant 64 : i32
          %mul3A_684 = arith.muli %sub3A_682, %mul3A_683 : i32
          %add3A_685 = arith.addi %mul3A_2, %mul3A_684 : i32
          %dma_wait3A_686 = arith.constant 0 : i32
          %dma_wait3A_687 = arith.constant 0 : i32
          %dma_wait3A_688 = arith.constant 0 : i32
          %dma_wait3A_689 = arith.constant 0 : i32
          %dma_wait3A_690 = tpu.memref_slice %arg8[%dma_wait3A_686, %dma_wait3A_688, %dma_wait3A_689] : memref<8x64x128xf32, #tpu.memory_space<vmem>> -> memref<1x64x128xf32, #tpu.memory_space<vmem>>
          %dma_wait3A_691 = tpu.memref_squeeze %dma_wait3A_690 : memref<1x64x128xf32, #tpu.memory_space<vmem>> -> memref<64x128xf32, #tpu.memory_space<vmem>>
          %dma_wait3A_692 = arith.constant 0 : i32
          %dma_wait3A_693 = tpu.memref_slice %arg4[%add3A_685, %dma_wait3A_692] : memref<819200x128xf32, #tpu.memory_space<hbm>> -> memref<64x128xf32, #tpu.memory_space<hbm>>
          %dma_wait3A_694 = tpu.memref_slice %arg10[%dma_wait3A_687] : memref<8x!tpu.dma_semaphore, #tpu.memory_space<semaphore_mem>> -> memref<1x!tpu.dma_semaphore, #tpu.memory_space<semaphore_mem>>
          %dma_wait3A_695 = tpu.memref_squeeze %dma_wait3A_694 : memref<1x!tpu.dma_semaphore, #tpu.memory_space<semaphore_mem>> -> memref<!tpu.dma_semaphore, #tpu.memory_space<semaphore_mem>>
          %dma_wait3A_696 = arith.constant 0 : i32
          %dma_wait3A_697 = tpu.memref_slice %arg4[%add3A_685, %dma_wait3A_696] : memref<819200x128xf32, #tpu.memory_space<hbm>> -> memref<64x128xf32, #tpu.memory_space<hbm>>
          %dma_wait3A_698 = arith.constant 0 : i32
          %dma_wait3A_699 = arith.constant 0 : i32
          %dma_wait3A_700 = tpu.memref_slice %arg8[%dma_wait3A_686, %dma_wait3A_698, %dma_wait3A_699] : memref<8x64x128xf32, #tpu.memory_space<vmem>> -> memref<1x64x128xf32, #tpu.memory_space<vmem>>
          %dma_wait3A_701 = tpu.memref_squeeze %dma_wait3A_700 : memref<1x64x128xf32, #tpu.memory_space<vmem>> -> memref<64x128xf32, #tpu.memory_space<vmem>>
          tpu.wait_dma2 semaphore(%dma_wait3A_695 : memref<!tpu.dma_semaphore, #tpu.memory_space<semaphore_mem>>) src(%dma_wait3A_701 : memref<64x128xf32, #tpu.memory_space<vmem>>) dst(%dma_wait3A_697 : memref<64x128xf32, #tpu.memory_space<hbm>>)
        } else {
        }
        %dma_start3A_199 = arith.constant 0 : i32
        %dma_start3A_200 = arith.constant 0 : i32
        %dma_start3A_201 = arith.constant 0 : i32
        %dma_start3A_202 = arith.constant 0 : i32
        %dma_start3A_203 = tpu.memref_slice %arg8[%dma_start3A_199, %dma_start3A_201, %dma_start3A_202] : memref<8x64x128xf32, #tpu.memory_space<vmem>> -> memref<1x64x128xf32, #tpu.memory_space<vmem>>
        %dma_start3A_204 = tpu.memref_squeeze %dma_start3A_203 : memref<1x64x128xf32, #tpu.memory_space<vmem>> -> memref<64x128xf32, #tpu.memory_space<vmem>>
        %dma_start3A_205 = arith.constant 0 : i32
        %dma_start3A_206 = tpu.memref_slice %arg6[%add3A_194, %dma_start3A_205] : memref<400x64xi32, #tpu.memory_space<vmem>> -> memref<1x64xi32, #tpu.memory_space<vmem>>
        %dma_start3A_207 = tpu.memref_squeeze %dma_start3A_206 : memref<1x64xi32, #tpu.memory_space<vmem>> -> memref<64xi32, #tpu.memory_space<vmem>>
        %dma_start3A_208 = arith.constant 0 : i32
        %dma_start3A_209 = arith.constant 0 : i32
        %dma_start3A_210 = tpu.memref_slice %arg7[%dma_start3A_208, %dma_start3A_209] : memref<361x128xf32, #tpu.memory_space<vmem_shared>> -> memref<361x128xf32, #tpu.memory_space<vmem_shared>>
        %dma_start3A_211 = tpu.memref_slice %arg9[%dma_start3A_200] : memref<8x!tpu.dma_semaphore, #tpu.memory_space<semaphore_mem>> -> memref<1x!tpu.dma_semaphore, #tpu.memory_space<semaphore_mem>>
        %dma_start3A_212 = tpu.memref_squeeze %dma_start3A_211 : memref<1x!tpu.dma_semaphore, #tpu.memory_space<semaphore_mem>> -> memref<!tpu.dma_semaphore, #tpu.memory_space<semaphore_mem>>
        tpu.enqueue_indirect_dma source(%dma_start3A_210 : memref<361x128xf32, #tpu.memory_space<vmem_shared>>) target(%dma_start3A_204 : memref<64x128xf32, #tpu.memory_space<vmem>>) offsets(%dma_start3A_207 : memref<64xi32, #tpu.memory_space<vmem>>) semaphore(%dma_start3A_212 : memref<!tpu.dma_semaphore, #tpu.memory_space<semaphore_mem>>)
        %mul3A_213 = arith.constant 8 : i32
        %mul3A_214 = arith.muli %add3A_190, %mul3A_213 : i32
        %add3A_215 = arith.constant 1 : i32
        %add3A_216 = arith.addi %mul3A_214, %add3A_215 : i32
        %gt3A_217 = arith.constant 0 : i32
        %gt3A_218 = arith.cmpi sgt, %add3A_190, %gt3A_217 : i32
        %convert_element_type3A_219 = arith.extui %gt3A_218 : i1 to i32
        %cond3A_220 = arith.constant 0 : i32
        %cond3A_221 = arith.cmpi ne, %convert_element_type3A_219, %cond3A_220 : i32
        scf.if %cond3A_221 {
          %sub3A = arith.constant 8 : i32
          %sub3A_682 = arith.subi %add3A_216, %sub3A : i32
          %mul3A_683 = arith.constant 64 : i32
          %mul3A_684 = arith.muli %sub3A_682, %mul3A_683 : i32
          %add3A_685 = arith.addi %mul3A_2, %mul3A_684 : i32
          %dma_wait3A_686 = arith.constant 1 : i32
          %dma_wait3A_687 = arith.constant 1 : i32
          %dma_wait3A_688 = arith.constant 0 : i32
          %dma_wait3A_689 = arith.constant 0 : i32
          %dma_wait3A_690 = tpu.memref_slice %arg8[%dma_wait3A_686, %dma_wait3A_688, %dma_wait3A_689] : memref<8x64x128xf32, #tpu.memory_space<vmem>> -> memref<1x64x128xf32, #tpu.memory_space<vmem>>
          %dma_wait3A_691 = tpu.memref_squeeze %dma_wait3A_690 : memref<1x64x128xf32, #tpu.memory_space<vmem>> -> memref<64x128xf32, #tpu.memory_space<vmem>>
          %dma_wait3A_692 = arith.constant 0 : i32
          %dma_wait3A_693 = tpu.memref_slice %arg4[%add3A_685, %dma_wait3A_692] : memref<819200x128xf32, #tpu.memory_space<hbm>> -> memref<64x128xf32, #tpu.memory_space<hbm>>
          %dma_wait3A_694 = tpu.memref_slice %arg10[%dma_wait3A_687] : memref<8x!tpu.dma_semaphore, #tpu.memory_space<semaphore_mem>> -> memref<1x!tpu.dma_semaphore, #tpu.memory_space<semaphore_mem>>
          %dma_wait3A_695 = tpu.memref_squeeze %dma_wait3A_694 : memref<1x!tpu.dma_semaphore, #tpu.memory_space<semaphore_mem>> -> memref<!tpu.dma_semaphore, #tpu.memory_space<semaphore_mem>>
          %dma_wait3A_696 = arith.constant 0 : i32
          %dma_wait3A_697 = tpu.memref_slice %arg4[%add3A_685, %dma_wait3A_696] : memref<819200x128xf32, #tpu.memory_space<hbm>> -> memref<64x128xf32, #tpu.memory_space<hbm>>
          %dma_wait3A_698 = arith.constant 0 : i32
          %dma_wait3A_699 = arith.constant 0 : i32
          %dma_wait3A_700 = tpu.memref_slice %arg8[%dma_wait3A_686, %dma_wait3A_698, %dma_wait3A_699] : memref<8x64x128xf32, #tpu.memory_space<vmem>> -> memref<1x64x128xf32, #tpu.memory_space<vmem>>
          %dma_wait3A_701 = tpu.memref_squeeze %dma_wait3A_700 : memref<1x64x128xf32, #tpu.memory_space<vmem>> -> memref<64x128xf32, #tpu.memory_space<vmem>>
          tpu.wait_dma2 semaphore(%dma_wait3A_695 : memref<!tpu.dma_semaphore, #tpu.memory_space<semaphore_mem>>) src(%dma_wait3A_701 : memref<64x128xf32, #tpu.memory_space<vmem>>) dst(%dma_wait3A_697 : memref<64x128xf32, #tpu.memory_space<hbm>>)
        } else {
        }
        %dma_start3A_222 = arith.constant 1 : i32
        %dma_start3A_223 = arith.constant 1 : i32
        %dma_start3A_224 = arith.constant 0 : i32
        %dma_start3A_225 = arith.constant 0 : i32
        %dma_start3A_226 = tpu.memref_slice %arg8[%dma_start3A_222, %dma_start3A_224, %dma_start3A_225] : memref<8x64x128xf32, #tpu.memory_space<vmem>> -> memref<1x64x128xf32, #tpu.memory_space<vmem>>
        %dma_start3A_227 = tpu.memref_squeeze %dma_start3A_226 : memref<1x64x128xf32, #tpu.memory_space<vmem>> -> memref<64x128xf32, #tpu.memory_space<vmem>>
        %dma_start3A_228 = arith.constant 0 : i32
        %dma_start3A_229 = tpu.memref_slice %arg6[%add3A_216, %dma_start3A_228] : memref<400x64xi32, #tpu.memory_space<vmem>> -> memref<1x64xi32, #tpu.memory_space<vmem>>
        %dma_start3A_230 = tpu.memref_squeeze %dma_start3A_229 : memref<1x64xi32, #tpu.memory_space<vmem>> -> memref<64xi32, #tpu.memory_space<vmem>>
        %dma_start3A_231 = arith.constant 0 : i32
        %dma_start3A_232 = arith.constant 0 : i32
        %dma_start3A_233 = tpu.memref_slice %arg7[%dma_start3A_231, %dma_start3A_232] : memref<361x128xf32, #tpu.memory_space<vmem_shared>> -> memref<361x128xf32, #tpu.memory_space<vmem_shared>>
        %dma_start3A_234 = tpu.memref_slice %arg9[%dma_start3A_223] : memref<8x!tpu.dma_semaphore, #tpu.memory_space<semaphore_mem>> -> memref<1x!tpu.dma_semaphore, #tpu.memory_space<semaphore_mem>>
        %dma_start3A_235 = tpu.memref_squeeze %dma_start3A_234 : memref<1x!tpu.dma_semaphore, #tpu.memory_space<semaphore_mem>> -> memref<!tpu.dma_semaphore, #tpu.memory_space<semaphore_mem>>
        tpu.enqueue_indirect_dma source(%dma_start3A_233 : memref<361x128xf32, #tpu.memory_space<vmem_shared>>) target(%dma_start3A_227 : memref<64x128xf32, #tpu.memory_space<vmem>>) offsets(%dma_start3A_230 : memref<64xi32, #tpu.memory_space<vmem>>) semaphore(%dma_start3A_235 : memref<!tpu.dma_semaphore, #tpu.memory_space<semaphore_mem>>)
        %mul3A_236 = arith.constant 8 : i32
        %mul3A_237 = arith.muli %add3A_190, %mul3A_236 : i32
        %add3A_238 = arith.constant 2 : i32
        %add3A_239 = arith.addi %mul3A_237, %add3A_238 : i32
        %gt3A_240 = arith.constant 0 : i32
        %gt3A_241 = arith.cmpi sgt, %add3A_190, %gt3A_240 : i32
        %convert_element_type3A_242 = arith.extui %gt3A_241 : i1 to i32
        %cond3A_243 = arith.constant 0 : i32
        %cond3A_244 = arith.cmpi ne, %convert_element_type3A_242, %cond3A_243 : i32
        scf.if %cond3A_244 {
          %sub3A = arith.constant 8 : i32
          %sub3A_682 = arith.subi %add3A_239, %sub3A : i32
          %mul3A_683 = arith.constant 64 : i32
          %mul3A_684 = arith.muli %sub3A_682, %mul3A_683 : i32
          %add3A_685 = arith.addi %mul3A_2, %mul3A_684 : i32
          %dma_wait3A_686 = arith.constant 2 : i32
          %dma_wait3A_687 = arith.constant 2 : i32
          %dma_wait3A_688 = arith.constant 0 : i32
          %dma_wait3A_689 = arith.constant 0 : i32
          %dma_wait3A_690 = tpu.memref_slice %arg8[%dma_wait3A_686, %dma_wait3A_688, %dma_wait3A_689] : memref<8x64x128xf32, #tpu.memory_space<vmem>> -> memref<1x64x128xf32, #tpu.memory_space<vmem>>
          %dma_wait3A_691 = tpu.memref_squeeze %dma_wait3A_690 : memref<1x64x128xf32, #tpu.memory_space<vmem>> -> memref<64x128xf32, #tpu.memory_space<vmem>>
          %dma_wait3A_692 = arith.constant 0 : i32
          %dma_wait3A_693 = tpu.memref_slice %arg4[%add3A_685, %dma_wait3A_692] : memref<819200x128xf32, #tpu.memory_space<hbm>> -> memref<64x128xf32, #tpu.memory_space<hbm>>
          %dma_wait3A_694 = tpu.memref_slice %arg10[%dma_wait3A_687] : memref<8x!tpu.dma_semaphore, #tpu.memory_space<semaphore_mem>> -> memref<1x!tpu.dma_semaphore, #tpu.memory_space<semaphore_mem>>
          %dma_wait3A_695 = tpu.memref_squeeze %dma_wait3A_694 : memref<1x!tpu.dma_semaphore, #tpu.memory_space<semaphore_mem>> -> memref<!tpu.dma_semaphore, #tpu.memory_space<semaphore_mem>>
          %dma_wait3A_696 = arith.constant 0 : i32
          %dma_wait3A_697 = tpu.memref_slice %arg4[%add3A_685, %dma_wait3A_696] : memref<819200x128xf32, #tpu.memory_space<hbm>> -> memref<64x128xf32, #tpu.memory_space<hbm>>
          %dma_wait3A_698 = arith.constant 0 : i32
          %dma_wait3A_699 = arith.constant 0 : i32
          %dma_wait3A_700 = tpu.memref_slice %arg8[%dma_wait3A_686, %dma_wait3A_698, %dma_wait3A_699] : memref<8x64x128xf32, #tpu.memory_space<vmem>> -> memref<1x64x128xf32, #tpu.memory_space<vmem>>
          %dma_wait3A_701 = tpu.memref_squeeze %dma_wait3A_700 : memref<1x64x128xf32, #tpu.memory_space<vmem>> -> memref<64x128xf32, #tpu.memory_space<vmem>>
          tpu.wait_dma2 semaphore(%dma_wait3A_695 : memref<!tpu.dma_semaphore, #tpu.memory_space<semaphore_mem>>) src(%dma_wait3A_701 : memref<64x128xf32, #tpu.memory_space<vmem>>) dst(%dma_wait3A_697 : memref<64x128xf32, #tpu.memory_space<hbm>>)
        } else {
        }
        %dma_start3A_245 = arith.constant 2 : i32
        %dma_start3A_246 = arith.constant 2 : i32
        %dma_start3A_247 = arith.constant 0 : i32
        %dma_start3A_248 = arith.constant 0 : i32
        %dma_start3A_249 = tpu.memref_slice %arg8[%dma_start3A_245, %dma_start3A_247, %dma_start3A_248] : memref<8x64x128xf32, #tpu.memory_space<vmem>> -> memref<1x64x128xf32, #tpu.memory_space<vmem>>
        %dma_start3A_250 = tpu.memref_squeeze %dma_start3A_249 : memref<1x64x128xf32, #tpu.memory_space<vmem>> -> memref<64x128xf32, #tpu.memory_space<vmem>>
        %dma_start3A_251 = arith.constant 0 : i32
        %dma_start3A_252 = tpu.memref_slice %arg6[%add3A_239, %dma_start3A_251] : memref<400x64xi32, #tpu.memory_space<vmem>> -> memref<1x64xi32, #tpu.memory_space<vmem>>
        %dma_start3A_253 = tpu.memref_squeeze %dma_start3A_252 : memref<1x64xi32, #tpu.memory_space<vmem>> -> memref<64xi32, #tpu.memory_space<vmem>>
        %dma_start3A_254 = arith.constant 0 : i32
        %dma_start3A_255 = arith.constant 0 : i32
        %dma_start3A_256 = tpu.memref_slice %arg7[%dma_start3A_254, %dma_start3A_255] : memref<361x128xf32, #tpu.memory_space<vmem_shared>> -> memref<361x128xf32, #tpu.memory_space<vmem_shared>>
        %dma_start3A_257 = tpu.memref_slice %arg9[%dma_start3A_246] : memref<8x!tpu.dma_semaphore, #tpu.memory_space<semaphore_mem>> -> memref<1x!tpu.dma_semaphore, #tpu.memory_space<semaphore_mem>>
        %dma_start3A_258 = tpu.memref_squeeze %dma_start3A_257 : memref<1x!tpu.dma_semaphore, #tpu.memory_space<semaphore_mem>> -> memref<!tpu.dma_semaphore, #tpu.memory_space<semaphore_mem>>
        tpu.enqueue_indirect_dma source(%dma_start3A_256 : memref<361x128xf32, #tpu.memory_space<vmem_shared>>) target(%dma_start3A_250 : memref<64x128xf32, #tpu.memory_space<vmem>>) offsets(%dma_start3A_253 : memref<64xi32, #tpu.memory_space<vmem>>) semaphore(%dma_start3A_258 : memref<!tpu.dma_semaphore, #tpu.memory_space<semaphore_mem>>)
        %mul3A_259 = arith.constant 8 : i32
        %mul3A_260 = arith.muli %add3A_190, %mul3A_259 : i32
        %add3A_261 = arith.constant 3 : i32
        %add3A_262 = arith.addi %mul3A_260, %add3A_261 : i32
        %gt3A_263 = arith.constant 0 : i32
        %gt3A_264 = arith.cmpi sgt, %add3A_190, %gt3A_263 : i32
        %convert_element_type3A_265 = arith.extui %gt3A_264 : i1 to i32
        %cond3A_266 = arith.constant 0 : i32
        %cond3A_267 = arith.cmpi ne, %convert_element_type3A_265, %cond3A_266 : i32
        scf.if %cond3A_267 {
          %sub3A = arith.constant 8 : i32
          %sub3A_682 = arith.subi %add3A_262, %sub3A : i32
          %mul3A_683 = arith.constant 64 : i32
          %mul3A_684 = arith.muli %sub3A_682, %mul3A_683 : i32
          %add3A_685 = arith.addi %mul3A_2, %mul3A_684 : i32
          %dma_wait3A_686 = arith.constant 3 : i32
          %dma_wait3A_687 = arith.constant 3 : i32
          %dma_wait3A_688 = arith.constant 0 : i32
          %dma_wait3A_689 = arith.constant 0 : i32
          %dma_wait3A_690 = tpu.memref_slice %arg8[%dma_wait3A_686, %dma_wait3A_688, %dma_wait3A_689] : memref<8x64x128xf32, #tpu.memory_space<vmem>> -> memref<1x64x128xf32, #tpu.memory_space<vmem>>
          %dma_wait3A_691 = tpu.memref_squeeze %dma_wait3A_690 : memref<1x64x128xf32, #tpu.memory_space<vmem>> -> memref<64x128xf32, #tpu.memory_space<vmem>>
          %dma_wait3A_692 = arith.constant 0 : i32
          %dma_wait3A_693 = tpu.memref_slice %arg4[%add3A_685, %dma_wait3A_692] : memref<819200x128xf32, #tpu.memory_space<hbm>> -> memref<64x128xf32, #tpu.memory_space<hbm>>
          %dma_wait3A_694 = tpu.memref_slice %arg10[%dma_wait3A_687] : memref<8x!tpu.dma_semaphore, #tpu.memory_space<semaphore_mem>> -> memref<1x!tpu.dma_semaphore, #tpu.memory_space<semaphore_mem>>
          %dma_wait3A_695 = tpu.memref_squeeze %dma_wait3A_694 : memref<1x!tpu.dma_semaphore, #tpu.memory_space<semaphore_mem>> -> memref<!tpu.dma_semaphore, #tpu.memory_space<semaphore_mem>>
          %dma_wait3A_696 = arith.constant 0 : i32
          %dma_wait3A_697 = tpu.memref_slice %arg4[%add3A_685, %dma_wait3A_696] : memref<819200x128xf32, #tpu.memory_space<hbm>> -> memref<64x128xf32, #tpu.memory_space<hbm>>
          %dma_wait3A_698 = arith.constant 0 : i32
          %dma_wait3A_699 = arith.constant 0 : i32
          %dma_wait3A_700 = tpu.memref_slice %arg8[%dma_wait3A_686, %dma_wait3A_698, %dma_wait3A_699] : memref<8x64x128xf32, #tpu.memory_space<vmem>> -> memref<1x64x128xf32, #tpu.memory_space<vmem>>
          %dma_wait3A_701 = tpu.memref_squeeze %dma_wait3A_700 : memref<1x64x128xf32, #tpu.memory_space<vmem>> -> memref<64x128xf32, #tpu.memory_space<vmem>>
          tpu.wait_dma2 semaphore(%dma_wait3A_695 : memref<!tpu.dma_semaphore, #tpu.memory_space<semaphore_mem>>) src(%dma_wait3A_701 : memref<64x128xf32, #tpu.memory_space<vmem>>) dst(%dma_wait3A_697 : memref<64x128xf32, #tpu.memory_space<hbm>>)
        } else {
        }
        %dma_start3A_268 = arith.constant 3 : i32
        %dma_start3A_269 = arith.constant 3 : i32
        %dma_start3A_270 = arith.constant 0 : i32
        %dma_start3A_271 = arith.constant 0 : i32
        %dma_start3A_272 = tpu.memref_slice %arg8[%dma_start3A_268, %dma_start3A_270, %dma_start3A_271] : memref<8x64x128xf32, #tpu.memory_space<vmem>> -> memref<1x64x128xf32, #tpu.memory_space<vmem>>
        %dma_start3A_273 = tpu.memref_squeeze %dma_start3A_272 : memref<1x64x128xf32, #tpu.memory_space<vmem>> -> memref<64x128xf32, #tpu.memory_space<vmem>>
        %dma_start3A_274 = arith.constant 0 : i32
        %dma_start3A_275 = tpu.memref_slice %arg6[%add3A_262, %dma_start3A_274] : memref<400x64xi32, #tpu.memory_space<vmem>> -> memref<1x64xi32, #tpu.memory_space<vmem>>
        %dma_start3A_276 = tpu.memref_squeeze %dma_start3A_275 : memref<1x64xi32, #tpu.memory_space<vmem>> -> memref<64xi32, #tpu.memory_space<vmem>>
        %dma_start3A_277 = arith.constant 0 : i32
        %dma_start3A_278 = arith.constant 0 : i32
        %dma_start3A_279 = tpu.memref_slice %arg7[%dma_start3A_277, %dma_start3A_278] : memref<361x128xf32, #tpu.memory_space<vmem_shared>> -> memref<361x128xf32, #tpu.memory_space<vmem_shared>>
        %dma_start3A_280 = tpu.memref_slice %arg9[%dma_start3A_269] : memref<8x!tpu.dma_semaphore, #tpu.memory_space<semaphore_mem>> -> memref<1x!tpu.dma_semaphore, #tpu.memory_space<semaphore_mem>>
        %dma_start3A_281 = tpu.memref_squeeze %dma_start3A_280 : memref<1x!tpu.dma_semaphore, #tpu.memory_space<semaphore_mem>> -> memref<!tpu.dma_semaphore, #tpu.memory_space<semaphore_mem>>
        tpu.enqueue_indirect_dma source(%dma_start3A_279 : memref<361x128xf32, #tpu.memory_space<vmem_shared>>) target(%dma_start3A_273 : memref<64x128xf32, #tpu.memory_space<vmem>>) offsets(%dma_start3A_276 : memref<64xi32, #tpu.memory_space<vmem>>) semaphore(%dma_start3A_281 : memref<!tpu.dma_semaphore, #tpu.memory_space<semaphore_mem>>)
        %mul3A_282 = arith.constant 8 : i32
        %mul3A_283 = arith.muli %add3A_190, %mul3A_282 : i32
        %add3A_284 = arith.constant 4 : i32
        %add3A_285 = arith.addi %mul3A_283, %add3A_284 : i32
        %gt3A_286 = arith.constant 0 : i32
        %gt3A_287 = arith.cmpi sgt, %add3A_190, %gt3A_286 : i32
        %convert_element_type3A_288 = arith.extui %gt3A_287 : i1 to i32
        %cond3A_289 = arith.constant 0 : i32
        %cond3A_290 = arith.cmpi ne, %convert_element_type3A_288, %cond3A_289 : i32
        scf.if %cond3A_290 {
          %sub3A = arith.constant 8 : i32
          %sub3A_682 = arith.subi %add3A_285, %sub3A : i32
          %mul3A_683 = arith.constant 64 : i32
          %mul3A_684 = arith.muli %sub3A_682, %mul3A_683 : i32
          %add3A_685 = arith.addi %mul3A_2, %mul3A_684 : i32
          %dma_wait3A_686 = arith.constant 4 : i32
          %dma_wait3A_687 = arith.constant 4 : i32
          %dma_wait3A_688 = arith.constant 0 : i32
          %dma_wait3A_689 = arith.constant 0 : i32
          %dma_wait3A_690 = tpu.memref_slice %arg8[%dma_wait3A_686, %dma_wait3A_688, %dma_wait3A_689] : memref<8x64x128xf32, #tpu.memory_space<vmem>> -> memref<1x64x128xf32, #tpu.memory_space<vmem>>
          %dma_wait3A_691 = tpu.memref_squeeze %dma_wait3A_690 : memref<1x64x128xf32, #tpu.memory_space<vmem>> -> memref<64x128xf32, #tpu.memory_space<vmem>>
          %dma_wait3A_692 = arith.constant 0 : i32
          %dma_wait3A_693 = tpu.memref_slice %arg4[%add3A_685, %dma_wait3A_692] : memref<819200x128xf32, #tpu.memory_space<hbm>> -> memref<64x128xf32, #tpu.memory_space<hbm>>
          %dma_wait3A_694 = tpu.memref_slice %arg10[%dma_wait3A_687] : memref<8x!tpu.dma_semaphore, #tpu.memory_space<semaphore_mem>> -> memref<1x!tpu.dma_semaphore, #tpu.memory_space<semaphore_mem>>
          %dma_wait3A_695 = tpu.memref_squeeze %dma_wait3A_694 : memref<1x!tpu.dma_semaphore, #tpu.memory_space<semaphore_mem>> -> memref<!tpu.dma_semaphore, #tpu.memory_space<semaphore_mem>>
          %dma_wait3A_696 = arith.constant 0 : i32
          %dma_wait3A_697 = tpu.memref_slice %arg4[%add3A_685, %dma_wait3A_696] : memref<819200x128xf32, #tpu.memory_space<hbm>> -> memref<64x128xf32, #tpu.memory_space<hbm>>
          %dma_wait3A_698 = arith.constant 0 : i32
          %dma_wait3A_699 = arith.constant 0 : i32
          %dma_wait3A_700 = tpu.memref_slice %arg8[%dma_wait3A_686, %dma_wait3A_698, %dma_wait3A_699] : memref<8x64x128xf32, #tpu.memory_space<vmem>> -> memref<1x64x128xf32, #tpu.memory_space<vmem>>
          %dma_wait3A_701 = tpu.memref_squeeze %dma_wait3A_700 : memref<1x64x128xf32, #tpu.memory_space<vmem>> -> memref<64x128xf32, #tpu.memory_space<vmem>>
          tpu.wait_dma2 semaphore(%dma_wait3A_695 : memref<!tpu.dma_semaphore, #tpu.memory_space<semaphore_mem>>) src(%dma_wait3A_701 : memref<64x128xf32, #tpu.memory_space<vmem>>) dst(%dma_wait3A_697 : memref<64x128xf32, #tpu.memory_space<hbm>>)
        } else {
        }
        %dma_start3A_291 = arith.constant 4 : i32
        %dma_start3A_292 = arith.constant 4 : i32
        %dma_start3A_293 = arith.constant 0 : i32
        %dma_start3A_294 = arith.constant 0 : i32
        %dma_start3A_295 = tpu.memref_slice %arg8[%dma_start3A_291, %dma_start3A_293, %dma_start3A_294] : memref<8x64x128xf32, #tpu.memory_space<vmem>> -> memref<1x64x128xf32, #tpu.memory_space<vmem>>
        %dma_start3A_296 = tpu.memref_squeeze %dma_start3A_295 : memref<1x64x128xf32, #tpu.memory_space<vmem>> -> memref<64x128xf32, #tpu.memory_space<vmem>>
        %dma_start3A_297 = arith.constant 0 : i32
        %dma_start3A_298 = tpu.memref_slice %arg6[%add3A_285, %dma_start3A_297] : memref<400x64xi32, #tpu.memory_space<vmem>> -> memref<1x64xi32, #tpu.memory_space<vmem>>
        %dma_start3A_299 = tpu.memref_squeeze %dma_start3A_298 : memref<1x64xi32, #tpu.memory_space<vmem>> -> memref<64xi32, #tpu.memory_space<vmem>>
        %dma_start3A_300 = arith.constant 0 : i32
        %dma_start3A_301 = arith.constant 0 : i32
        %dma_start3A_302 = tpu.memref_slice %arg7[%dma_start3A_300, %dma_start3A_301] : memref<361x128xf32, #tpu.memory_space<vmem_shared>> -> memref<361x128xf32, #tpu.memory_space<vmem_shared>>
        %dma_start3A_303 = tpu.memref_slice %arg9[%dma_start3A_292] : memref<8x!tpu.dma_semaphore, #tpu.memory_space<semaphore_mem>> -> memref<1x!tpu.dma_semaphore, #tpu.memory_space<semaphore_mem>>
        %dma_start3A_304 = tpu.memref_squeeze %dma_start3A_303 : memref<1x!tpu.dma_semaphore, #tpu.memory_space<semaphore_mem>> -> memref<!tpu.dma_semaphore, #tpu.memory_space<semaphore_mem>>
        tpu.enqueue_indirect_dma source(%dma_start3A_302 : memref<361x128xf32, #tpu.memory_space<vmem_shared>>) target(%dma_start3A_296 : memref<64x128xf32, #tpu.memory_space<vmem>>) offsets(%dma_start3A_299 : memref<64xi32, #tpu.memory_space<vmem>>) semaphore(%dma_start3A_304 : memref<!tpu.dma_semaphore, #tpu.memory_space<semaphore_mem>>)
        %mul3A_305 = arith.constant 8 : i32
        %mul3A_306 = arith.muli %add3A_190, %mul3A_305 : i32
        %add3A_307 = arith.constant 5 : i32
        %add3A_308 = arith.addi %mul3A_306, %add3A_307 : i32
        %gt3A_309 = arith.constant 0 : i32
        %gt3A_310 = arith.cmpi sgt, %add3A_190, %gt3A_309 : i32
        %convert_element_type3A_311 = arith.extui %gt3A_310 : i1 to i32
        %cond3A_312 = arith.constant 0 : i32
        %cond3A_313 = arith.cmpi ne, %convert_element_type3A_311, %cond3A_312 : i32
        scf.if %cond3A_313 {
          %sub3A = arith.constant 8 : i32
          %sub3A_682 = arith.subi %add3A_308, %sub3A : i32
          %mul3A_683 = arith.constant 64 : i32
          %mul3A_684 = arith.muli %sub3A_682, %mul3A_683 : i32
          %add3A_685 = arith.addi %mul3A_2, %mul3A_684 : i32
          %dma_wait3A_686 = arith.constant 5 : i32
          %dma_wait3A_687 = arith.constant 5 : i32
          %dma_wait3A_688 = arith.constant 0 : i32
          %dma_wait3A_689 = arith.constant 0 : i32
          %dma_wait3A_690 = tpu.memref_slice %arg8[%dma_wait3A_686, %dma_wait3A_688, %dma_wait3A_689] : memref<8x64x128xf32, #tpu.memory_space<vmem>> -> memref<1x64x128xf32, #tpu.memory_space<vmem>>
          %dma_wait3A_691 = tpu.memref_squeeze %dma_wait3A_690 : memref<1x64x128xf32, #tpu.memory_space<vmem>> -> memref<64x128xf32, #tpu.memory_space<vmem>>
          %dma_wait3A_692 = arith.constant 0 : i32
          %dma_wait3A_693 = tpu.memref_slice %arg4[%add3A_685, %dma_wait3A_692] : memref<819200x128xf32, #tpu.memory_space<hbm>> -> memref<64x128xf32, #tpu.memory_space<hbm>>
          %dma_wait3A_694 = tpu.memref_slice %arg10[%dma_wait3A_687] : memref<8x!tpu.dma_semaphore, #tpu.memory_space<semaphore_mem>> -> memref<1x!tpu.dma_semaphore, #tpu.memory_space<semaphore_mem>>
          %dma_wait3A_695 = tpu.memref_squeeze %dma_wait3A_694 : memref<1x!tpu.dma_semaphore, #tpu.memory_space<semaphore_mem>> -> memref<!tpu.dma_semaphore, #tpu.memory_space<semaphore_mem>>
          %dma_wait3A_696 = arith.constant 0 : i32
          %dma_wait3A_697 = tpu.memref_slice %arg4[%add3A_685, %dma_wait3A_696] : memref<819200x128xf32, #tpu.memory_space<hbm>> -> memref<64x128xf32, #tpu.memory_space<hbm>>
          %dma_wait3A_698 = arith.constant 0 : i32
          %dma_wait3A_699 = arith.constant 0 : i32
          %dma_wait3A_700 = tpu.memref_slice %arg8[%dma_wait3A_686, %dma_wait3A_698, %dma_wait3A_699] : memref<8x64x128xf32, #tpu.memory_space<vmem>> -> memref<1x64x128xf32, #tpu.memory_space<vmem>>
          %dma_wait3A_701 = tpu.memref_squeeze %dma_wait3A_700 : memref<1x64x128xf32, #tpu.memory_space<vmem>> -> memref<64x128xf32, #tpu.memory_space<vmem>>
          tpu.wait_dma2 semaphore(%dma_wait3A_695 : memref<!tpu.dma_semaphore, #tpu.memory_space<semaphore_mem>>) src(%dma_wait3A_701 : memref<64x128xf32, #tpu.memory_space<vmem>>) dst(%dma_wait3A_697 : memref<64x128xf32, #tpu.memory_space<hbm>>)
        } else {
        }
        %dma_start3A_314 = arith.constant 5 : i32
        %dma_start3A_315 = arith.constant 5 : i32
        %dma_start3A_316 = arith.constant 0 : i32
        %dma_start3A_317 = arith.constant 0 : i32
        %dma_start3A_318 = tpu.memref_slice %arg8[%dma_start3A_314, %dma_start3A_316, %dma_start3A_317] : memref<8x64x128xf32, #tpu.memory_space<vmem>> -> memref<1x64x128xf32, #tpu.memory_space<vmem>>
        %dma_start3A_319 = tpu.memref_squeeze %dma_start3A_318 : memref<1x64x128xf32, #tpu.memory_space<vmem>> -> memref<64x128xf32, #tpu.memory_space<vmem>>
        %dma_start3A_320 = arith.constant 0 : i32
        %dma_start3A_321 = tpu.memref_slice %arg6[%add3A_308, %dma_start3A_320] : memref<400x64xi32, #tpu.memory_space<vmem>> -> memref<1x64xi32, #tpu.memory_space<vmem>>
        %dma_start3A_322 = tpu.memref_squeeze %dma_start3A_321 : memref<1x64xi32, #tpu.memory_space<vmem>> -> memref<64xi32, #tpu.memory_space<vmem>>
        %dma_start3A_323 = arith.constant 0 : i32
        %dma_start3A_324 = arith.constant 0 : i32
        %dma_start3A_325 = tpu.memref_slice %arg7[%dma_start3A_323, %dma_start3A_324] : memref<361x128xf32, #tpu.memory_space<vmem_shared>> -> memref<361x128xf32, #tpu.memory_space<vmem_shared>>
        %dma_start3A_326 = tpu.memref_slice %arg9[%dma_start3A_315] : memref<8x!tpu.dma_semaphore, #tpu.memory_space<semaphore_mem>> -> memref<1x!tpu.dma_semaphore, #tpu.memory_space<semaphore_mem>>
        %dma_start3A_327 = tpu.memref_squeeze %dma_start3A_326 : memref<1x!tpu.dma_semaphore, #tpu.memory_space<semaphore_mem>> -> memref<!tpu.dma_semaphore, #tpu.memory_space<semaphore_mem>>
        tpu.enqueue_indirect_dma source(%dma_start3A_325 : memref<361x128xf32, #tpu.memory_space<vmem_shared>>) target(%dma_start3A_319 : memref<64x128xf32, #tpu.memory_space<vmem>>) offsets(%dma_start3A_322 : memref<64xi32, #tpu.memory_space<vmem>>) semaphore(%dma_start3A_327 : memref<!tpu.dma_semaphore, #tpu.memory_space<semaphore_mem>>)
        %mul3A_328 = arith.constant 8 : i32
        %mul3A_329 = arith.muli %add3A_190, %mul3A_328 : i32
        %add3A_330 = arith.constant 6 : i32
        %add3A_331 = arith.addi %mul3A_329, %add3A_330 : i32
        %gt3A_332 = arith.constant 0 : i32
        %gt3A_333 = arith.cmpi sgt, %add3A_190, %gt3A_332 : i32
        %convert_element_type3A_334 = arith.extui %gt3A_333 : i1 to i32
        %cond3A_335 = arith.constant 0 : i32
        %cond3A_336 = arith.cmpi ne, %convert_element_type3A_334, %cond3A_335 : i32
        scf.if %cond3A_336 {
          %sub3A = arith.constant 8 : i32
          %sub3A_682 = arith.subi %add3A_331, %sub3A : i32
          %mul3A_683 = arith.constant 64 : i32
          %mul3A_684 = arith.muli %sub3A_682, %mul3A_683 : i32
          %add3A_685 = arith.addi %mul3A_2, %mul3A_684 : i32
          %dma_wait3A_686 = arith.constant 6 : i32
          %dma_wait3A_687 = arith.constant 6 : i32
          %dma_wait3A_688 = arith.constant 0 : i32
          %dma_wait3A_689 = arith.constant 0 : i32
          %dma_wait3A_690 = tpu.memref_slice %arg8[%dma_wait3A_686, %dma_wait3A_688, %dma_wait3A_689] : memref<8x64x128xf32, #tpu.memory_space<vmem>> -> memref<1x64x128xf32, #tpu.memory_space<vmem>>
          %dma_wait3A_691 = tpu.memref_squeeze %dma_wait3A_690 : memref<1x64x128xf32, #tpu.memory_space<vmem>> -> memref<64x128xf32, #tpu.memory_space<vmem>>
          %dma_wait3A_692 = arith.constant 0 : i32
          %dma_wait3A_693 = tpu.memref_slice %arg4[%add3A_685, %dma_wait3A_692] : memref<819200x128xf32, #tpu.memory_space<hbm>> -> memref<64x128xf32, #tpu.memory_space<hbm>>
          %dma_wait3A_694 = tpu.memref_slice %arg10[%dma_wait3A_687] : memref<8x!tpu.dma_semaphore, #tpu.memory_space<semaphore_mem>> -> memref<1x!tpu.dma_semaphore, #tpu.memory_space<semaphore_mem>>
          %dma_wait3A_695 = tpu.memref_squeeze %dma_wait3A_694 : memref<1x!tpu.dma_semaphore, #tpu.memory_space<semaphore_mem>> -> memref<!tpu.dma_semaphore, #tpu.memory_space<semaphore_mem>>
          %dma_wait3A_696 = arith.constant 0 : i32
          %dma_wait3A_697 = tpu.memref_slice %arg4[%add3A_685, %dma_wait3A_696] : memref<819200x128xf32, #tpu.memory_space<hbm>> -> memref<64x128xf32, #tpu.memory_space<hbm>>
          %dma_wait3A_698 = arith.constant 0 : i32
          %dma_wait3A_699 = arith.constant 0 : i32
          %dma_wait3A_700 = tpu.memref_slice %arg8[%dma_wait3A_686, %dma_wait3A_698, %dma_wait3A_699] : memref<8x64x128xf32, #tpu.memory_space<vmem>> -> memref<1x64x128xf32, #tpu.memory_space<vmem>>
          %dma_wait3A_701 = tpu.memref_squeeze %dma_wait3A_700 : memref<1x64x128xf32, #tpu.memory_space<vmem>> -> memref<64x128xf32, #tpu.memory_space<vmem>>
          tpu.wait_dma2 semaphore(%dma_wait3A_695 : memref<!tpu.dma_semaphore, #tpu.memory_space<semaphore_mem>>) src(%dma_wait3A_701 : memref<64x128xf32, #tpu.memory_space<vmem>>) dst(%dma_wait3A_697 : memref<64x128xf32, #tpu.memory_space<hbm>>)
        } else {
        }
        %dma_start3A_337 = arith.constant 6 : i32
        %dma_start3A_338 = arith.constant 6 : i32
        %dma_start3A_339 = arith.constant 0 : i32
        %dma_start3A_340 = arith.constant 0 : i32
        %dma_start3A_341 = tpu.memref_slice %arg8[%dma_start3A_337, %dma_start3A_339, %dma_start3A_340] : memref<8x64x128xf32, #tpu.memory_space<vmem>> -> memref<1x64x128xf32, #tpu.memory_space<vmem>>
        %dma_start3A_342 = tpu.memref_squeeze %dma_start3A_341 : memref<1x64x128xf32, #tpu.memory_space<vmem>> -> memref<64x128xf32, #tpu.memory_space<vmem>>
        %dma_start3A_343 = arith.constant 0 : i32
        %dma_start3A_344 = tpu.memref_slice %arg6[%add3A_331, %dma_start3A_343] : memref<400x64xi32, #tpu.memory_space<vmem>> -> memref<1x64xi32, #tpu.memory_space<vmem>>
        %dma_start3A_345 = tpu.memref_squeeze %dma_start3A_344 : memref<1x64xi32, #tpu.memory_space<vmem>> -> memref<64xi32, #tpu.memory_space<vmem>>
        %dma_start3A_346 = arith.constant 0 : i32
        %dma_start3A_347 = arith.constant 0 : i32
        %dma_start3A_348 = tpu.memref_slice %arg7[%dma_start3A_346, %dma_start3A_347] : memref<361x128xf32, #tpu.memory_space<vmem_shared>> -> memref<361x128xf32, #tpu.memory_space<vmem_shared>>
        %dma_start3A_349 = tpu.memref_slice %arg9[%dma_start3A_338] : memref<8x!tpu.dma_semaphore, #tpu.memory_space<semaphore_mem>> -> memref<1x!tpu.dma_semaphore, #tpu.memory_space<semaphore_mem>>
        %dma_start3A_350 = tpu.memref_squeeze %dma_start3A_349 : memref<1x!tpu.dma_semaphore, #tpu.memory_space<semaphore_mem>> -> memref<!tpu.dma_semaphore, #tpu.memory_space<semaphore_mem>>
        tpu.enqueue_indirect_dma source(%dma_start3A_348 : memref<361x128xf32, #tpu.memory_space<vmem_shared>>) target(%dma_start3A_342 : memref<64x128xf32, #tpu.memory_space<vmem>>) offsets(%dma_start3A_345 : memref<64xi32, #tpu.memory_space<vmem>>) semaphore(%dma_start3A_350 : memref<!tpu.dma_semaphore, #tpu.memory_space<semaphore_mem>>)
        %mul3A_351 = arith.constant 8 : i32
        %mul3A_352 = arith.muli %add3A_190, %mul3A_351 : i32
        %add3A_353 = arith.constant 7 : i32
        %add3A_354 = arith.addi %mul3A_352, %add3A_353 : i32
        %gt3A_355 = arith.constant 0 : i32
        %gt3A_356 = arith.cmpi sgt, %add3A_190, %gt3A_355 : i32
        %convert_element_type3A_357 = arith.extui %gt3A_356 : i1 to i32
        %cond3A_358 = arith.constant 0 : i32
        %cond3A_359 = arith.cmpi ne, %convert_element_type3A_357, %cond3A_358 : i32
        scf.if %cond3A_359 {
          %sub3A = arith.constant 8 : i32
          %sub3A_682 = arith.subi %add3A_354, %sub3A : i32
          %mul3A_683 = arith.constant 64 : i32
          %mul3A_684 = arith.muli %sub3A_682, %mul3A_683 : i32
          %add3A_685 = arith.addi %mul3A_2, %mul3A_684 : i32
          %dma_wait3A_686 = arith.constant 7 : i32
          %dma_wait3A_687 = arith.constant 7 : i32
          %dma_wait3A_688 = arith.constant 0 : i32
          %dma_wait3A_689 = arith.constant 0 : i32
          %dma_wait3A_690 = tpu.memref_slice %arg8[%dma_wait3A_686, %dma_wait3A_688, %dma_wait3A_689] : memref<8x64x128xf32, #tpu.memory_space<vmem>> -> memref<1x64x128xf32, #tpu.memory_space<vmem>>
          %dma_wait3A_691 = tpu.memref_squeeze %dma_wait3A_690 : memref<1x64x128xf32, #tpu.memory_space<vmem>> -> memref<64x128xf32, #tpu.memory_space<vmem>>
          %dma_wait3A_692 = arith.constant 0 : i32
          %dma_wait3A_693 = tpu.memref_slice %arg4[%add3A_685, %dma_wait3A_692] : memref<819200x128xf32, #tpu.memory_space<hbm>> -> memref<64x128xf32, #tpu.memory_space<hbm>>
          %dma_wait3A_694 = tpu.memref_slice %arg10[%dma_wait3A_687] : memref<8x!tpu.dma_semaphore, #tpu.memory_space<semaphore_mem>> -> memref<1x!tpu.dma_semaphore, #tpu.memory_space<semaphore_mem>>
          %dma_wait3A_695 = tpu.memref_squeeze %dma_wait3A_694 : memref<1x!tpu.dma_semaphore, #tpu.memory_space<semaphore_mem>> -> memref<!tpu.dma_semaphore, #tpu.memory_space<semaphore_mem>>
          %dma_wait3A_696 = arith.constant 0 : i32
          %dma_wait3A_697 = tpu.memref_slice %arg4[%add3A_685, %dma_wait3A_696] : memref<819200x128xf32, #tpu.memory_space<hbm>> -> memref<64x128xf32, #tpu.memory_space<hbm>>
          %dma_wait3A_698 = arith.constant 0 : i32
          %dma_wait3A_699 = arith.constant 0 : i32
          %dma_wait3A_700 = tpu.memref_slice %arg8[%dma_wait3A_686, %dma_wait3A_698, %dma_wait3A_699] : memref<8x64x128xf32, #tpu.memory_space<vmem>> -> memref<1x64x128xf32, #tpu.memory_space<vmem>>
          %dma_wait3A_701 = tpu.memref_squeeze %dma_wait3A_700 : memref<1x64x128xf32, #tpu.memory_space<vmem>> -> memref<64x128xf32, #tpu.memory_space<vmem>>
          tpu.wait_dma2 semaphore(%dma_wait3A_695 : memref<!tpu.dma_semaphore, #tpu.memory_space<semaphore_mem>>) src(%dma_wait3A_701 : memref<64x128xf32, #tpu.memory_space<vmem>>) dst(%dma_wait3A_697 : memref<64x128xf32, #tpu.memory_space<hbm>>)
        } else {
        }
        %dma_start3A_360 = arith.constant 7 : i32
        %dma_start3A_361 = arith.constant 7 : i32
        %dma_start3A_362 = arith.constant 0 : i32
        %dma_start3A_363 = arith.constant 0 : i32
        %dma_start3A_364 = tpu.memref_slice %arg8[%dma_start3A_360, %dma_start3A_362, %dma_start3A_363] : memref<8x64x128xf32, #tpu.memory_space<vmem>> -> memref<1x64x128xf32, #tpu.memory_space<vmem>>
        %dma_start3A_365 = tpu.memref_squeeze %dma_start3A_364 : memref<1x64x128xf32, #tpu.memory_space<vmem>> -> memref<64x128xf32, #tpu.memory_space<vmem>>
        %dma_start3A_366 = arith.constant 0 : i32
        %dma_start3A_367 = tpu.memref_slice %arg6[%add3A_354, %dma_start3A_366] : memref<400x64xi32, #tpu.memory_space<vmem>> -> memref<1x64xi32, #tpu.memory_space<vmem>>
        %dma_start3A_368 = tpu.memref_squeeze %dma_start3A_367 : memref<1x64xi32, #tpu.memory_space<vmem>> -> memref<64xi32, #tpu.memory_space<vmem>>
        %dma_start3A_369 = arith.constant 0 : i32
        %dma_start3A_370 = arith.constant 0 : i32
        %dma_start3A_371 = tpu.memref_slice %arg7[%dma_start3A_369, %dma_start3A_370] : memref<361x128xf32, #tpu.memory_space<vmem_shared>> -> memref<361x128xf32, #tpu.memory_space<vmem_shared>>
        %dma_start3A_372 = tpu.memref_slice %arg9[%dma_start3A_361] : memref<8x!tpu.dma_semaphore, #tpu.memory_space<semaphore_mem>> -> memref<1x!tpu.dma_semaphore, #tpu.memory_space<semaphore_mem>>
        %dma_start3A_373 = tpu.memref_squeeze %dma_start3A_372 : memref<1x!tpu.dma_semaphore, #tpu.memory_space<semaphore_mem>> -> memref<!tpu.dma_semaphore, #tpu.memory_space<semaphore_mem>>
        tpu.enqueue_indirect_dma source(%dma_start3A_371 : memref<361x128xf32, #tpu.memory_space<vmem_shared>>) target(%dma_start3A_365 : memref<64x128xf32, #tpu.memory_space<vmem>>) offsets(%dma_start3A_368 : memref<64xi32, #tpu.memory_space<vmem>>) semaphore(%dma_start3A_373 : memref<!tpu.dma_semaphore, #tpu.memory_space<semaphore_mem>>)
        %eq3A_374 = arith.constant 0 : i32
        %eq3A_375 = arith.cmpi eq, %scan3A_186, %eq3A_374 : i32
        %convert_element_type3A_376 = arith.extui %eq3A_375 : i1 to i32
        %cond3A_377 = arith.constant 0 : i32
        %cond3A_378 = arith.cmpi ne, %convert_element_type3A_376, %cond3A_377 : i32
        scf.if %cond3A_378 {
          %add3A_682 = arith.constant 1 : i32
          %add3A_683 = arith.addi %scan3A_176, %add3A_682 : i32
          %lt3A_684 = arith.constant 10 : i32
          %lt3A_685 = arith.cmpi slt, %add3A_683, %lt3A_684 : i32
          %convert_element_type3A_686 = arith.extui %lt3A_685 : i1 to i32
          %cond3A_687 = arith.constant 0 : i32
          %cond3A_688 = arith.cmpi ne, %convert_element_type3A_686, %cond3A_687 : i32
          scf.if %cond3A_688 {
            %add3A_696 = arith.constant 0 : i32
            %add3A_697 = arith.addi %mul3A_2, %add3A_696 : i32
            %dma_wait3A_698 = arith.constant 0 : i32
            %dma_wait3A_699 = arith.constant 0 : i32
            %dma_wait3A_700 = arith.constant 0 : i32
            %dma_wait3A_701 = tpu.memref_slice %arg5[%dma_wait3A_698, %dma_wait3A_700] : memref<2x2560xi32, #tpu.memory_space<vmem>> -> memref<1x2560xi32, #tpu.memory_space<vmem>>
            %dma_wait3A_702 = tpu.memref_squeeze %dma_wait3A_701 : memref<1x2560xi32, #tpu.memory_space<vmem>> -> memref<2560xi32, #tpu.memory_space<vmem>>
            %dma_wait3A_703 = tpu.memref_slice %arg2[%add3A_697] : memref<819200xi32, #tpu.memory_space<hbm>> -> memref<2560xi32, #tpu.memory_space<hbm>>
            %dma_wait3A_704 = tpu.memref_slice %arg11[%dma_wait3A_699] : memref<1x!tpu.dma_semaphore, #tpu.memory_space<semaphore_mem>> -> memref<1x!tpu.dma_semaphore, #tpu.memory_space<semaphore_mem>>
            %dma_wait3A_705 = tpu.memref_squeeze %dma_wait3A_704 : memref<1x!tpu.dma_semaphore, #tpu.memory_space<semaphore_mem>> -> memref<!tpu.dma_semaphore, #tpu.memory_space<semaphore_mem>>
            %dma_wait3A_706 = arith.constant 0 : i32
            %dma_wait3A_707 = tpu.memref_slice %arg5[%dma_wait3A_698, %dma_wait3A_706] : memref<2x2560xi32, #tpu.memory_space<vmem>> -> memref<1x2560xi32, #tpu.memory_space<vmem>>
            %dma_wait3A_708 = tpu.memref_squeeze %dma_wait3A_707 : memref<1x2560xi32, #tpu.memory_space<vmem>> -> memref<2560xi32, #tpu.memory_space<vmem>>
            %dma_wait3A_709 = tpu.memref_slice %arg2[%add3A_697] : memref<819200xi32, #tpu.memory_space<hbm>> -> memref<2560xi32, #tpu.memory_space<hbm>>
            tpu.wait_dma2 semaphore(%dma_wait3A_705 : memref<!tpu.dma_semaphore, #tpu.memory_space<semaphore_mem>>) src(%dma_wait3A_709 : memref<2560xi32, #tpu.memory_space<hbm>>) dst(%dma_wait3A_708 : memref<2560xi32, #tpu.memory_space<vmem>>)
          } else {
          }
          %add3A_689 = arith.constant 2 : i32
          %add3A_690 = arith.addi %scan3A_176, %add3A_689 : i32
          %lt3A_691 = arith.constant 10 : i32
          %lt3A_692 = arith.cmpi slt, %add3A_690, %lt3A_691 : i32
          %convert_element_type3A_693 = arith.extui %lt3A_692 : i1 to i32
          %cond3A_694 = arith.constant 0 : i32
          %cond3A_695 = arith.cmpi ne, %convert_element_type3A_693, %cond3A_694 : i32
          scf.if %cond3A_695 {
            %rem3A = arith.constant 2 : i32
            %rem3A_696 = arith.remsi %scan3A_176, %rem3A : i32
            %add3A_697 = arith.constant 2 : i32
            %add3A_698 = arith.addi %scan3A_176, %add3A_697 : i32
            %mul3A_699 = arith.constant 2560 : i32
            %mul3A_700 = arith.muli %add3A_698, %mul3A_699 : i32
            %add3A_701 = arith.addi %mul3A_2, %mul3A_700 : i32
            %dma_start3A_702 = arith.constant 0 : i32
            %dma_start3A_703 = arith.constant 0 : i32
            %dma_start3A_704 = tpu.memref_slice %arg5[%rem3A_696, %dma_start3A_703] : memref<2x2560xi32, #tpu.memory_space<vmem>> -> memref<1x2560xi32, #tpu.memory_space<vmem>>
            %dma_start3A_705 = tpu.memref_squeeze %dma_start3A_704 : memref<1x2560xi32, #tpu.memory_space<vmem>> -> memref<2560xi32, #tpu.memory_space<vmem>>
            %dma_start3A_706 = tpu.memref_slice %arg2[%add3A_701] : memref<819200xi32, #tpu.memory_space<hbm>> -> memref<2560xi32, #tpu.memory_space<hbm>>
            %dma_start3A_707 = tpu.memref_slice %arg11[%dma_start3A_702] : memref<1x!tpu.dma_semaphore, #tpu.memory_space<semaphore_mem>> -> memref<1x!tpu.dma_semaphore, #tpu.memory_space<semaphore_mem>>
            %dma_start3A_708 = tpu.memref_squeeze %dma_start3A_707 : memref<1x!tpu.dma_semaphore, #tpu.memory_space<semaphore_mem>> -> memref<!tpu.dma_semaphore, #tpu.memory_space<semaphore_mem>>
            %dma_start3A_709 = arith.constant 0 : i32
            %dma_start3A_710 = tpu.memref_slice %arg5[%rem3A_696, %dma_start3A_709] : memref<2x2560xi32, #tpu.memory_space<vmem>> -> memref<1x2560xi32, #tpu.memory_space<vmem>>
            %dma_start3A_711 = tpu.memref_squeeze %dma_start3A_710 : memref<1x2560xi32, #tpu.memory_space<vmem>> -> memref<2560xi32, #tpu.memory_space<vmem>>
            %dma_start3A_712 = tpu.memref_slice %arg2[%add3A_701] : memref<819200xi32, #tpu.memory_space<hbm>> -> memref<2560xi32, #tpu.memory_space<hbm>>
            tpu.enqueue_dma source(%dma_start3A_712 : memref<2560xi32, #tpu.memory_space<hbm>>) target(%dma_start3A_711 : memref<2560xi32, #tpu.memory_space<vmem>>) target_semaphore(%dma_start3A_708 : memref<!tpu.dma_semaphore, #tpu.memory_space<semaphore_mem>>)
          } else {
          }
        } else {
        }
        %add3A_379 = arith.constant 1 : i32
        %add3A_380 = arith.addi %scan3A_176, %add3A_379 : i32
        %lt3A = arith.constant 10 : i32
        %lt3A_381 = arith.cmpi slt, %add3A_380, %lt3A : i32
        %convert_element_type3A_382 = arith.extui %lt3A_381 : i1 to i32
        %cond3A_383 = arith.constant 0 : i32
        %cond3A_384 = arith.cmpi ne, %convert_element_type3A_382, %cond3A_383 : i32
        scf.if %cond3A_384 {
          %add3A_682 = arith.constant 1 : i32
          %add3A_683 = arith.addi %scan3A_176, %add3A_682 : i32
          %mul3A_684 = arith.constant 8 : i32
          %mul3A_685 = arith.muli %scan3A_186, %mul3A_684 : i32
          %add3A_686 = arith.constant 0 : i32
          %add3A_687 = arith.addi %mul3A_685, %add3A_686 : i32
          %mul3A_688 = arith.constant 64 : i32
          %mul3A_689 = arith.muli %add3A_687, %mul3A_688 : i32
          %add3A_690 = arith.constant 0 : i32
          %add3A_691 = arith.addi %mul3A_689, %add3A_690 : i32
          %rem3A = arith.constant 2 : i32
          %rem3A_692 = arith.remsi %add3A_683, %rem3A : i32
          %get3A = arith.index_cast %rem3A_692 : i32 to index
          %get3A_693 = arith.index_cast %add3A_691 : i32 to index
          %get3A_694 = tpu.vector_load %arg5[%get3A, %get3A_693] {strides = array<i32>} : memref<2x2560xi32, #tpu.memory_space<vmem>>, vector<1x16xi32>,
          %get3A_695 = vector.shape_cast %get3A_694 : vector<1x16xi32> to vector<16xi32>
          %and3A = arith.constant 65535 : i32
          %and3A_696 = vector.broadcast %and3A : i32 to vector<16xi32>
          %and3A_697 = arith.andi %get3A_695, %and3A_696 : vector<16xi32>
          %shift_right_arithmetic3A = arith.constant 16 : i32
          %shift_right_arithmetic3A_698 = vector.broadcast %shift_right_arithmetic3A : i32 to vector<16xi32>
          %shift_right_arithmetic3A_699 = arith.shrsi %get3A_695, %shift_right_arithmetic3A_698 : vector<16xi32>
          %max3A = arith.constant 0 : i32
          %max3A_700 = vector.broadcast %max3A : i32 to vector<16xi32>
          %max3A_701 = arith.maxsi %and3A_697, %max3A_700 : vector<16xi32>
          %mul3A_702 = arith.constant 19 : i32
          %mul3A_703 = vector.broadcast %mul3A_702 : i32 to vector<16xi32>
          %mul3A_704 = arith.muli %max3A_701, %mul3A_703 : vector<16xi32>
          %max3A_705 = arith.constant 0 : i32
          %max3A_706 = vector.broadcast %max3A_705 : i32 to vector<16xi32>
          %max3A_707 = arith.maxsi %shift_right_arithmetic3A_699, %max3A_706 : vector<16xi32>
          %add3A_708 = arith.addi %mul3A_704, %max3A_707 : vector<16xi32>
          %mul3A_709 = arith.constant 40 : i32
          %mul3A_710 = arith.muli %add3A_683, %mul3A_709 : i32
          %add3A_711 = arith.addi %mul3A_710, %add3A_687 : i32
          %swap3A = arith.index_cast %add3A_711 : i32 to index
          %swap3A_712 = arith.constant 0 : index
          %swap3A_713 = tpu.vector_load %arg6[%swap3A, %swap3A_712] {strides = array<i32>} : memref<400x64xi32, #tpu.memory_space<vmem>>, vector<1x16xi32>,
          %swap3A_714 = vector.shape_cast %swap3A_713 : vector<1x16xi32> to vector<16xi32>
          %swap3A_715 = vector.shape_cast %add3A_708 : vector<16xi32> to vector<1x16xi32>
          tpu.vector_store %arg6[%swap3A, %swap3A_712], %swap3A_715 {strides = array<i32>} : memref<400x64xi32, #tpu.memory_space<vmem>>, vector<1x16xi32>,
          %add3A_716 = arith.constant 1 : i32
          %add3A_717 = arith.addi %scan3A_176, %add3A_716 : i32
          %mul3A_718 = arith.constant 8 : i32
          %mul3A_719 = arith.muli %scan3A_186, %mul3A_718 : i32
          %add3A_720 = arith.constant 0 : i32
          %add3A_721 = arith.addi %mul3A_719, %add3A_720 : i32
          %mul3A_722 = arith.constant 64 : i32
          %mul3A_723 = arith.muli %add3A_721, %mul3A_722 : i32
          %add3A_724 = arith.constant 16 : i32
          %add3A_725 = arith.addi %mul3A_723, %add3A_724 : i32
          %rem3A_726 = arith.constant 2 : i32
          %rem3A_727 = arith.remsi %add3A_717, %rem3A_726 : i32
          %get3A_728 = arith.index_cast %rem3A_727 : i32 to index
          %get3A_729 = arith.index_cast %add3A_725 : i32 to index
          %get3A_730 = tpu.vector_load %arg5[%get3A_728, %get3A_729] {strides = array<i32>} : memref<2x2560xi32, #tpu.memory_space<vmem>>, vector<1x16xi32>,
          %get3A_731 = vector.shape_cast %get3A_730 : vector<1x16xi32> to vector<16xi32>
          %and3A_732 = arith.constant 65535 : i32
          %and3A_733 = vector.broadcast %and3A_732 : i32 to vector<16xi32>
          %and3A_734 = arith.andi %get3A_731, %and3A_733 : vector<16xi32>
          %shift_right_arithmetic3A_735 = arith.constant 16 : i32
          %shift_right_arithmetic3A_736 = vector.broadcast %shift_right_arithmetic3A_735 : i32 to vector<16xi32>
          %shift_right_arithmetic3A_737 = arith.shrsi %get3A_731, %shift_right_arithmetic3A_736 : vector<16xi32>
          %max3A_738 = arith.constant 0 : i32
          %max3A_739 = vector.broadcast %max3A_738 : i32 to vector<16xi32>
          %max3A_740 = arith.maxsi %and3A_734, %max3A_739 : vector<16xi32>
          %mul3A_741 = arith.constant 19 : i32
          %mul3A_742 = vector.broadcast %mul3A_741 : i32 to vector<16xi32>
          %mul3A_743 = arith.muli %max3A_740, %mul3A_742 : vector<16xi32>
          %max3A_744 = arith.constant 0 : i32
          %max3A_745 = vector.broadcast %max3A_744 : i32 to vector<16xi32>
          %max3A_746 = arith.maxsi %shift_right_arithmetic3A_737, %max3A_745 : vector<16xi32>
          %add3A_747 = arith.addi %mul3A_743, %max3A_746 : vector<16xi32>
          %mul3A_748 = arith.constant 40 : i32
          %mul3A_749 = arith.muli %add3A_717, %mul3A_748 : i32
          %add3A_750 = arith.addi %mul3A_749, %add3A_721 : i32
          %swap3A_751 = arith.index_cast %add3A_750 : i32 to index
          %swap3A_752 = arith.constant 16 : index
          %swap3A_753 = tpu.vector_load %arg6[%swap3A_751, %swap3A_752] {strides = array<i32>} : memref<400x64xi32, #tpu.memory_space<vmem>>, vector<1x16xi32>,
          %swap3A_754 = vector.shape_cast %swap3A_753 : vector<1x16xi32> to vector<16xi32>
          %swap3A_755 = vector.shape_cast %add3A_747 : vector<16xi32> to vector<1x16xi32>
          tpu.vector_store %arg6[%swap3A_751, %swap3A_752], %swap3A_755 {strides = array<i32>} : memref<400x64xi32, #tpu.memory_space<vmem>>, vector<1x16xi32>,
          %add3A_756 = arith.constant 1 : i32
          %add3A_757 = arith.addi %scan3A_176, %add3A_756 : i32
          %mul3A_758 = arith.constant 8 : i32
          %mul3A_759 = arith.muli %scan3A_186, %mul3A_758 : i32
          %add3A_760 = arith.constant 0 : i32
          %add3A_761 = arith.addi %mul3A_759, %add3A_760 : i32
          %mul3A_762 = arith.constant 64 : i32
          %mul3A_763 = arith.muli %add3A_761, %mul3A_762 : i32
          %add3A_764 = arith.constant 32 : i32
          %add3A_765 = arith.addi %mul3A_763, %add3A_764 : i32
          %rem3A_766 = arith.constant 2 : i32
          %rem3A_767 = arith.remsi %add3A_757, %rem3A_766 : i32
          %get3A_768 = arith.index_cast %rem3A_767 : i32 to index
          %get3A_769 = arith.index_cast %add3A_765 : i32 to index
          %get3A_770 = tpu.vector_load %arg5[%get3A_768, %get3A_769] {strides = array<i32>} : memref<2x2560xi32, #tpu.memory_space<vmem>>, vector<1x16xi32>,
          %get3A_771 = vector.shape_cast %get3A_770 : vector<1x16xi32> to vector<16xi32>
          %and3A_772 = arith.constant 65535 : i32
          %and3A_773 = vector.broadcast %and3A_772 : i32 to vector<16xi32>
          %and3A_774 = arith.andi %get3A_771, %and3A_773 : vector<16xi32>
          %shift_right_arithmetic3A_775 = arith.constant 16 : i32
          %shift_right_arithmetic3A_776 = vector.broadcast %shift_right_arithmetic3A_775 : i32 to vector<16xi32>
          %shift_right_arithmetic3A_777 = arith.shrsi %get3A_771, %shift_right_arithmetic3A_776 : vector<16xi32>
          %max3A_778 = arith.constant 0 : i32
          %max3A_779 = vector.broadcast %max3A_778 : i32 to vector<16xi32>
          %max3A_780 = arith.maxsi %and3A_774, %max3A_779 : vector<16xi32>
          %mul3A_781 = arith.constant 19 : i32
          %mul3A_782 = vector.broadcast %mul3A_781 : i32 to vector<16xi32>
          %mul3A_783 = arith.muli %max3A_780, %mul3A_782 : vector<16xi32>
          %max3A_784 = arith.constant 0 : i32
          %max3A_785 = vector.broadcast %max3A_784 : i32 to vector<16xi32>
          %max3A_786 = arith.maxsi %shift_right_arithmetic3A_777, %max3A_785 : vector<16xi32>
          %add3A_787 = arith.addi %mul3A_783, %max3A_786 : vector<16xi32>
          %mul3A_788 = arith.constant 40 : i32
          %mul3A_789 = arith.muli %add3A_757, %mul3A_788 : i32
          %add3A_790 = arith.addi %mul3A_789, %add3A_761 : i32
          %swap3A_791 = arith.index_cast %add3A_790 : i32 to index
          %swap3A_792 = arith.constant 32 : index
          %swap3A_793 = tpu.vector_load %arg6[%swap3A_791, %swap3A_792] {strides = array<i32>} : memref<400x64xi32, #tpu.memory_space<vmem>>, vector<1x16xi32>,
          %swap3A_794 = vector.shape_cast %swap3A_793 : vector<1x16xi32> to vector<16xi32>
          %swap3A_795 = vector.shape_cast %add3A_787 : vector<16xi32> to vector<1x16xi32>
          tpu.vector_store %arg6[%swap3A_791, %swap3A_792], %swap3A_795 {strides = array<i32>} : memref<400x64xi32, #tpu.memory_space<vmem>>, vector<1x16xi32>,
          %add3A_796 = arith.constant 1 : i32
          %add3A_797 = arith.addi %scan3A_176, %add3A_796 : i32
          %mul3A_798 = arith.constant 8 : i32
          %mul3A_799 = arith.muli %scan3A_186, %mul3A_798 : i32
          %add3A_800 = arith.constant 0 : i32
          %add3A_801 = arith.addi %mul3A_799, %add3A_800 : i32
          %mul3A_802 = arith.constant 64 : i32
          %mul3A_803 = arith.muli %add3A_801, %mul3A_802 : i32
          %add3A_804 = arith.constant 48 : i32
          %add3A_805 = arith.addi %mul3A_803, %add3A_804 : i32
          %rem3A_806 = arith.constant 2 : i32
          %rem3A_807 = arith.remsi %add3A_797, %rem3A_806 : i32
          %get3A_808 = arith.index_cast %rem3A_807 : i32 to index
          %get3A_809 = arith.index_cast %add3A_805 : i32 to index
          %get3A_810 = tpu.vector_load %arg5[%get3A_808, %get3A_809] {strides = array<i32>} : memref<2x2560xi32, #tpu.memory_space<vmem>>, vector<1x16xi32>,
          %get3A_811 = vector.shape_cast %get3A_810 : vector<1x16xi32> to vector<16xi32>
          %and3A_812 = arith.constant 65535 : i32
          %and3A_813 = vector.broadcast %and3A_812 : i32 to vector<16xi32>
          %and3A_814 = arith.andi %get3A_811, %and3A_813 : vector<16xi32>
          %shift_right_arithmetic3A_815 = arith.constant 16 : i32
          %shift_right_arithmetic3A_816 = vector.broadcast %shift_right_arithmetic3A_815 : i32 to vector<16xi32>
          %shift_right_arithmetic3A_817 = arith.shrsi %get3A_811, %shift_right_arithmetic3A_816 : vector<16xi32>
          %max3A_818 = arith.constant 0 : i32
          %max3A_819 = vector.broadcast %max3A_818 : i32 to vector<16xi32>
          %max3A_820 = arith.maxsi %and3A_814, %max3A_819 : vector<16xi32>
          %mul3A_821 = arith.constant 19 : i32
          %mul3A_822 = vector.broadcast %mul3A_821 : i32 to vector<16xi32>
          %mul3A_823 = arith.muli %max3A_820, %mul3A_822 : vector<16xi32>
          %max3A_824 = arith.constant 0 : i32
          %max3A_825 = vector.broadcast %max3A_824 : i32 to vector<16xi32>
          %max3A_826 = arith.maxsi %shift_right_arithmetic3A_817, %max3A_825 : vector<16xi32>
          %add3A_827 = arith.addi %mul3A_823, %max3A_826 : vector<16xi32>
          %mul3A_828 = arith.constant 40 : i32
          %mul3A_829 = arith.muli %add3A_797, %mul3A_828 : i32
          %add3A_830 = arith.addi %mul3A_829, %add3A_801 : i32
          %swap3A_831 = arith.index_cast %add3A_830 : i32 to index
          %swap3A_832 = arith.constant 48 : index
          %swap3A_833 = tpu.vector_load %arg6[%swap3A_831, %swap3A_832] {strides = array<i32>} : memref<400x64xi32, #tpu.memory_space<vmem>>, vector<1x16xi32>,
          %swap3A_834 = vector.shape_cast %swap3A_833 : vector<1x16xi32> to vector<16xi32>
          %swap3A_835 = vector.shape_cast %add3A_827 : vector<16xi32> to vector<1x16xi32>
          tpu.vector_store %arg6[%swap3A_831, %swap3A_832], %swap3A_835 {strides = array<i32>} : memref<400x64xi32, #tpu.memory_space<vmem>>, vector<1x16xi32>,
          %add3A_836 = arith.constant 1 : i32
          %add3A_837 = arith.addi %scan3A_176, %add3A_836 : i32
          %mul3A_838 = arith.constant 8 : i32
          %mul3A_839 = arith.muli %scan3A_186, %mul3A_838 : i32
          %add3A_840 = arith.constant 1 : i32
          %add3A_841 = arith.addi %mul3A_839, %add3A_840 : i32
          %mul3A_842 = arith.constant 64 : i32
          %mul3A_843 = arith.muli %add3A_841, %mul3A_842 : i32
          %add3A_844 = arith.constant 0 : i32
          %add3A_845 = arith.addi %mul3A_843, %add3A_844 : i32
          %rem3A_846 = arith.constant 2 : i32
          %rem3A_847 = arith.remsi %add3A_837, %rem3A_846 : i32
          %get3A_848 = arith.index_cast %rem3A_847 : i32 to index
          %get3A_849 = arith.index_cast %add3A_845 : i32 to index
          %get3A_850 = tpu.vector_load %arg5[%get3A_848, %get3A_849] {strides = array<i32>} : memref<2x2560xi32, #tpu.memory_space<vmem>>, vector<1x16xi32>,
          %get3A_851 = vector.shape_cast %get3A_850 : vector<1x16xi32> to vector<16xi32>
          %and3A_852 = arith.constant 65535 : i32
          %and3A_853 = vector.broadcast %and3A_852 : i32 to vector<16xi32>
          %and3A_854 = arith.andi %get3A_851, %and3A_853 : vector<16xi32>
          %shift_right_arithmetic3A_855 = arith.constant 16 : i32
          %shift_right_arithmetic3A_856 = vector.broadcast %shift_right_arithmetic3A_855 : i32 to vector<16xi32>
          %shift_right_arithmetic3A_857 = arith.shrsi %get3A_851, %shift_right_arithmetic3A_856 : vector<16xi32>
          %max3A_858 = arith.constant 0 : i32
          %max3A_859 = vector.broadcast %max3A_858 : i32 to vector<16xi32>
          %max3A_860 = arith.maxsi %and3A_854, %max3A_859 : vector<16xi32>
          %mul3A_861 = arith.constant 19 : i32
          %mul3A_862 = vector.broadcast %mul3A_861 : i32 to vector<16xi32>
          %mul3A_863 = arith.muli %max3A_860, %mul3A_862 : vector<16xi32>
          %max3A_864 = arith.constant 0 : i32
          %max3A_865 = vector.broadcast %max3A_864 : i32 to vector<16xi32>
          %max3A_866 = arith.maxsi %shift_right_arithmetic3A_857, %max3A_865 : vector<16xi32>
          %add3A_867 = arith.addi %mul3A_863, %max3A_866 : vector<16xi32>
          %mul3A_868 = arith.constant 40 : i32
          %mul3A_869 = arith.muli %add3A_837, %mul3A_868 : i32
          %add3A_870 = arith.addi %mul3A_869, %add3A_841 : i32
          %swap3A_871 = arith.index_cast %add3A_870 : i32 to index
          %swap3A_872 = arith.constant 0 : index
          %swap3A_873 = tpu.vector_load %arg6[%swap3A_871, %swap3A_872] {strides = array<i32>} : memref<400x64xi32, #tpu.memory_space<vmem>>, vector<1x16xi32>,
          %swap3A_874 = vector.shape_cast %swap3A_873 : vector<1x16xi32> to vector<16xi32>
          %swap3A_875 = vector.shape_cast %add3A_867 : vector<16xi32> to vector<1x16xi32>
          tpu.vector_store %arg6[%swap3A_871, %swap3A_872], %swap3A_875 {strides = array<i32>} : memref<400x64xi32, #tpu.memory_space<vmem>>, vector<1x16xi32>,
          %add3A_876 = arith.constant 1 : i32
          %add3A_877 = arith.addi %scan3A_176, %add3A_876 : i32
          %mul3A_878 = arith.constant 8 : i32
          %mul3A_879 = arith.muli %scan3A_186, %mul3A_878 : i32
          %add3A_880 = arith.constant 1 : i32
          %add3A_881 = arith.addi %mul3A_879, %add3A_880 : i32
          %mul3A_882 = arith.constant 64 : i32
          %mul3A_883 = arith.muli %add3A_881, %mul3A_882 : i32
          %add3A_884 = arith.constant 16 : i32
          %add3A_885 = arith.addi %mul3A_883, %add3A_884 : i32
          %rem3A_886 = arith.constant 2 : i32
          %rem3A_887 = arith.remsi %add3A_877, %rem3A_886 : i32
          %get3A_888 = arith.index_cast %rem3A_887 : i32 to index
          %get3A_889 = arith.index_cast %add3A_885 : i32 to index
          %get3A_890 = tpu.vector_load %arg5[%get3A_888, %get3A_889] {strides = array<i32>} : memref<2x2560xi32, #tpu.memory_space<vmem>>, vector<1x16xi32>,
          %get3A_891 = vector.shape_cast %get3A_890 : vector<1x16xi32> to vector<16xi32>
          %and3A_892 = arith.constant 65535 : i32
          %and3A_893 = vector.broadcast %and3A_892 : i32 to vector<16xi32>
          %and3A_894 = arith.andi %get3A_891, %and3A_893 : vector<16xi32>
          %shift_right_arithmetic3A_895 = arith.constant 16 : i32
          %shift_right_arithmetic3A_896 = vector.broadcast %shift_right_arithmetic3A_895 : i32 to vector<16xi32>
          %shift_right_arithmetic3A_897 = arith.shrsi %get3A_891, %shift_right_arithmetic3A_896 : vector<16xi32>
          %max3A_898 = arith.constant 0 : i32
          %max3A_899 = vector.broadcast %max3A_898 : i32 to vector<16xi32>
          %max3A_900 = arith.maxsi %and3A_894, %max3A_899 : vector<16xi32>
          %mul3A_901 = arith.constant 19 : i32
          %mul3A_902 = vector.broadcast %mul3A_901 : i32 to vector<16xi32>
          %mul3A_903 = arith.muli %max3A_900, %mul3A_902 : vector<16xi32>
          %max3A_904 = arith.constant 0 : i32
          %max3A_905 = vector.broadcast %max3A_904 : i32 to vector<16xi32>
          %max3A_906 = arith.maxsi %shift_right_arithmetic3A_897, %max3A_905 : vector<16xi32>
          %add3A_907 = arith.addi %mul3A_903, %max3A_906 : vector<16xi32>
          %mul3A_908 = arith.constant 40 : i32
          %mul3A_909 = arith.muli %add3A_877, %mul3A_908 : i32
          %add3A_910 = arith.addi %mul3A_909, %add3A_881 : i32
          %swap3A_911 = arith.index_cast %add3A_910 : i32 to index
          %swap3A_912 = arith.constant 16 : index
          %swap3A_913 = tpu.vector_load %arg6[%swap3A_911, %swap3A_912] {strides = array<i32>} : memref<400x64xi32, #tpu.memory_space<vmem>>, vector<1x16xi32>,
          %swap3A_914 = vector.shape_cast %swap3A_913 : vector<1x16xi32> to vector<16xi32>
          %swap3A_915 = vector.shape_cast %add3A_907 : vector<16xi32> to vector<1x16xi32>
          tpu.vector_store %arg6[%swap3A_911, %swap3A_912], %swap3A_915 {strides = array<i32>} : memref<400x64xi32, #tpu.memory_space<vmem>>, vector<1x16xi32>,
          %add3A_916 = arith.constant 1 : i32
          %add3A_917 = arith.addi %scan3A_176, %add3A_916 : i32
          %mul3A_918 = arith.constant 8 : i32
          %mul3A_919 = arith.muli %scan3A_186, %mul3A_918 : i32
          %add3A_920 = arith.constant 1 : i32
          %add3A_921 = arith.addi %mul3A_919, %add3A_920 : i32
          %mul3A_922 = arith.constant 64 : i32
          %mul3A_923 = arith.muli %add3A_921, %mul3A_922 : i32
          %add3A_924 = arith.constant 32 : i32
          %add3A_925 = arith.addi %mul3A_923, %add3A_924 : i32
          %rem3A_926 = arith.constant 2 : i32
          %rem3A_927 = arith.remsi %add3A_917, %rem3A_926 : i32
          %get3A_928 = arith.index_cast %rem3A_927 : i32 to index
          %get3A_929 = arith.index_cast %add3A_925 : i32 to index
          %get3A_930 = tpu.vector_load %arg5[%get3A_928, %get3A_929] {strides = array<i32>} : memref<2x2560xi32, #tpu.memory_space<vmem>>, vector<1x16xi32>,
          %get3A_931 = vector.shape_cast %get3A_930 : vector<1x16xi32> to vector<16xi32>
          %and3A_932 = arith.constant 65535 : i32
          %and3A_933 = vector.broadcast %and3A_932 : i32 to vector<16xi32>
          %and3A_934 = arith.andi %get3A_931, %and3A_933 : vector<16xi32>
          %shift_right_arithmetic3A_935 = arith.constant 16 : i32
          %shift_right_arithmetic3A_936 = vector.broadcast %shift_right_arithmetic3A_935 : i32 to vector<16xi32>
          %shift_right_arithmetic3A_937 = arith.shrsi %get3A_931, %shift_right_arithmetic3A_936 : vector<16xi32>
          %max3A_938 = arith.constant 0 : i32
          %max3A_939 = vector.broadcast %max3A_938 : i32 to vector<16xi32>
          %max3A_940 = arith.maxsi %and3A_934, %max3A_939 : vector<16xi32>
          %mul3A_941 = arith.constant 19 : i32
          %mul3A_942 = vector.broadcast %mul3A_941 : i32 to vector<16xi32>
          %mul3A_943 = arith.muli %max3A_940, %mul3A_942 : vector<16xi32>
          %max3A_944 = arith.constant 0 : i32
          %max3A_945 = vector.broadcast %max3A_944 : i32 to vector<16xi32>
          %max3A_946 = arith.maxsi %shift_right_arithmetic3A_937, %max3A_945 : vector<16xi32>
          %add3A_947 = arith.addi %mul3A_943, %max3A_946 : vector<16xi32>
          %mul3A_948 = arith.constant 40 : i32
          %mul3A_949 = arith.muli %add3A_917, %mul3A_948 : i32
          %add3A_950 = arith.addi %mul3A_949, %add3A_921 : i32
          %swap3A_951 = arith.index_cast %add3A_950 : i32 to index
          %swap3A_952 = arith.constant 32 : index
          %swap3A_953 = tpu.vector_load %arg6[%swap3A_951, %swap3A_952] {strides = array<i32>} : memref<400x64xi32, #tpu.memory_space<vmem>>, vector<1x16xi32>,
          %swap3A_954 = vector.shape_cast %swap3A_953 : vector<1x16xi32> to vector<16xi32>
          %swap3A_955 = vector.shape_cast %add3A_947 : vector<16xi32> to vector<1x16xi32>
          tpu.vector_store %arg6[%swap3A_951, %swap3A_952], %swap3A_955 {strides = array<i32>} : memref<400x64xi32, #tpu.memory_space<vmem>>, vector<1x16xi32>,
          %add3A_956 = arith.constant 1 : i32
          %add3A_957 = arith.addi %scan3A_176, %add3A_956 : i32
          %mul3A_958 = arith.constant 8 : i32
          %mul3A_959 = arith.muli %scan3A_186, %mul3A_958 : i32
          %add3A_960 = arith.constant 1 : i32
          %add3A_961 = arith.addi %mul3A_959, %add3A_960 : i32
          %mul3A_962 = arith.constant 64 : i32
          %mul3A_963 = arith.muli %add3A_961, %mul3A_962 : i32
          %add3A_964 = arith.constant 48 : i32
          %add3A_965 = arith.addi %mul3A_963, %add3A_964 : i32
          %rem3A_966 = arith.constant 2 : i32
          %rem3A_967 = arith.remsi %add3A_957, %rem3A_966 : i32
          %get3A_968 = arith.index_cast %rem3A_967 : i32 to index
          %get3A_969 = arith.index_cast %add3A_965 : i32 to index
          %get3A_970 = tpu.vector_load %arg5[%get3A_968, %get3A_969] {strides = array<i32>} : memref<2x2560xi32, #tpu.memory_space<vmem>>, vector<1x16xi32>,
          %get3A_971 = vector.shape_cast %get3A_970 : vector<1x16xi32> to vector<16xi32>
          %and3A_972 = arith.constant 65535 : i32
          %and3A_973 = vector.broadcast %and3A_972 : i32 to vector<16xi32>
          %and3A_974 = arith.andi %get3A_971, %and3A_973 : vector<16xi32>
          %shift_right_arithmetic3A_975 = arith.constant 16 : i32
          %shift_right_arithmetic3A_976 = vector.broadcast %shift_right_arithmetic3A_975 : i32 to vector<16xi32>
          %shift_right_arithmetic3A_977 = arith.shrsi %get3A_971, %shift_right_arithmetic3A_976 : vector<16xi32>
          %max3A_978 = arith.constant 0 : i32
          %max3A_979 = vector.broadcast %max3A_978 : i32 to vector<16xi32>
          %max3A_980 = arith.maxsi %and3A_974, %max3A_979 : vector<16xi32>
          %mul3A_981 = arith.constant 19 : i32
          %mul3A_982 = vector.broadcast %mul3A_981 : i32 to vector<16xi32>
          %mul3A_983 = arith.muli %max3A_980, %mul3A_982 : vector<16xi32>
          %max3A_984 = arith.constant 0 : i32
          %max3A_985 = vector.broadcast %max3A_984 : i32 to vector<16xi32>
          %max3A_986 = arith.maxsi %shift_right_arithmetic3A_977, %max3A_985 : vector<16xi32>
          %add3A_987 = arith.addi %mul3A_983, %max3A_986 : vector<16xi32>
          %mul3A_988 = arith.constant 40 : i32
          %mul3A_989 = arith.muli %add3A_957, %mul3A_988 : i32
          %add3A_990 = arith.addi %mul3A_989, %add3A_961 : i32
          %swap3A_991 = arith.index_cast %add3A_990 : i32 to index
          %swap3A_992 = arith.constant 48 : index
          %swap3A_993 = tpu.vector_load %arg6[%swap3A_991, %swap3A_992] {strides = array<i32>} : memref<400x64xi32, #tpu.memory_space<vmem>>, vector<1x16xi32>,
          %swap3A_994 = vector.shape_cast %swap3A_993 : vector<1x16xi32> to vector<16xi32>
          %swap3A_995 = vector.shape_cast %add3A_987 : vector<16xi32> to vector<1x16xi32>
          tpu.vector_store %arg6[%swap3A_991, %swap3A_992], %swap3A_995 {strides = array<i32>} : memref<400x64xi32, #tpu.memory_space<vmem>>, vector<1x16xi32>,
          %add3A_996 = arith.constant 1 : i32
          %add3A_997 = arith.addi %scan3A_176, %add3A_996 : i32
          %mul3A_998 = arith.constant 8 : i32
          %mul3A_999 = arith.muli %scan3A_186, %mul3A_998 : i32
          %add3A_1000 = arith.constant 2 : i32
          %add3A_1001 = arith.addi %mul3A_999, %add3A_1000 : i32
          %mul3A_1002 = arith.constant 64 : i32
          %mul3A_1003 = arith.muli %add3A_1001, %mul3A_1002 : i32
          %add3A_1004 = arith.constant 0 : i32
          %add3A_1005 = arith.addi %mul3A_1003, %add3A_1004 : i32
          %rem3A_1006 = arith.constant 2 : i32
          %rem3A_1007 = arith.remsi %add3A_997, %rem3A_1006 : i32
          %get3A_1008 = arith.index_cast %rem3A_1007 : i32 to index
          %get3A_1009 = arith.index_cast %add3A_1005 : i32 to index
          %get3A_1010 = tpu.vector_load %arg5[%get3A_1008, %get3A_1009] {strides = array<i32>} : memref<2x2560xi32, #tpu.memory_space<vmem>>, vector<1x16xi32>,
          %get3A_1011 = vector.shape_cast %get3A_1010 : vector<1x16xi32> to vector<16xi32>
          %and3A_1012 = arith.constant 65535 : i32
          %and3A_1013 = vector.broadcast %and3A_1012 : i32 to vector<16xi32>
          %and3A_1014 = arith.andi %get3A_1011, %and3A_1013 : vector<16xi32>
          %shift_right_arithmetic3A_1015 = arith.constant 16 : i32
          %shift_right_arithmetic3A_1016 = vector.broadcast %shift_right_arithmetic3A_1015 : i32 to vector<16xi32>
          %shift_right_arithmetic3A_1017 = arith.shrsi %get3A_1011, %shift_right_arithmetic3A_1016 : vector<16xi32>
          %max3A_1018 = arith.constant 0 : i32
          %max3A_1019 = vector.broadcast %max3A_1018 : i32 to vector<16xi32>
          %max3A_1020 = arith.maxsi %and3A_1014, %max3A_1019 : vector<16xi32>
          %mul3A_1021 = arith.constant 19 : i32
          %mul3A_1022 = vector.broadcast %mul3A_1021 : i32 to vector<16xi32>
          %mul3A_1023 = arith.muli %max3A_1020, %mul3A_1022 : vector<16xi32>
          %max3A_1024 = arith.constant 0 : i32
          %max3A_1025 = vector.broadcast %max3A_1024 : i32 to vector<16xi32>
          %max3A_1026 = arith.maxsi %shift_right_arithmetic3A_1017, %max3A_1025 : vector<16xi32>
          %add3A_1027 = arith.addi %mul3A_1023, %max3A_1026 : vector<16xi32>
          %mul3A_1028 = arith.constant 40 : i32
          %mul3A_1029 = arith.muli %add3A_997, %mul3A_1028 : i32
          %add3A_1030 = arith.addi %mul3A_1029, %add3A_1001 : i32
          %swap3A_1031 = arith.index_cast %add3A_1030 : i32 to index
          %swap3A_1032 = arith.constant 0 : index
          %swap3A_1033 = tpu.vector_load %arg6[%swap3A_1031, %swap3A_1032] {strides = array<i32>} : memref<400x64xi32, #tpu.memory_space<vmem>>, vector<1x16xi32>,
          %swap3A_1034 = vector.shape_cast %swap3A_1033 : vector<1x16xi32> to vector<16xi32>
          %swap3A_1035 = vector.shape_cast %add3A_1027 : vector<16xi32> to vector<1x16xi32>
          tpu.vector_store %arg6[%swap3A_1031, %swap3A_1032], %swap3A_1035 {strides = array<i32>} : memref<400x64xi32, #tpu.memory_space<vmem>>, vector<1x16xi32>,
          %add3A_1036 = arith.constant 1 : i32
          %add3A_1037 = arith.addi %scan3A_176, %add3A_1036 : i32
          %mul3A_1038 = arith.constant 8 : i32
          %mul3A_1039 = arith.muli %scan3A_186, %mul3A_1038 : i32
          %add3A_1040 = arith.constant 2 : i32
          %add3A_1041 = arith.addi %mul3A_1039, %add3A_1040 : i32
          %mul3A_1042 = arith.constant 64 : i32
          %mul3A_1043 = arith.muli %add3A_1041, %mul3A_1042 : i32
          %add3A_1044 = arith.constant 16 : i32
          %add3A_1045 = arith.addi %mul3A_1043, %add3A_1044 : i32
          %rem3A_1046 = arith.constant 2 : i32
          %rem3A_1047 = arith.remsi %add3A_1037, %rem3A_1046 : i32
          %get3A_1048 = arith.index_cast %rem3A_1047 : i32 to index
          %get3A_1049 = arith.index_cast %add3A_1045 : i32 to index
          %get3A_1050 = tpu.vector_load %arg5[%get3A_1048, %get3A_1049] {strides = array<i32>} : memref<2x2560xi32, #tpu.memory_space<vmem>>, vector<1x16xi32>,
          %get3A_1051 = vector.shape_cast %get3A_1050 : vector<1x16xi32> to vector<16xi32>
          %and3A_1052 = arith.constant 65535 : i32
          %and3A_1053 = vector.broadcast %and3A_1052 : i32 to vector<16xi32>
          %and3A_1054 = arith.andi %get3A_1051, %and3A_1053 : vector<16xi32>
          %shift_right_arithmetic3A_1055 = arith.constant 16 : i32
          %shift_right_arithmetic3A_1056 = vector.broadcast %shift_right_arithmetic3A_1055 : i32 to vector<16xi32>
          %shift_right_arithmetic3A_1057 = arith.shrsi %get3A_1051, %shift_right_arithmetic3A_1056 : vector<16xi32>
          %max3A_1058 = arith.constant 0 : i32
          %max3A_1059 = vector.broadcast %max3A_1058 : i32 to vector<16xi32>
          %max3A_1060 = arith.maxsi %and3A_1054, %max3A_1059 : vector<16xi32>
          %mul3A_1061 = arith.constant 19 : i32
          %mul3A_1062 = vector.broadcast %mul3A_1061 : i32 to vector<16xi32>
          %mul3A_1063 = arith.muli %max3A_1060, %mul3A_1062 : vector<16xi32>
          %max3A_1064 = arith.constant 0 : i32
          %max3A_1065 = vector.broadcast %max3A_1064 : i32 to vector<16xi32>
          %max3A_1066 = arith.maxsi %shift_right_arithmetic3A_1057, %max3A_1065 : vector<16xi32>
          %add3A_1067 = arith.addi %mul3A_1063, %max3A_1066 : vector<16xi32>
          %mul3A_1068 = arith.constant 40 : i32
          %mul3A_1069 = arith.muli %add3A_1037, %mul3A_1068 : i32
          %add3A_1070 = arith.addi %mul3A_1069, %add3A_1041 : i32
          %swap3A_1071 = arith.index_cast %add3A_1070 : i32 to index
          %swap3A_1072 = arith.constant 16 : index
          %swap3A_1073 = tpu.vector_load %arg6[%swap3A_1071, %swap3A_1072] {strides = array<i32>} : memref<400x64xi32, #tpu.memory_space<vmem>>, vector<1x16xi32>,
          %swap3A_1074 = vector.shape_cast %swap3A_1073 : vector<1x16xi32> to vector<16xi32>
          %swap3A_1075 = vector.shape_cast %add3A_1067 : vector<16xi32> to vector<1x16xi32>
          tpu.vector_store %arg6[%swap3A_1071, %swap3A_1072], %swap3A_1075 {strides = array<i32>} : memref<400x64xi32, #tpu.memory_space<vmem>>, vector<1x16xi32>,
          %add3A_1076 = arith.constant 1 : i32
          %add3A_1077 = arith.addi %scan3A_176, %add3A_1076 : i32
          %mul3A_1078 = arith.constant 8 : i32
          %mul3A_1079 = arith.muli %scan3A_186, %mul3A_1078 : i32
          %add3A_1080 = arith.constant 2 : i32
          %add3A_1081 = arith.addi %mul3A_1079, %add3A_1080 : i32
          %mul3A_1082 = arith.constant 64 : i32
          %mul3A_1083 = arith.muli %add3A_1081, %mul3A_1082 : i32
          %add3A_1084 = arith.constant 32 : i32
          %add3A_1085 = arith.addi %mul3A_1083, %add3A_1084 : i32
          %rem3A_1086 = arith.constant 2 : i32
          %rem3A_1087 = arith.remsi %add3A_1077, %rem3A_1086 : i32
          %get3A_1088 = arith.index_cast %rem3A_1087 : i32 to index
          %get3A_1089 = arith.index_cast %add3A_1085 : i32 to index
          %get3A_1090 = tpu.vector_load %arg5[%get3A_1088, %get3A_1089] {strides = array<i32>} : memref<2x2560xi32, #tpu.memory_space<vmem>>, vector<1x16xi32>,
          %get3A_1091 = vector.shape_cast %get3A_1090 : vector<1x16xi32> to vector<16xi32>
          %and3A_1092 = arith.constant 65535 : i32
          %and3A_1093 = vector.broadcast %and3A_1092 : i32 to vector<16xi32>
          %and3A_1094 = arith.andi %get3A_1091, %and3A_1093 : vector<16xi32>
          %shift_right_arithmetic3A_1095 = arith.constant 16 : i32
          %shift_right_arithmetic3A_1096 = vector.broadcast %shift_right_arithmetic3A_1095 : i32 to vector<16xi32>
          %shift_right_arithmetic3A_1097 = arith.shrsi %get3A_1091, %shift_right_arithmetic3A_1096 : vector<16xi32>
          %max3A_1098 = arith.constant 0 : i32
          %max3A_1099 = vector.broadcast %max3A_1098 : i32 to vector<16xi32>
          %max3A_1100 = arith.maxsi %and3A_1094, %max3A_1099 : vector<16xi32>
          %mul3A_1101 = arith.constant 19 : i32
          %mul3A_1102 = vector.broadcast %mul3A_1101 : i32 to vector<16xi32>
          %mul3A_1103 = arith.muli %max3A_1100, %mul3A_1102 : vector<16xi32>
          %max3A_1104 = arith.constant 0 : i32
          %max3A_1105 = vector.broadcast %max3A_1104 : i32 to vector<16xi32>
          %max3A_1106 = arith.maxsi %shift_right_arithmetic3A_1097, %max3A_1105 : vector<16xi32>
          %add3A_1107 = arith.addi %mul3A_1103, %max3A_1106 : vector<16xi32>
          %mul3A_1108 = arith.constant 40 : i32
          %mul3A_1109 = arith.muli %add3A_1077, %mul3A_1108 : i32
          %add3A_1110 = arith.addi %mul3A_1109, %add3A_1081 : i32
          %swap3A_1111 = arith.index_cast %add3A_1110 : i32 to index
          %swap3A_1112 = arith.constant 32 : index
          %swap3A_1113 = tpu.vector_load %arg6[%swap3A_1111, %swap3A_1112] {strides = array<i32>} : memref<400x64xi32, #tpu.memory_space<vmem>>, vector<1x16xi32>,
          %swap3A_1114 = vector.shape_cast %swap3A_1113 : vector<1x16xi32> to vector<16xi32>
          %swap3A_1115 = vector.shape_cast %add3A_1107 : vector<16xi32> to vector<1x16xi32>
          tpu.vector_store %arg6[%swap3A_1111, %swap3A_1112], %swap3A_1115 {strides = array<i32>} : memref<400x64xi32, #tpu.memory_space<vmem>>, vector<1x16xi32>,
          %add3A_1116 = arith.constant 1 : i32
          %add3A_1117 = arith.addi %scan3A_176, %add3A_1116 : i32
          %mul3A_1118 = arith.constant 8 : i32
          %mul3A_1119 = arith.muli %scan3A_186, %mul3A_1118 : i32
          %add3A_1120 = arith.constant 2 : i32
          %add3A_1121 = arith.addi %mul3A_1119, %add3A_1120 : i32
          %mul3A_1122 = arith.constant 64 : i32
          %mul3A_1123 = arith.muli %add3A_1121, %mul3A_1122 : i32
          %add3A_1124 = arith.constant 48 : i32
          %add3A_1125 = arith.addi %mul3A_1123, %add3A_1124 : i32
          %rem3A_1126 = arith.constant 2 : i32
          %rem3A_1127 = arith.remsi %add3A_1117, %rem3A_1126 : i32
          %get3A_1128 = arith.index_cast %rem3A_1127 : i32 to index
          %get3A_1129 = arith.index_cast %add3A_1125 : i32 to index
          %get3A_1130 = tpu.vector_load %arg5[%get3A_1128, %get3A_1129] {strides = array<i32>} : memref<2x2560xi32, #tpu.memory_space<vmem>>, vector<1x16xi32>,
          %get3A_1131 = vector.shape_cast %get3A_1130 : vector<1x16xi32> to vector<16xi32>
          %and3A_1132 = arith.constant 65535 : i32
          %and3A_1133 = vector.broadcast %and3A_1132 : i32 to vector<16xi32>
          %and3A_1134 = arith.andi %get3A_1131, %and3A_1133 : vector<16xi32>
          %shift_right_arithmetic3A_1135 = arith.constant 16 : i32
          %shift_right_arithmetic3A_1136 = vector.broadcast %shift_right_arithmetic3A_1135 : i32 to vector<16xi32>
          %shift_right_arithmetic3A_1137 = arith.shrsi %get3A_1131, %shift_right_arithmetic3A_1136 : vector<16xi32>
          %max3A_1138 = arith.constant 0 : i32
          %max3A_1139 = vector.broadcast %max3A_1138 : i32 to vector<16xi32>
          %max3A_1140 = arith.maxsi %and3A_1134, %max3A_1139 : vector<16xi32>
          %mul3A_1141 = arith.constant 19 : i32
          %mul3A_1142 = vector.broadcast %mul3A_1141 : i32 to vector<16xi32>
          %mul3A_1143 = arith.muli %max3A_1140, %mul3A_1142 : vector<16xi32>
          %max3A_1144 = arith.constant 0 : i32
          %max3A_1145 = vector.broadcast %max3A_1144 : i32 to vector<16xi32>
          %max3A_1146 = arith.maxsi %shift_right_arithmetic3A_1137, %max3A_1145 : vector<16xi32>
          %add3A_1147 = arith.addi %mul3A_1143, %max3A_1146 : vector<16xi32>
          %mul3A_1148 = arith.constant 40 : i32
          %mul3A_1149 = arith.muli %add3A_1117, %mul3A_1148 : i32
          %add3A_1150 = arith.addi %mul3A_1149, %add3A_1121 : i32
          %swap3A_1151 = arith.index_cast %add3A_1150 : i32 to index
          %swap3A_1152 = arith.constant 48 : index
          %swap3A_1153 = tpu.vector_load %arg6[%swap3A_1151, %swap3A_1152] {strides = array<i32>} : memref<400x64xi32, #tpu.memory_space<vmem>>, vector<1x16xi32>,
          %swap3A_1154 = vector.shape_cast %swap3A_1153 : vector<1x16xi32> to vector<16xi32>
          %swap3A_1155 = vector.shape_cast %add3A_1147 : vector<16xi32> to vector<1x16xi32>
          tpu.vector_store %arg6[%swap3A_1151, %swap3A_1152], %swap3A_1155 {strides = array<i32>} : memref<400x64xi32, #tpu.memory_space<vmem>>, vector<1x16xi32>,
          %add3A_1156 = arith.constant 1 : i32
          %add3A_1157 = arith.addi %scan3A_176, %add3A_1156 : i32
          %mul3A_1158 = arith.constant 8 : i32
          %mul3A_1159 = arith.muli %scan3A_186, %mul3A_1158 : i32
          %add3A_1160 = arith.constant 3 : i32
          %add3A_1161 = arith.addi %mul3A_1159, %add3A_1160 : i32
          %mul3A_1162 = arith.constant 64 : i32
          %mul3A_1163 = arith.muli %add3A_1161, %mul3A_1162 : i32
          %add3A_1164 = arith.constant 0 : i32
          %add3A_1165 = arith.addi %mul3A_1163, %add3A_1164 : i32
          %rem3A_1166 = arith.constant 2 : i32
          %rem3A_1167 = arith.remsi %add3A_1157, %rem3A_1166 : i32
          %get3A_1168 = arith.index_cast %rem3A_1167 : i32 to index
          %get3A_1169 = arith.index_cast %add3A_1165 : i32 to index
          %get3A_1170 = tpu.vector_load %arg5[%get3A_1168, %get3A_1169] {strides = array<i32>} : memref<2x2560xi32, #tpu.memory_space<vmem>>, vector<1x16xi32>,
          %get3A_1171 = vector.shape_cast %get3A_1170 : vector<1x16xi32> to vector<16xi32>
          %and3A_1172 = arith.constant 65535 : i32
          %and3A_1173 = vector.broadcast %and3A_1172 : i32 to vector<16xi32>
          %and3A_1174 = arith.andi %get3A_1171, %and3A_1173 : vector<16xi32>
          %shift_right_arithmetic3A_1175 = arith.constant 16 : i32
          %shift_right_arithmetic3A_1176 = vector.broadcast %shift_right_arithmetic3A_1175 : i32 to vector<16xi32>
          %shift_right_arithmetic3A_1177 = arith.shrsi %get3A_1171, %shift_right_arithmetic3A_1176 : vector<16xi32>
          %max3A_1178 = arith.constant 0 : i32
          %max3A_1179 = vector.broadcast %max3A_1178 : i32 to vector<16xi32>
          %max3A_1180 = arith.maxsi %and3A_1174, %max3A_1179 : vector<16xi32>
          %mul3A_1181 = arith.constant 19 : i32
          %mul3A_1182 = vector.broadcast %mul3A_1181 : i32 to vector<16xi32>
          %mul3A_1183 = arith.muli %max3A_1180, %mul3A_1182 : vector<16xi32>
          %max3A_1184 = arith.constant 0 : i32
          %max3A_1185 = vector.broadcast %max3A_1184 : i32 to vector<16xi32>
          %max3A_1186 = arith.maxsi %shift_right_arithmetic3A_1177, %max3A_1185 : vector<16xi32>
          %add3A_1187 = arith.addi %mul3A_1183, %max3A_1186 : vector<16xi32>
          %mul3A_1188 = arith.constant 40 : i32
          %mul3A_1189 = arith.muli %add3A_1157, %mul3A_1188 : i32
          %add3A_1190 = arith.addi %mul3A_1189, %add3A_1161 : i32
          %swap3A_1191 = arith.index_cast %add3A_1190 : i32 to index
          %swap3A_1192 = arith.constant 0 : index
          %swap3A_1193 = tpu.vector_load %arg6[%swap3A_1191, %swap3A_1192] {strides = array<i32>} : memref<400x64xi32, #tpu.memory_space<vmem>>, vector<1x16xi32>,
          %swap3A_1194 = vector.shape_cast %swap3A_1193 : vector<1x16xi32> to vector<16xi32>
          %swap3A_1195 = vector.shape_cast %add3A_1187 : vector<16xi32> to vector<1x16xi32>
          tpu.vector_store %arg6[%swap3A_1191, %swap3A_1192], %swap3A_1195 {strides = array<i32>} : memref<400x64xi32, #tpu.memory_space<vmem>>, vector<1x16xi32>,
          %add3A_1196 = arith.constant 1 : i32
          %add3A_1197 = arith.addi %scan3A_176, %add3A_1196 : i32
          %mul3A_1198 = arith.constant 8 : i32
          %mul3A_1199 = arith.muli %scan3A_186, %mul3A_1198 : i32
          %add3A_1200 = arith.constant 3 : i32
          %add3A_1201 = arith.addi %mul3A_1199, %add3A_1200 : i32
          %mul3A_1202 = arith.constant 64 : i32
          %mul3A_1203 = arith.muli %add3A_1201, %mul3A_1202 : i32
          %add3A_1204 = arith.constant 16 : i32
          %add3A_1205 = arith.addi %mul3A_1203, %add3A_1204 : i32
          %rem3A_1206 = arith.constant 2 : i32
          %rem3A_1207 = arith.remsi %add3A_1197, %rem3A_1206 : i32
          %get3A_1208 = arith.index_cast %rem3A_1207 : i32 to index
          %get3A_1209 = arith.index_cast %add3A_1205 : i32 to index
          %get3A_1210 = tpu.vector_load %arg5[%get3A_1208, %get3A_1209] {strides = array<i32>} : memref<2x2560xi32, #tpu.memory_space<vmem>>, vector<1x16xi32>,
          %get3A_1211 = vector.shape_cast %get3A_1210 : vector<1x16xi32> to vector<16xi32>
          %and3A_1212 = arith.constant 65535 : i32
          %and3A_1213 = vector.broadcast %and3A_1212 : i32 to vector<16xi32>
          %and3A_1214 = arith.andi %get3A_1211, %and3A_1213 : vector<16xi32>
          %shift_right_arithmetic3A_1215 = arith.constant 16 : i32
          %shift_right_arithmetic3A_1216 = vector.broadcast %shift_right_arithmetic3A_1215 : i32 to vector<16xi32>
          %shift_right_arithmetic3A_1217 = arith.shrsi %get3A_1211, %shift_right_arithmetic3A_1216 : vector<16xi32>
          %max3A_1218 = arith.constant 0 : i32
          %max3A_1219 = vector.broadcast %max3A_1218 : i32 to vector<16xi32>
          %max3A_1220 = arith.maxsi %and3A_1214, %max3A_1219 : vector<16xi32>
          %mul3A_1221 = arith.constant 19 : i32
          %mul3A_1222 = vector.broadcast %mul3A_1221 : i32 to vector<16xi32>
          %mul3A_1223 = arith.muli %max3A_1220, %mul3A_1222 : vector<16xi32>
          %max3A_1224 = arith.constant 0 : i32
          %max3A_1225 = vector.broadcast %max3A_1224 : i32 to vector<16xi32>
          %max3A_1226 = arith.maxsi %shift_right_arithmetic3A_1217, %max3A_1225 : vector<16xi32>
          %add3A_1227 = arith.addi %mul3A_1223, %max3A_1226 : vector<16xi32>
          %mul3A_1228 = arith.constant 40 : i32
          %mul3A_1229 = arith.muli %add3A_1197, %mul3A_1228 : i32
          %add3A_1230 = arith.addi %mul3A_1229, %add3A_1201 : i32
          %swap3A_1231 = arith.index_cast %add3A_1230 : i32 to index
          %swap3A_1232 = arith.constant 16 : index
          %swap3A_1233 = tpu.vector_load %arg6[%swap3A_1231, %swap3A_1232] {strides = array<i32>} : memref<400x64xi32, #tpu.memory_space<vmem>>, vector<1x16xi32>,
          %swap3A_1234 = vector.shape_cast %swap3A_1233 : vector<1x16xi32> to vector<16xi32>
          %swap3A_1235 = vector.shape_cast %add3A_1227 : vector<16xi32> to vector<1x16xi32>
          tpu.vector_store %arg6[%swap3A_1231, %swap3A_1232], %swap3A_1235 {strides = array<i32>} : memref<400x64xi32, #tpu.memory_space<vmem>>, vector<1x16xi32>,
          %add3A_1236 = arith.constant 1 : i32
          %add3A_1237 = arith.addi %scan3A_176, %add3A_1236 : i32
          %mul3A_1238 = arith.constant 8 : i32
          %mul3A_1239 = arith.muli %scan3A_186, %mul3A_1238 : i32
          %add3A_1240 = arith.constant 3 : i32
          %add3A_1241 = arith.addi %mul3A_1239, %add3A_1240 : i32
          %mul3A_1242 = arith.constant 64 : i32
          %mul3A_1243 = arith.muli %add3A_1241, %mul3A_1242 : i32
          %add3A_1244 = arith.constant 32 : i32
          %add3A_1245 = arith.addi %mul3A_1243, %add3A_1244 : i32
          %rem3A_1246 = arith.constant 2 : i32
          %rem3A_1247 = arith.remsi %add3A_1237, %rem3A_1246 : i32
          %get3A_1248 = arith.index_cast %rem3A_1247 : i32 to index
          %get3A_1249 = arith.index_cast %add3A_1245 : i32 to index
          %get3A_1250 = tpu.vector_load %arg5[%get3A_1248, %get3A_1249] {strides = array<i32>} : memref<2x2560xi32, #tpu.memory_space<vmem>>, vector<1x16xi32>,
          %get3A_1251 = vector.shape_cast %get3A_1250 : vector<1x16xi32> to vector<16xi32>
          %and3A_1252 = arith.constant 65535 : i32
          %and3A_1253 = vector.broadcast %and3A_1252 : i32 to vector<16xi32>
          %and3A_1254 = arith.andi %get3A_1251, %and3A_1253 : vector<16xi32>
          %shift_right_arithmetic3A_1255 = arith.constant 16 : i32
          %shift_right_arithmetic3A_1256 = vector.broadcast %shift_right_arithmetic3A_1255 : i32 to vector<16xi32>
          %shift_right_arithmetic3A_1257 = arith.shrsi %get3A_1251, %shift_right_arithmetic3A_1256 : vector<16xi32>
          %max3A_1258 = arith.constant 0 : i32
          %max3A_1259 = vector.broadcast %max3A_1258 : i32 to vector<16xi32>
          %max3A_1260 = arith.maxsi %and3A_1254, %max3A_1259 : vector<16xi32>
          %mul3A_1261 = arith.constant 19 : i32
          %mul3A_1262 = vector.broadcast %mul3A_1261 : i32 to vector<16xi32>
          %mul3A_1263 = arith.muli %max3A_1260, %mul3A_1262 : vector<16xi32>
          %max3A_1264 = arith.constant 0 : i32
          %max3A_1265 = vector.broadcast %max3A_1264 : i32 to vector<16xi32>
          %max3A_1266 = arith.maxsi %shift_right_arithmetic3A_1257, %max3A_1265 : vector<16xi32>
          %add3A_1267 = arith.addi %mul3A_1263, %max3A_1266 : vector<16xi32>
          %mul3A_1268 = arith.constant 40 : i32
          %mul3A_1269 = arith.muli %add3A_1237, %mul3A_1268 : i32
          %add3A_1270 = arith.addi %mul3A_1269, %add3A_1241 : i32
          %swap3A_1271 = arith.index_cast %add3A_1270 : i32 to index
          %swap3A_1272 = arith.constant 32 : index
          %swap3A_1273 = tpu.vector_load %arg6[%swap3A_1271, %swap3A_1272] {strides = array<i32>} : memref<400x64xi32, #tpu.memory_space<vmem>>, vector<1x16xi32>,
          %swap3A_1274 = vector.shape_cast %swap3A_1273 : vector<1x16xi32> to vector<16xi32>
          %swap3A_1275 = vector.shape_cast %add3A_1267 : vector<16xi32> to vector<1x16xi32>
          tpu.vector_store %arg6[%swap3A_1271, %swap3A_1272], %swap3A_1275 {strides = array<i32>} : memref<400x64xi32, #tpu.memory_space<vmem>>, vector<1x16xi32>,
          %add3A_1276 = arith.constant 1 : i32
          %add3A_1277 = arith.addi %scan3A_176, %add3A_1276 : i32
          %mul3A_1278 = arith.constant 8 : i32
          %mul3A_1279 = arith.muli %scan3A_186, %mul3A_1278 : i32
          %add3A_1280 = arith.constant 3 : i32
          %add3A_1281 = arith.addi %mul3A_1279, %add3A_1280 : i32
          %mul3A_1282 = arith.constant 64 : i32
          %mul3A_1283 = arith.muli %add3A_1281, %mul3A_1282 : i32
          %add3A_1284 = arith.constant 48 : i32
          %add3A_1285 = arith.addi %mul3A_1283, %add3A_1284 : i32
          %rem3A_1286 = arith.constant 2 : i32
          %rem3A_1287 = arith.remsi %add3A_1277, %rem3A_1286 : i32
          %get3A_1288 = arith.index_cast %rem3A_1287 : i32 to index
          %get3A_1289 = arith.index_cast %add3A_1285 : i32 to index
          %get3A_1290 = tpu.vector_load %arg5[%get3A_1288, %get3A_1289] {strides = array<i32>} : memref<2x2560xi32, #tpu.memory_space<vmem>>, vector<1x16xi32>,
          %get3A_1291 = vector.shape_cast %get3A_1290 : vector<1x16xi32> to vector<16xi32>
          %and3A_1292 = arith.constant 65535 : i32
          %and3A_1293 = vector.broadcast %and3A_1292 : i32 to vector<16xi32>
          %and3A_1294 = arith.andi %get3A_1291, %and3A_1293 : vector<16xi32>
          %shift_right_arithmetic3A_1295 = arith.constant 16 : i32
          %shift_right_arithmetic3A_1296 = vector.broadcast %shift_right_arithmetic3A_1295 : i32 to vector<16xi32>
          %shift_right_arithmetic3A_1297 = arith.shrsi %get3A_1291, %shift_right_arithmetic3A_1296 : vector<16xi32>
          %max3A_1298 = arith.constant 0 : i32
          %max3A_1299 = vector.broadcast %max3A_1298 : i32 to vector<16xi32>
          %max3A_1300 = arith.maxsi %and3A_1294, %max3A_1299 : vector<16xi32>
          %mul3A_1301 = arith.constant 19 : i32
          %mul3A_1302 = vector.broadcast %mul3A_1301 : i32 to vector<16xi32>
          %mul3A_1303 = arith.muli %max3A_1300, %mul3A_1302 : vector<16xi32>
          %max3A_1304 = arith.constant 0 : i32
          %max3A_1305 = vector.broadcast %max3A_1304 : i32 to vector<16xi32>
          %max3A_1306 = arith.maxsi %shift_right_arithmetic3A_1297, %max3A_1305 : vector<16xi32>
          %add3A_1307 = arith.addi %mul3A_1303, %max3A_1306 : vector<16xi32>
          %mul3A_1308 = arith.constant 40 : i32
          %mul3A_1309 = arith.muli %add3A_1277, %mul3A_1308 : i32
          %add3A_1310 = arith.addi %mul3A_1309, %add3A_1281 : i32
          %swap3A_1311 = arith.index_cast %add3A_1310 : i32 to index
          %swap3A_1312 = arith.constant 48 : index
          %swap3A_1313 = tpu.vector_load %arg6[%swap3A_1311, %swap3A_1312] {strides = array<i32>} : memref<400x64xi32, #tpu.memory_space<vmem>>, vector<1x16xi32>,
          %swap3A_1314 = vector.shape_cast %swap3A_1313 : vector<1x16xi32> to vector<16xi32>
          %swap3A_1315 = vector.shape_cast %add3A_1307 : vector<16xi32> to vector<1x16xi32>
          tpu.vector_store %arg6[%swap3A_1311, %swap3A_1312], %swap3A_1315 {strides = array<i32>} : memref<400x64xi32, #tpu.memory_space<vmem>>, vector<1x16xi32>,
          %add3A_1316 = arith.constant 1 : i32
          %add3A_1317 = arith.addi %scan3A_176, %add3A_1316 : i32
          %mul3A_1318 = arith.constant 8 : i32
          %mul3A_1319 = arith.muli %scan3A_186, %mul3A_1318 : i32
          %add3A_1320 = arith.constant 4 : i32
          %add3A_1321 = arith.addi %mul3A_1319, %add3A_1320 : i32
          %mul3A_1322 = arith.constant 64 : i32
          %mul3A_1323 = arith.muli %add3A_1321, %mul3A_1322 : i32
          %add3A_1324 = arith.constant 0 : i32
          %add3A_1325 = arith.addi %mul3A_1323, %add3A_1324 : i32
          %rem3A_1326 = arith.constant 2 : i32
          %rem3A_1327 = arith.remsi %add3A_1317, %rem3A_1326 : i32
          %get3A_1328 = arith.index_cast %rem3A_1327 : i32 to index
          %get3A_1329 = arith.index_cast %add3A_1325 : i32 to index
          %get3A_1330 = tpu.vector_load %arg5[%get3A_1328, %get3A_1329] {strides = array<i32>} : memref<2x2560xi32, #tpu.memory_space<vmem>>, vector<1x16xi32>,
          %get3A_1331 = vector.shape_cast %get3A_1330 : vector<1x16xi32> to vector<16xi32>
          %and3A_1332 = arith.constant 65535 : i32
          %and3A_1333 = vector.broadcast %and3A_1332 : i32 to vector<16xi32>
          %and3A_1334 = arith.andi %get3A_1331, %and3A_1333 : vector<16xi32>
          %shift_right_arithmetic3A_1335 = arith.constant 16 : i32
          %shift_right_arithmetic3A_1336 = vector.broadcast %shift_right_arithmetic3A_1335 : i32 to vector<16xi32>
          %shift_right_arithmetic3A_1337 = arith.shrsi %get3A_1331, %shift_right_arithmetic3A_1336 : vector<16xi32>
          %max3A_1338 = arith.constant 0 : i32
          %max3A_1339 = vector.broadcast %max3A_1338 : i32 to vector<16xi32>
          %max3A_1340 = arith.maxsi %and3A_1334, %max3A_1339 : vector<16xi32>
          %mul3A_1341 = arith.constant 19 : i32
          %mul3A_1342 = vector.broadcast %mul3A_1341 : i32 to vector<16xi32>
          %mul3A_1343 = arith.muli %max3A_1340, %mul3A_1342 : vector<16xi32>
          %max3A_1344 = arith.constant 0 : i32
          %max3A_1345 = vector.broadcast %max3A_1344 : i32 to vector<16xi32>
          %max3A_1346 = arith.maxsi %shift_right_arithmetic3A_1337, %max3A_1345 : vector<16xi32>
          %add3A_1347 = arith.addi %mul3A_1343, %max3A_1346 : vector<16xi32>
          %mul3A_1348 = arith.constant 40 : i32
          %mul3A_1349 = arith.muli %add3A_1317, %mul3A_1348 : i32
          %add3A_1350 = arith.addi %mul3A_1349, %add3A_1321 : i32
          %swap3A_1351 = arith.index_cast %add3A_1350 : i32 to index
          %swap3A_1352 = arith.constant 0 : index
          %swap3A_1353 = tpu.vector_load %arg6[%swap3A_1351, %swap3A_1352] {strides = array<i32>} : memref<400x64xi32, #tpu.memory_space<vmem>>, vector<1x16xi32>,
          %swap3A_1354 = vector.shape_cast %swap3A_1353 : vector<1x16xi32> to vector<16xi32>
          %swap3A_1355 = vector.shape_cast %add3A_1347 : vector<16xi32> to vector<1x16xi32>
          tpu.vector_store %arg6[%swap3A_1351, %swap3A_1352], %swap3A_1355 {strides = array<i32>} : memref<400x64xi32, #tpu.memory_space<vmem>>, vector<1x16xi32>,
          %add3A_1356 = arith.constant 1 : i32
          %add3A_1357 = arith.addi %scan3A_176, %add3A_1356 : i32
          %mul3A_1358 = arith.constant 8 : i32
          %mul3A_1359 = arith.muli %scan3A_186, %mul3A_1358 : i32
          %add3A_1360 = arith.constant 4 : i32
          %add3A_1361 = arith.addi %mul3A_1359, %add3A_1360 : i32
          %mul3A_1362 = arith.constant 64 : i32
          %mul3A_1363 = arith.muli %add3A_1361, %mul3A_1362 : i32
          %add3A_1364 = arith.constant 16 : i32
          %add3A_1365 = arith.addi %mul3A_1363, %add3A_1364 : i32
          %rem3A_1366 = arith.constant 2 : i32
          %rem3A_1367 = arith.remsi %add3A_1357, %rem3A_1366 : i32
          %get3A_1368 = arith.index_cast %rem3A_1367 : i32 to index
          %get3A_1369 = arith.index_cast %add3A_1365 : i32 to index
          %get3A_1370 = tpu.vector_load %arg5[%get3A_1368, %get3A_1369] {strides = array<i32>} : memref<2x2560xi32, #tpu.memory_space<vmem>>, vector<1x16xi32>,
          %get3A_1371 = vector.shape_cast %get3A_1370 : vector<1x16xi32> to vector<16xi32>
          %and3A_1372 = arith.constant 65535 : i32
          %and3A_1373 = vector.broadcast %and3A_1372 : i32 to vector<16xi32>
          %and3A_1374 = arith.andi %get3A_1371, %and3A_1373 : vector<16xi32>
          %shift_right_arithmetic3A_1375 = arith.constant 16 : i32
          %shift_right_arithmetic3A_1376 = vector.broadcast %shift_right_arithmetic3A_1375 : i32 to vector<16xi32>
          %shift_right_arithmetic3A_1377 = arith.shrsi %get3A_1371, %shift_right_arithmetic3A_1376 : vector<16xi32>
          %max3A_1378 = arith.constant 0 : i32
          %max3A_1379 = vector.broadcast %max3A_1378 : i32 to vector<16xi32>
          %max3A_1380 = arith.maxsi %and3A_1374, %max3A_1379 : vector<16xi32>
          %mul3A_1381 = arith.constant 19 : i32
          %mul3A_1382 = vector.broadcast %mul3A_1381 : i32 to vector<16xi32>
          %mul3A_1383 = arith.muli %max3A_1380, %mul3A_1382 : vector<16xi32>
          %max3A_1384 = arith.constant 0 : i32
          %max3A_1385 = vector.broadcast %max3A_1384 : i32 to vector<16xi32>
          %max3A_1386 = arith.maxsi %shift_right_arithmetic3A_1377, %max3A_1385 : vector<16xi32>
          %add3A_1387 = arith.addi %mul3A_1383, %max3A_1386 : vector<16xi32>
          %mul3A_1388 = arith.constant 40 : i32
          %mul3A_1389 = arith.muli %add3A_1357, %mul3A_1388 : i32
          %add3A_1390 = arith.addi %mul3A_1389, %add3A_1361 : i32
          %swap3A_1391 = arith.index_cast %add3A_1390 : i32 to index
          %swap3A_1392 = arith.constant 16 : index
          %swap3A_1393 = tpu.vector_load %arg6[%swap3A_1391, %swap3A_1392] {strides = array<i32>} : memref<400x64xi32, #tpu.memory_space<vmem>>, vector<1x16xi32>,
          %swap3A_1394 = vector.shape_cast %swap3A_1393 : vector<1x16xi32> to vector<16xi32>
          %swap3A_1395 = vector.shape_cast %add3A_1387 : vector<16xi32> to vector<1x16xi32>
          tpu.vector_store %arg6[%swap3A_1391, %swap3A_1392], %swap3A_1395 {strides = array<i32>} : memref<400x64xi32, #tpu.memory_space<vmem>>, vector<1x16xi32>,
          %add3A_1396 = arith.constant 1 : i32
          %add3A_1397 = arith.addi %scan3A_176, %add3A_1396 : i32
          %mul3A_1398 = arith.constant 8 : i32
          %mul3A_1399 = arith.muli %scan3A_186, %mul3A_1398 : i32
          %add3A_1400 = arith.constant 4 : i32
          %add3A_1401 = arith.addi %mul3A_1399, %add3A_1400 : i32
          %mul3A_1402 = arith.constant 64 : i32
          %mul3A_1403 = arith.muli %add3A_1401, %mul3A_1402 : i32
          %add3A_1404 = arith.constant 32 : i32
          %add3A_1405 = arith.addi %mul3A_1403, %add3A_1404 : i32
          %rem3A_1406 = arith.constant 2 : i32
          %rem3A_1407 = arith.remsi %add3A_1397, %rem3A_1406 : i32
          %get3A_1408 = arith.index_cast %rem3A_1407 : i32 to index
          %get3A_1409 = arith.index_cast %add3A_1405 : i32 to index
          %get3A_1410 = tpu.vector_load %arg5[%get3A_1408, %get3A_1409] {strides = array<i32>} : memref<2x2560xi32, #tpu.memory_space<vmem>>, vector<1x16xi32>,
          %get3A_1411 = vector.shape_cast %get3A_1410 : vector<1x16xi32> to vector<16xi32>
          %and3A_1412 = arith.constant 65535 : i32
          %and3A_1413 = vector.broadcast %and3A_1412 : i32 to vector<16xi32>
          %and3A_1414 = arith.andi %get3A_1411, %and3A_1413 : vector<16xi32>
          %shift_right_arithmetic3A_1415 = arith.constant 16 : i32
          %shift_right_arithmetic3A_1416 = vector.broadcast %shift_right_arithmetic3A_1415 : i32 to vector<16xi32>
          %shift_right_arithmetic3A_1417 = arith.shrsi %get3A_1411, %shift_right_arithmetic3A_1416 : vector<16xi32>
          %max3A_1418 = arith.constant 0 : i32
          %max3A_1419 = vector.broadcast %max3A_1418 : i32 to vector<16xi32>
          %max3A_1420 = arith.maxsi %and3A_1414, %max3A_1419 : vector<16xi32>
          %mul3A_1421 = arith.constant 19 : i32
          %mul3A_1422 = vector.broadcast %mul3A_1421 : i32 to vector<16xi32>
          %mul3A_1423 = arith.muli %max3A_1420, %mul3A_1422 : vector<16xi32>
          %max3A_1424 = arith.constant 0 : i32
          %max3A_1425 = vector.broadcast %max3A_1424 : i32 to vector<16xi32>
          %max3A_1426 = arith.maxsi %shift_right_arithmetic3A_1417, %max3A_1425 : vector<16xi32>
          %add3A_1427 = arith.addi %mul3A_1423, %max3A_1426 : vector<16xi32>
          %mul3A_1428 = arith.constant 40 : i32
          %mul3A_1429 = arith.muli %add3A_1397, %mul3A_1428 : i32
          %add3A_1430 = arith.addi %mul3A_1429, %add3A_1401 : i32
          %swap3A_1431 = arith.index_cast %add3A_1430 : i32 to index
          %swap3A_1432 = arith.constant 32 : index
          %swap3A_1433 = tpu.vector_load %arg6[%swap3A_1431, %swap3A_1432] {strides = array<i32>} : memref<400x64xi32, #tpu.memory_space<vmem>>, vector<1x16xi32>,
          %swap3A_1434 = vector.shape_cast %swap3A_1433 : vector<1x16xi32> to vector<16xi32>
          %swap3A_1435 = vector.shape_cast %add3A_1427 : vector<16xi32> to vector<1x16xi32>
          tpu.vector_store %arg6[%swap3A_1431, %swap3A_1432], %swap3A_1435 {strides = array<i32>} : memref<400x64xi32, #tpu.memory_space<vmem>>, vector<1x16xi32>,
          %add3A_1436 = arith.constant 1 : i32
          %add3A_1437 = arith.addi %scan3A_176, %add3A_1436 : i32
          %mul3A_1438 = arith.constant 8 : i32
          %mul3A_1439 = arith.muli %scan3A_186, %mul3A_1438 : i32
          %add3A_1440 = arith.constant 4 : i32
          %add3A_1441 = arith.addi %mul3A_1439, %add3A_1440 : i32
          %mul3A_1442 = arith.constant 64 : i32
          %mul3A_1443 = arith.muli %add3A_1441, %mul3A_1442 : i32
          %add3A_1444 = arith.constant 48 : i32
          %add3A_1445 = arith.addi %mul3A_1443, %add3A_1444 : i32
          %rem3A_1446 = arith.constant 2 : i32
          %rem3A_1447 = arith.remsi %add3A_1437, %rem3A_1446 : i32
          %get3A_1448 = arith.index_cast %rem3A_1447 : i32 to index
          %get3A_1449 = arith.index_cast %add3A_1445 : i32 to index
          %get3A_1450 = tpu.vector_load %arg5[%get3A_1448, %get3A_1449] {strides = array<i32>} : memref<2x2560xi32, #tpu.memory_space<vmem>>, vector<1x16xi32>,
          %get3A_1451 = vector.shape_cast %get3A_1450 : vector<1x16xi32> to vector<16xi32>
          %and3A_1452 = arith.constant 65535 : i32
          %and3A_1453 = vector.broadcast %and3A_1452 : i32 to vector<16xi32>
          %and3A_1454 = arith.andi %get3A_1451, %and3A_1453 : vector<16xi32>
          %shift_right_arithmetic3A_1455 = arith.constant 16 : i32
          %shift_right_arithmetic3A_1456 = vector.broadcast %shift_right_arithmetic3A_1455 : i32 to vector<16xi32>
          %shift_right_arithmetic3A_1457 = arith.shrsi %get3A_1451, %shift_right_arithmetic3A_1456 : vector<16xi32>
          %max3A_1458 = arith.constant 0 : i32
          %max3A_1459 = vector.broadcast %max3A_1458 : i32 to vector<16xi32>
          %max3A_1460 = arith.maxsi %and3A_1454, %max3A_1459 : vector<16xi32>
          %mul3A_1461 = arith.constant 19 : i32
          %mul3A_1462 = vector.broadcast %mul3A_1461 : i32 to vector<16xi32>
          %mul3A_1463 = arith.muli %max3A_1460, %mul3A_1462 : vector<16xi32>
          %max3A_1464 = arith.constant 0 : i32
          %max3A_1465 = vector.broadcast %max3A_1464 : i32 to vector<16xi32>
          %max3A_1466 = arith.maxsi %shift_right_arithmetic3A_1457, %max3A_1465 : vector<16xi32>
          %add3A_1467 = arith.addi %mul3A_1463, %max3A_1466 : vector<16xi32>
          %mul3A_1468 = arith.constant 40 : i32
          %mul3A_1469 = arith.muli %add3A_1437, %mul3A_1468 : i32
          %add3A_1470 = arith.addi %mul3A_1469, %add3A_1441 : i32
          %swap3A_1471 = arith.index_cast %add3A_1470 : i32 to index
          %swap3A_1472 = arith.constant 48 : index
          %swap3A_1473 = tpu.vector_load %arg6[%swap3A_1471, %swap3A_1472] {strides = array<i32>} : memref<400x64xi32, #tpu.memory_space<vmem>>, vector<1x16xi32>,
          %swap3A_1474 = vector.shape_cast %swap3A_1473 : vector<1x16xi32> to vector<16xi32>
          %swap3A_1475 = vector.shape_cast %add3A_1467 : vector<16xi32> to vector<1x16xi32>
          tpu.vector_store %arg6[%swap3A_1471, %swap3A_1472], %swap3A_1475 {strides = array<i32>} : memref<400x64xi32, #tpu.memory_space<vmem>>, vector<1x16xi32>,
          %add3A_1476 = arith.constant 1 : i32
          %add3A_1477 = arith.addi %scan3A_176, %add3A_1476 : i32
          %mul3A_1478 = arith.constant 8 : i32
          %mul3A_1479 = arith.muli %scan3A_186, %mul3A_1478 : i32
          %add3A_1480 = arith.constant 5 : i32
          %add3A_1481 = arith.addi %mul3A_1479, %add3A_1480 : i32
          %mul3A_1482 = arith.constant 64 : i32
          %mul3A_1483 = arith.muli %add3A_1481, %mul3A_1482 : i32
          %add3A_1484 = arith.constant 0 : i32
          %add3A_1485 = arith.addi %mul3A_1483, %add3A_1484 : i32
          %rem3A_1486 = arith.constant 2 : i32
          %rem3A_1487 = arith.remsi %add3A_1477, %rem3A_1486 : i32
          %get3A_1488 = arith.index_cast %rem3A_1487 : i32 to index
          %get3A_1489 = arith.index_cast %add3A_1485 : i32 to index
          %get3A_1490 = tpu.vector_load %arg5[%get3A_1488, %get3A_1489] {strides = array<i32>} : memref<2x2560xi32, #tpu.memory_space<vmem>>, vector<1x16xi32>,
          %get3A_1491 = vector.shape_cast %get3A_1490 : vector<1x16xi32> to vector<16xi32>
          %and3A_1492 = arith.constant 65535 : i32
          %and3A_1493 = vector.broadcast %and3A_1492 : i32 to vector<16xi32>
          %and3A_1494 = arith.andi %get3A_1491, %and3A_1493 : vector<16xi32>
          %shift_right_arithmetic3A_1495 = arith.constant 16 : i32
          %shift_right_arithmetic3A_1496 = vector.broadcast %shift_right_arithmetic3A_1495 : i32 to vector<16xi32>
          %shift_right_arithmetic3A_1497 = arith.shrsi %get3A_1491, %shift_right_arithmetic3A_1496 : vector<16xi32>
          %max3A_1498 = arith.constant 0 : i32
          %max3A_1499 = vector.broadcast %max3A_1498 : i32 to vector<16xi32>
          %max3A_1500 = arith.maxsi %and3A_1494, %max3A_1499 : vector<16xi32>
          %mul3A_1501 = arith.constant 19 : i32
          %mul3A_1502 = vector.broadcast %mul3A_1501 : i32 to vector<16xi32>
          %mul3A_1503 = arith.muli %max3A_1500, %mul3A_1502 : vector<16xi32>
          %max3A_1504 = arith.constant 0 : i32
          %max3A_1505 = vector.broadcast %max3A_1504 : i32 to vector<16xi32>
          %max3A_1506 = arith.maxsi %shift_right_arithmetic3A_1497, %max3A_1505 : vector<16xi32>
          %add3A_1507 = arith.addi %mul3A_1503, %max3A_1506 : vector<16xi32>
          %mul3A_1508 = arith.constant 40 : i32
          %mul3A_1509 = arith.muli %add3A_1477, %mul3A_1508 : i32
          %add3A_1510 = arith.addi %mul3A_1509, %add3A_1481 : i32
          %swap3A_1511 = arith.index_cast %add3A_1510 : i32 to index
          %swap3A_1512 = arith.constant 0 : index
          %swap3A_1513 = tpu.vector_load %arg6[%swap3A_1511, %swap3A_1512] {strides = array<i32>} : memref<400x64xi32, #tpu.memory_space<vmem>>, vector<1x16xi32>,
          %swap3A_1514 = vector.shape_cast %swap3A_1513 : vector<1x16xi32> to vector<16xi32>
          %swap3A_1515 = vector.shape_cast %add3A_1507 : vector<16xi32> to vector<1x16xi32>
          tpu.vector_store %arg6[%swap3A_1511, %swap3A_1512], %swap3A_1515 {strides = array<i32>} : memref<400x64xi32, #tpu.memory_space<vmem>>, vector<1x16xi32>,
          %add3A_1516 = arith.constant 1 : i32
          %add3A_1517 = arith.addi %scan3A_176, %add3A_1516 : i32
          %mul3A_1518 = arith.constant 8 : i32
          %mul3A_1519 = arith.muli %scan3A_186, %mul3A_1518 : i32
          %add3A_1520 = arith.constant 5 : i32
          %add3A_1521 = arith.addi %mul3A_1519, %add3A_1520 : i32
          %mul3A_1522 = arith.constant 64 : i32
          %mul3A_1523 = arith.muli %add3A_1521, %mul3A_1522 : i32
          %add3A_1524 = arith.constant 16 : i32
          %add3A_1525 = arith.addi %mul3A_1523, %add3A_1524 : i32
          %rem3A_1526 = arith.constant 2 : i32
          %rem3A_1527 = arith.remsi %add3A_1517, %rem3A_1526 : i32
          %get3A_1528 = arith.index_cast %rem3A_1527 : i32 to index
          %get3A_1529 = arith.index_cast %add3A_1525 : i32 to index
          %get3A_1530 = tpu.vector_load %arg5[%get3A_1528, %get3A_1529] {strides = array<i32>} : memref<2x2560xi32, #tpu.memory_space<vmem>>, vector<1x16xi32>,
          %get3A_1531 = vector.shape_cast %get3A_1530 : vector<1x16xi32> to vector<16xi32>
          %and3A_1532 = arith.constant 65535 : i32
          %and3A_1533 = vector.broadcast %and3A_1532 : i32 to vector<16xi32>
          %and3A_1534 = arith.andi %get3A_1531, %and3A_1533 : vector<16xi32>
          %shift_right_arithmetic3A_1535 = arith.constant 16 : i32
          %shift_right_arithmetic3A_1536 = vector.broadcast %shift_right_arithmetic3A_1535 : i32 to vector<16xi32>
          %shift_right_arithmetic3A_1537 = arith.shrsi %get3A_1531, %shift_right_arithmetic3A_1536 : vector<16xi32>
          %max3A_1538 = arith.constant 0 : i32
          %max3A_1539 = vector.broadcast %max3A_1538 : i32 to vector<16xi32>
          %max3A_1540 = arith.maxsi %and3A_1534, %max3A_1539 : vector<16xi32>
          %mul3A_1541 = arith.constant 19 : i32
          %mul3A_1542 = vector.broadcast %mul3A_1541 : i32 to vector<16xi32>
          %mul3A_1543 = arith.muli %max3A_1540, %mul3A_1542 : vector<16xi32>
          %max3A_1544 = arith.constant 0 : i32
          %max3A_1545 = vector.broadcast %max3A_1544 : i32 to vector<16xi32>
          %max3A_1546 = arith.maxsi %shift_right_arithmetic3A_1537, %max3A_1545 : vector<16xi32>
          %add3A_1547 = arith.addi %mul3A_1543, %max3A_1546 : vector<16xi32>
          %mul3A_1548 = arith.constant 40 : i32
          %mul3A_1549 = arith.muli %add3A_1517, %mul3A_1548 : i32
          %add3A_1550 = arith.addi %mul3A_1549, %add3A_1521 : i32
          %swap3A_1551 = arith.index_cast %add3A_1550 : i32 to index
          %swap3A_1552 = arith.constant 16 : index
          %swap3A_1553 = tpu.vector_load %arg6[%swap3A_1551, %swap3A_1552] {strides = array<i32>} : memref<400x64xi32, #tpu.memory_space<vmem>>, vector<1x16xi32>,
          %swap3A_1554 = vector.shape_cast %swap3A_1553 : vector<1x16xi32> to vector<16xi32>
          %swap3A_1555 = vector.shape_cast %add3A_1547 : vector<16xi32> to vector<1x16xi32>
          tpu.vector_store %arg6[%swap3A_1551, %swap3A_1552], %swap3A_1555 {strides = array<i32>} : memref<400x64xi32, #tpu.memory_space<vmem>>, vector<1x16xi32>,
          %add3A_1556 = arith.constant 1 : i32
          %add3A_1557 = arith.addi %scan3A_176, %add3A_1556 : i32
          %mul3A_1558 = arith.constant 8 : i32
          %mul3A_1559 = arith.muli %scan3A_186, %mul3A_1558 : i32
          %add3A_1560 = arith.constant 5 : i32
          %add3A_1561 = arith.addi %mul3A_1559, %add3A_1560 : i32
          %mul3A_1562 = arith.constant 64 : i32
          %mul3A_1563 = arith.muli %add3A_1561, %mul3A_1562 : i32
          %add3A_1564 = arith.constant 32 : i32
          %add3A_1565 = arith.addi %mul3A_1563, %add3A_1564 : i32
          %rem3A_1566 = arith.constant 2 : i32
          %rem3A_1567 = arith.remsi %add3A_1557, %rem3A_1566 : i32
          %get3A_1568 = arith.index_cast %rem3A_1567 : i32 to index
          %get3A_1569 = arith.index_cast %add3A_1565 : i32 to index
          %get3A_1570 = tpu.vector_load %arg5[%get3A_1568, %get3A_1569] {strides = array<i32>} : memref<2x2560xi32, #tpu.memory_space<vmem>>, vector<1x16xi32>,
          %get3A_1571 = vector.shape_cast %get3A_1570 : vector<1x16xi32> to vector<16xi32>
          %and3A_1572 = arith.constant 65535 : i32
          %and3A_1573 = vector.broadcast %and3A_1572 : i32 to vector<16xi32>
          %and3A_1574 = arith.andi %get3A_1571, %and3A_1573 : vector<16xi32>
          %shift_right_arithmetic3A_1575 = arith.constant 16 : i32
          %shift_right_arithmetic3A_1576 = vector.broadcast %shift_right_arithmetic3A_1575 : i32 to vector<16xi32>
          %shift_right_arithmetic3A_1577 = arith.shrsi %get3A_1571, %shift_right_arithmetic3A_1576 : vector<16xi32>
          %max3A_1578 = arith.constant 0 : i32
          %max3A_1579 = vector.broadcast %max3A_1578 : i32 to vector<16xi32>
          %max3A_1580 = arith.maxsi %and3A_1574, %max3A_1579 : vector<16xi32>
          %mul3A_1581 = arith.constant 19 : i32
          %mul3A_1582 = vector.broadcast %mul3A_1581 : i32 to vector<16xi32>
          %mul3A_1583 = arith.muli %max3A_1580, %mul3A_1582 : vector<16xi32>
          %max3A_1584 = arith.constant 0 : i32
          %max3A_1585 = vector.broadcast %max3A_1584 : i32 to vector<16xi32>
          %max3A_1586 = arith.maxsi %shift_right_arithmetic3A_1577, %max3A_1585 : vector<16xi32>
          %add3A_1587 = arith.addi %mul3A_1583, %max3A_1586 : vector<16xi32>
          %mul3A_1588 = arith.constant 40 : i32
          %mul3A_1589 = arith.muli %add3A_1557, %mul3A_1588 : i32
          %add3A_1590 = arith.addi %mul3A_1589, %add3A_1561 : i32
          %swap3A_1591 = arith.index_cast %add3A_1590 : i32 to index
          %swap3A_1592 = arith.constant 32 : index
          %swap3A_1593 = tpu.vector_load %arg6[%swap3A_1591, %swap3A_1592] {strides = array<i32>} : memref<400x64xi32, #tpu.memory_space<vmem>>, vector<1x16xi32>,
          %swap3A_1594 = vector.shape_cast %swap3A_1593 : vector<1x16xi32> to vector<16xi32>
          %swap3A_1595 = vector.shape_cast %add3A_1587 : vector<16xi32> to vector<1x16xi32>
          tpu.vector_store %arg6[%swap3A_1591, %swap3A_1592], %swap3A_1595 {strides = array<i32>} : memref<400x64xi32, #tpu.memory_space<vmem>>, vector<1x16xi32>,
          %add3A_1596 = arith.constant 1 : i32
          %add3A_1597 = arith.addi %scan3A_176, %add3A_1596 : i32
          %mul3A_1598 = arith.constant 8 : i32
          %mul3A_1599 = arith.muli %scan3A_186, %mul3A_1598 : i32
          %add3A_1600 = arith.constant 5 : i32
          %add3A_1601 = arith.addi %mul3A_1599, %add3A_1600 : i32
          %mul3A_1602 = arith.constant 64 : i32
          %mul3A_1603 = arith.muli %add3A_1601, %mul3A_1602 : i32
          %add3A_1604 = arith.constant 48 : i32
          %add3A_1605 = arith.addi %mul3A_1603, %add3A_1604 : i32
          %rem3A_1606 = arith.constant 2 : i32
          %rem3A_1607 = arith.remsi %add3A_1597, %rem3A_1606 : i32
          %get3A_1608 = arith.index_cast %rem3A_1607 : i32 to index
          %get3A_1609 = arith.index_cast %add3A_1605 : i32 to index
          %get3A_1610 = tpu.vector_load %arg5[%get3A_1608, %get3A_1609] {strides = array<i32>} : memref<2x2560xi32, #tpu.memory_space<vmem>>, vector<1x16xi32>,
          %get3A_1611 = vector.shape_cast %get3A_1610 : vector<1x16xi32> to vector<16xi32>
          %and3A_1612 = arith.constant 65535 : i32
          %and3A_1613 = vector.broadcast %and3A_1612 : i32 to vector<16xi32>
          %and3A_1614 = arith.andi %get3A_1611, %and3A_1613 : vector<16xi32>
          %shift_right_arithmetic3A_1615 = arith.constant 16 : i32
          %shift_right_arithmetic3A_1616 = vector.broadcast %shift_right_arithmetic3A_1615 : i32 to vector<16xi32>
          %shift_right_arithmetic3A_1617 = arith.shrsi %get3A_1611, %shift_right_arithmetic3A_1616 : vector<16xi32>
          %max3A_1618 = arith.constant 0 : i32
          %max3A_1619 = vector.broadcast %max3A_1618 : i32 to vector<16xi32>
          %max3A_1620 = arith.maxsi %and3A_1614, %max3A_1619 : vector<16xi32>
          %mul3A_1621 = arith.constant 19 : i32
          %mul3A_1622 = vector.broadcast %mul3A_1621 : i32 to vector<16xi32>
          %mul3A_1623 = arith.muli %max3A_1620, %mul3A_1622 : vector<16xi32>
          %max3A_1624 = arith.constant 0 : i32
          %max3A_1625 = vector.broadcast %max3A_1624 : i32 to vector<16xi32>
          %max3A_1626 = arith.maxsi %shift_right_arithmetic3A_1617, %max3A_1625 : vector<16xi32>
          %add3A_1627 = arith.addi %mul3A_1623, %max3A_1626 : vector<16xi32>
          %mul3A_1628 = arith.constant 40 : i32
          %mul3A_1629 = arith.muli %add3A_1597, %mul3A_1628 : i32
          %add3A_1630 = arith.addi %mul3A_1629, %add3A_1601 : i32
          %swap3A_1631 = arith.index_cast %add3A_1630 : i32 to index
          %swap3A_1632 = arith.constant 48 : index
          %swap3A_1633 = tpu.vector_load %arg6[%swap3A_1631, %swap3A_1632] {strides = array<i32>} : memref<400x64xi32, #tpu.memory_space<vmem>>, vector<1x16xi32>,
          %swap3A_1634 = vector.shape_cast %swap3A_1633 : vector<1x16xi32> to vector<16xi32>
          %swap3A_1635 = vector.shape_cast %add3A_1627 : vector<16xi32> to vector<1x16xi32>
          tpu.vector_store %arg6[%swap3A_1631, %swap3A_1632], %swap3A_1635 {strides = array<i32>} : memref<400x64xi32, #tpu.memory_space<vmem>>, vector<1x16xi32>,
          %add3A_1636 = arith.constant 1 : i32
          %add3A_1637 = arith.addi %scan3A_176, %add3A_1636 : i32
          %mul3A_1638 = arith.constant 8 : i32
          %mul3A_1639 = arith.muli %scan3A_186, %mul3A_1638 : i32
          %add3A_1640 = arith.constant 6 : i32
          %add3A_1641 = arith.addi %mul3A_1639, %add3A_1640 : i32
          %mul3A_1642 = arith.constant 64 : i32
          %mul3A_1643 = arith.muli %add3A_1641, %mul3A_1642 : i32
          %add3A_1644 = arith.constant 0 : i32
          %add3A_1645 = arith.addi %mul3A_1643, %add3A_1644 : i32
          %rem3A_1646 = arith.constant 2 : i32
          %rem3A_1647 = arith.remsi %add3A_1637, %rem3A_1646 : i32
          %get3A_1648 = arith.index_cast %rem3A_1647 : i32 to index
          %get3A_1649 = arith.index_cast %add3A_1645 : i32 to index
          %get3A_1650 = tpu.vector_load %arg5[%get3A_1648, %get3A_1649] {strides = array<i32>} : memref<2x2560xi32, #tpu.memory_space<vmem>>, vector<1x16xi32>,
          %get3A_1651 = vector.shape_cast %get3A_1650 : vector<1x16xi32> to vector<16xi32>
          %and3A_1652 = arith.constant 65535 : i32
          %and3A_1653 = vector.broadcast %and3A_1652 : i32 to vector<16xi32>
          %and3A_1654 = arith.andi %get3A_1651, %and3A_1653 : vector<16xi32>
          %shift_right_arithmetic3A_1655 = arith.constant 16 : i32
          %shift_right_arithmetic3A_1656 = vector.broadcast %shift_right_arithmetic3A_1655 : i32 to vector<16xi32>
          %shift_right_arithmetic3A_1657 = arith.shrsi %get3A_1651, %shift_right_arithmetic3A_1656 : vector<16xi32>
          %max3A_1658 = arith.constant 0 : i32
          %max3A_1659 = vector.broadcast %max3A_1658 : i32 to vector<16xi32>
          %max3A_1660 = arith.maxsi %and3A_1654, %max3A_1659 : vector<16xi32>
          %mul3A_1661 = arith.constant 19 : i32
          %mul3A_1662 = vector.broadcast %mul3A_1661 : i32 to vector<16xi32>
          %mul3A_1663 = arith.muli %max3A_1660, %mul3A_1662 : vector<16xi32>
          %max3A_1664 = arith.constant 0 : i32
          %max3A_1665 = vector.broadcast %max3A_1664 : i32 to vector<16xi32>
          %max3A_1666 = arith.maxsi %shift_right_arithmetic3A_1657, %max3A_1665 : vector<16xi32>
          %add3A_1667 = arith.addi %mul3A_1663, %max3A_1666 : vector<16xi32>
          %mul3A_1668 = arith.constant 40 : i32
          %mul3A_1669 = arith.muli %add3A_1637, %mul3A_1668 : i32
          %add3A_1670 = arith.addi %mul3A_1669, %add3A_1641 : i32
          %swap3A_1671 = arith.index_cast %add3A_1670 : i32 to index
          %swap3A_1672 = arith.constant 0 : index
          %swap3A_1673 = tpu.vector_load %arg6[%swap3A_1671, %swap3A_1672] {strides = array<i32>} : memref<400x64xi32, #tpu.memory_space<vmem>>, vector<1x16xi32>,
          %swap3A_1674 = vector.shape_cast %swap3A_1673 : vector<1x16xi32> to vector<16xi32>
          %swap3A_1675 = vector.shape_cast %add3A_1667 : vector<16xi32> to vector<1x16xi32>
          tpu.vector_store %arg6[%swap3A_1671, %swap3A_1672], %swap3A_1675 {strides = array<i32>} : memref<400x64xi32, #tpu.memory_space<vmem>>, vector<1x16xi32>,
          %add3A_1676 = arith.constant 1 : i32
          %add3A_1677 = arith.addi %scan3A_176, %add3A_1676 : i32
          %mul3A_1678 = arith.constant 8 : i32
          %mul3A_1679 = arith.muli %scan3A_186, %mul3A_1678 : i32
          %add3A_1680 = arith.constant 6 : i32
          %add3A_1681 = arith.addi %mul3A_1679, %add3A_1680 : i32
          %mul3A_1682 = arith.constant 64 : i32
          %mul3A_1683 = arith.muli %add3A_1681, %mul3A_1682 : i32
          %add3A_1684 = arith.constant 16 : i32
          %add3A_1685 = arith.addi %mul3A_1683, %add3A_1684 : i32
          %rem3A_1686 = arith.constant 2 : i32
          %rem3A_1687 = arith.remsi %add3A_1677, %rem3A_1686 : i32
          %get3A_1688 = arith.index_cast %rem3A_1687 : i32 to index
          %get3A_1689 = arith.index_cast %add3A_1685 : i32 to index
          %get3A_1690 = tpu.vector_load %arg5[%get3A_1688, %get3A_1689] {strides = array<i32>} : memref<2x2560xi32, #tpu.memory_space<vmem>>, vector<1x16xi32>,
          %get3A_1691 = vector.shape_cast %get3A_1690 : vector<1x16xi32> to vector<16xi32>
          %and3A_1692 = arith.constant 65535 : i32
          %and3A_1693 = vector.broadcast %and3A_1692 : i32 to vector<16xi32>
          %and3A_1694 = arith.andi %get3A_1691, %and3A_1693 : vector<16xi32>
          %shift_right_arithmetic3A_1695 = arith.constant 16 : i32
          %shift_right_arithmetic3A_1696 = vector.broadcast %shift_right_arithmetic3A_1695 : i32 to vector<16xi32>
          %shift_right_arithmetic3A_1697 = arith.shrsi %get3A_1691, %shift_right_arithmetic3A_1696 : vector<16xi32>
          %max3A_1698 = arith.constant 0 : i32
          %max3A_1699 = vector.broadcast %max3A_1698 : i32 to vector<16xi32>
          %max3A_1700 = arith.maxsi %and3A_1694, %max3A_1699 : vector<16xi32>
          %mul3A_1701 = arith.constant 19 : i32
          %mul3A_1702 = vector.broadcast %mul3A_1701 : i32 to vector<16xi32>
          %mul3A_1703 = arith.muli %max3A_1700, %mul3A_1702 : vector<16xi32>
          %max3A_1704 = arith.constant 0 : i32
          %max3A_1705 = vector.broadcast %max3A_1704 : i32 to vector<16xi32>
          %max3A_1706 = arith.maxsi %shift_right_arithmetic3A_1697, %max3A_1705 : vector<16xi32>
          %add3A_1707 = arith.addi %mul3A_1703, %max3A_1706 : vector<16xi32>
          %mul3A_1708 = arith.constant 40 : i32
          %mul3A_1709 = arith.muli %add3A_1677, %mul3A_1708 : i32
          %add3A_1710 = arith.addi %mul3A_1709, %add3A_1681 : i32
          %swap3A_1711 = arith.index_cast %add3A_1710 : i32 to index
          %swap3A_1712 = arith.constant 16 : index
          %swap3A_1713 = tpu.vector_load %arg6[%swap3A_1711, %swap3A_1712] {strides = array<i32>} : memref<400x64xi32, #tpu.memory_space<vmem>>, vector<1x16xi32>,
          %swap3A_1714 = vector.shape_cast %swap3A_1713 : vector<1x16xi32> to vector<16xi32>
          %swap3A_1715 = vector.shape_cast %add3A_1707 : vector<16xi32> to vector<1x16xi32>
          tpu.vector_store %arg6[%swap3A_1711, %swap3A_1712], %swap3A_1715 {strides = array<i32>} : memref<400x64xi32, #tpu.memory_space<vmem>>, vector<1x16xi32>,
          %add3A_1716 = arith.constant 1 : i32
          %add3A_1717 = arith.addi %scan3A_176, %add3A_1716 : i32
          %mul3A_1718 = arith.constant 8 : i32
          %mul3A_1719 = arith.muli %scan3A_186, %mul3A_1718 : i32
          %add3A_1720 = arith.constant 6 : i32
          %add3A_1721 = arith.addi %mul3A_1719, %add3A_1720 : i32
          %mul3A_1722 = arith.constant 64 : i32
          %mul3A_1723 = arith.muli %add3A_1721, %mul3A_1722 : i32
          %add3A_1724 = arith.constant 32 : i32
          %add3A_1725 = arith.addi %mul3A_1723, %add3A_1724 : i32
          %rem3A_1726 = arith.constant 2 : i32
          %rem3A_1727 = arith.remsi %add3A_1717, %rem3A_1726 : i32
          %get3A_1728 = arith.index_cast %rem3A_1727 : i32 to index
          %get3A_1729 = arith.index_cast %add3A_1725 : i32 to index
          %get3A_1730 = tpu.vector_load %arg5[%get3A_1728, %get3A_1729] {strides = array<i32>} : memref<2x2560xi32, #tpu.memory_space<vmem>>, vector<1x16xi32>,
          %get3A_1731 = vector.shape_cast %get3A_1730 : vector<1x16xi32> to vector<16xi32>
          %and3A_1732 = arith.constant 65535 : i32
          %and3A_1733 = vector.broadcast %and3A_1732 : i32 to vector<16xi32>
          %and3A_1734 = arith.andi %get3A_1731, %and3A_1733 : vector<16xi32>
          %shift_right_arithmetic3A_1735 = arith.constant 16 : i32
          %shift_right_arithmetic3A_1736 = vector.broadcast %shift_right_arithmetic3A_1735 : i32 to vector<16xi32>
          %shift_right_arithmetic3A_1737 = arith.shrsi %get3A_1731, %shift_right_arithmetic3A_1736 : vector<16xi32>
          %max3A_1738 = arith.constant 0 : i32
          %max3A_1739 = vector.broadcast %max3A_1738 : i32 to vector<16xi32>
          %max3A_1740 = arith.maxsi %and3A_1734, %max3A_1739 : vector<16xi32>
          %mul3A_1741 = arith.constant 19 : i32
          %mul3A_1742 = vector.broadcast %mul3A_1741 : i32 to vector<16xi32>
          %mul3A_1743 = arith.muli %max3A_1740, %mul3A_1742 : vector<16xi32>
          %max3A_1744 = arith.constant 0 : i32
          %max3A_1745 = vector.broadcast %max3A_1744 : i32 to vector<16xi32>
          %max3A_1746 = arith.maxsi %shift_right_arithmetic3A_1737, %max3A_1745 : vector<16xi32>
          %add3A_1747 = arith.addi %mul3A_1743, %max3A_1746 : vector<16xi32>
          %mul3A_1748 = arith.constant 40 : i32
          %mul3A_1749 = arith.muli %add3A_1717, %mul3A_1748 : i32
          %add3A_1750 = arith.addi %mul3A_1749, %add3A_1721 : i32
          %swap3A_1751 = arith.index_cast %add3A_1750 : i32 to index
          %swap3A_1752 = arith.constant 32 : index
          %swap3A_1753 = tpu.vector_load %arg6[%swap3A_1751, %swap3A_1752] {strides = array<i32>} : memref<400x64xi32, #tpu.memory_space<vmem>>, vector<1x16xi32>,
          %swap3A_1754 = vector.shape_cast %swap3A_1753 : vector<1x16xi32> to vector<16xi32>
          %swap3A_1755 = vector.shape_cast %add3A_1747 : vector<16xi32> to vector<1x16xi32>
          tpu.vector_store %arg6[%swap3A_1751, %swap3A_1752], %swap3A_1755 {strides = array<i32>} : memref<400x64xi32, #tpu.memory_space<vmem>>, vector<1x16xi32>,
          %add3A_1756 = arith.constant 1 : i32
          %add3A_1757 = arith.addi %scan3A_176, %add3A_1756 : i32
          %mul3A_1758 = arith.constant 8 : i32
          %mul3A_1759 = arith.muli %scan3A_186, %mul3A_1758 : i32
          %add3A_1760 = arith.constant 6 : i32
          %add3A_1761 = arith.addi %mul3A_1759, %add3A_1760 : i32
          %mul3A_1762 = arith.constant 64 : i32
          %mul3A_1763 = arith.muli %add3A_1761, %mul3A_1762 : i32
          %add3A_1764 = arith.constant 48 : i32
          %add3A_1765 = arith.addi %mul3A_1763, %add3A_1764 : i32
          %rem3A_1766 = arith.constant 2 : i32
          %rem3A_1767 = arith.remsi %add3A_1757, %rem3A_1766 : i32
          %get3A_1768 = arith.index_cast %rem3A_1767 : i32 to index
          %get3A_1769 = arith.index_cast %add3A_1765 : i32 to index
          %get3A_1770 = tpu.vector_load %arg5[%get3A_1768, %get3A_1769] {strides = array<i32>} : memref<2x2560xi32, #tpu.memory_space<vmem>>, vector<1x16xi32>,
          %get3A_1771 = vector.shape_cast %get3A_1770 : vector<1x16xi32> to vector<16xi32>
          %and3A_1772 = arith.constant 65535 : i32
          %and3A_1773 = vector.broadcast %and3A_1772 : i32 to vector<16xi32>
          %and3A_1774 = arith.andi %get3A_1771, %and3A_1773 : vector<16xi32>
          %shift_right_arithmetic3A_1775 = arith.constant 16 : i32
          %shift_right_arithmetic3A_1776 = vector.broadcast %shift_right_arithmetic3A_1775 : i32 to vector<16xi32>
          %shift_right_arithmetic3A_1777 = arith.shrsi %get3A_1771, %shift_right_arithmetic3A_1776 : vector<16xi32>
          %max3A_1778 = arith.constant 0 : i32
          %max3A_1779 = vector.broadcast %max3A_1778 : i32 to vector<16xi32>
          %max3A_1780 = arith.maxsi %and3A_1774, %max3A_1779 : vector<16xi32>
          %mul3A_1781 = arith.constant 19 : i32
          %mul3A_1782 = vector.broadcast %mul3A_1781 : i32 to vector<16xi32>
          %mul3A_1783 = arith.muli %max3A_1780, %mul3A_1782 : vector<16xi32>
          %max3A_1784 = arith.constant 0 : i32
          %max3A_1785 = vector.broadcast %max3A_1784 : i32 to vector<16xi32>
          %max3A_1786 = arith.maxsi %shift_right_arithmetic3A_1777, %max3A_1785 : vector<16xi32>
          %add3A_1787 = arith.addi %mul3A_1783, %max3A_1786 : vector<16xi32>
          %mul3A_1788 = arith.constant 40 : i32
          %mul3A_1789 = arith.muli %add3A_1757, %mul3A_1788 : i32
          %add3A_1790 = arith.addi %mul3A_1789, %add3A_1761 : i32
          %swap3A_1791 = arith.index_cast %add3A_1790 : i32 to index
          %swap3A_1792 = arith.constant 48 : index
          %swap3A_1793 = tpu.vector_load %arg6[%swap3A_1791, %swap3A_1792] {strides = array<i32>} : memref<400x64xi32, #tpu.memory_space<vmem>>, vector<1x16xi32>,
          %swap3A_1794 = vector.shape_cast %swap3A_1793 : vector<1x16xi32> to vector<16xi32>
          %swap3A_1795 = vector.shape_cast %add3A_1787 : vector<16xi32> to vector<1x16xi32>
          tpu.vector_store %arg6[%swap3A_1791, %swap3A_1792], %swap3A_1795 {strides = array<i32>} : memref<400x64xi32, #tpu.memory_space<vmem>>, vector<1x16xi32>,
          %add3A_1796 = arith.constant 1 : i32
          %add3A_1797 = arith.addi %scan3A_176, %add3A_1796 : i32
          %mul3A_1798 = arith.constant 8 : i32
          %mul3A_1799 = arith.muli %scan3A_186, %mul3A_1798 : i32
          %add3A_1800 = arith.constant 7 : i32
          %add3A_1801 = arith.addi %mul3A_1799, %add3A_1800 : i32
          %mul3A_1802 = arith.constant 64 : i32
          %mul3A_1803 = arith.muli %add3A_1801, %mul3A_1802 : i32
          %add3A_1804 = arith.constant 0 : i32
          %add3A_1805 = arith.addi %mul3A_1803, %add3A_1804 : i32
          %rem3A_1806 = arith.constant 2 : i32
          %rem3A_1807 = arith.remsi %add3A_1797, %rem3A_1806 : i32
          %get3A_1808 = arith.index_cast %rem3A_1807 : i32 to index
          %get3A_1809 = arith.index_cast %add3A_1805 : i32 to index
          %get3A_1810 = tpu.vector_load %arg5[%get3A_1808, %get3A_1809] {strides = array<i32>} : memref<2x2560xi32, #tpu.memory_space<vmem>>, vector<1x16xi32>,
          %get3A_1811 = vector.shape_cast %get3A_1810 : vector<1x16xi32> to vector<16xi32>
          %and3A_1812 = arith.constant 65535 : i32
          %and3A_1813 = vector.broadcast %and3A_1812 : i32 to vector<16xi32>
          %and3A_1814 = arith.andi %get3A_1811, %and3A_1813 : vector<16xi32>
          %shift_right_arithmetic3A_1815 = arith.constant 16 : i32
          %shift_right_arithmetic3A_1816 = vector.broadcast %shift_right_arithmetic3A_1815 : i32 to vector<16xi32>
          %shift_right_arithmetic3A_1817 = arith.shrsi %get3A_1811, %shift_right_arithmetic3A_1816 : vector<16xi32>
          %max3A_1818 = arith.constant 0 : i32
          %max3A_1819 = vector.broadcast %max3A_1818 : i32 to vector<16xi32>
          %max3A_1820 = arith.maxsi %and3A_1814, %max3A_1819 : vector<16xi32>
          %mul3A_1821 = arith.constant 19 : i32
          %mul3A_1822 = vector.broadcast %mul3A_1821 : i32 to vector<16xi32>
          %mul3A_1823 = arith.muli %max3A_1820, %mul3A_1822 : vector<16xi32>
          %max3A_1824 = arith.constant 0 : i32
          %max3A_1825 = vector.broadcast %max3A_1824 : i32 to vector<16xi32>
          %max3A_1826 = arith.maxsi %shift_right_arithmetic3A_1817, %max3A_1825 : vector<16xi32>
          %add3A_1827 = arith.addi %mul3A_1823, %max3A_1826 : vector<16xi32>
          %mul3A_1828 = arith.constant 40 : i32
          %mul3A_1829 = arith.muli %add3A_1797, %mul3A_1828 : i32
          %add3A_1830 = arith.addi %mul3A_1829, %add3A_1801 : i32
          %swap3A_1831 = arith.index_cast %add3A_1830 : i32 to index
          %swap3A_1832 = arith.constant 0 : index
          %swap3A_1833 = tpu.vector_load %arg6[%swap3A_1831, %swap3A_1832] {strides = array<i32>} : memref<400x64xi32, #tpu.memory_space<vmem>>, vector<1x16xi32>,
          %swap3A_1834 = vector.shape_cast %swap3A_1833 : vector<1x16xi32> to vector<16xi32>
          %swap3A_1835 = vector.shape_cast %add3A_1827 : vector<16xi32> to vector<1x16xi32>
          tpu.vector_store %arg6[%swap3A_1831, %swap3A_1832], %swap3A_1835 {strides = array<i32>} : memref<400x64xi32, #tpu.memory_space<vmem>>, vector<1x16xi32>,
          %add3A_1836 = arith.constant 1 : i32
          %add3A_1837 = arith.addi %scan3A_176, %add3A_1836 : i32
          %mul3A_1838 = arith.constant 8 : i32
          %mul3A_1839 = arith.muli %scan3A_186, %mul3A_1838 : i32
          %add3A_1840 = arith.constant 7 : i32
          %add3A_1841 = arith.addi %mul3A_1839, %add3A_1840 : i32
          %mul3A_1842 = arith.constant 64 : i32
          %mul3A_1843 = arith.muli %add3A_1841, %mul3A_1842 : i32
          %add3A_1844 = arith.constant 16 : i32
          %add3A_1845 = arith.addi %mul3A_1843, %add3A_1844 : i32
          %rem3A_1846 = arith.constant 2 : i32
          %rem3A_1847 = arith.remsi %add3A_1837, %rem3A_1846 : i32
          %get3A_1848 = arith.index_cast %rem3A_1847 : i32 to index
          %get3A_1849 = arith.index_cast %add3A_1845 : i32 to index
          %get3A_1850 = tpu.vector_load %arg5[%get3A_1848, %get3A_1849] {strides = array<i32>} : memref<2x2560xi32, #tpu.memory_space<vmem>>, vector<1x16xi32>,
          %get3A_1851 = vector.shape_cast %get3A_1850 : vector<1x16xi32> to vector<16xi32>
          %and3A_1852 = arith.constant 65535 : i32
          %and3A_1853 = vector.broadcast %and3A_1852 : i32 to vector<16xi32>
          %and3A_1854 = arith.andi %get3A_1851, %and3A_1853 : vector<16xi32>
          %shift_right_arithmetic3A_1855 = arith.constant 16 : i32
          %shift_right_arithmetic3A_1856 = vector.broadcast %shift_right_arithmetic3A_1855 : i32 to vector<16xi32>
          %shift_right_arithmetic3A_1857 = arith.shrsi %get3A_1851, %shift_right_arithmetic3A_1856 : vector<16xi32>
          %max3A_1858 = arith.constant 0 : i32
          %max3A_1859 = vector.broadcast %max3A_1858 : i32 to vector<16xi32>
          %max3A_1860 = arith.maxsi %and3A_1854, %max3A_1859 : vector<16xi32>
          %mul3A_1861 = arith.constant 19 : i32
          %mul3A_1862 = vector.broadcast %mul3A_1861 : i32 to vector<16xi32>
          %mul3A_1863 = arith.muli %max3A_1860, %mul3A_1862 : vector<16xi32>
          %max3A_1864 = arith.constant 0 : i32
          %max3A_1865 = vector.broadcast %max3A_1864 : i32 to vector<16xi32>
          %max3A_1866 = arith.maxsi %shift_right_arithmetic3A_1857, %max3A_1865 : vector<16xi32>
          %add3A_1867 = arith.addi %mul3A_1863, %max3A_1866 : vector<16xi32>
          %mul3A_1868 = arith.constant 40 : i32
          %mul3A_1869 = arith.muli %add3A_1837, %mul3A_1868 : i32
          %add3A_1870 = arith.addi %mul3A_1869, %add3A_1841 : i32
          %swap3A_1871 = arith.index_cast %add3A_1870 : i32 to index
          %swap3A_1872 = arith.constant 16 : index
          %swap3A_1873 = tpu.vector_load %arg6[%swap3A_1871, %swap3A_1872] {strides = array<i32>} : memref<400x64xi32, #tpu.memory_space<vmem>>, vector<1x16xi32>,
          %swap3A_1874 = vector.shape_cast %swap3A_1873 : vector<1x16xi32> to vector<16xi32>
          %swap3A_1875 = vector.shape_cast %add3A_1867 : vector<16xi32> to vector<1x16xi32>
          tpu.vector_store %arg6[%swap3A_1871, %swap3A_1872], %swap3A_1875 {strides = array<i32>} : memref<400x64xi32, #tpu.memory_space<vmem>>, vector<1x16xi32>,
          %add3A_1876 = arith.constant 1 : i32
          %add3A_1877 = arith.addi %scan3A_176, %add3A_1876 : i32
          %mul3A_1878 = arith.constant 8 : i32
          %mul3A_1879 = arith.muli %scan3A_186, %mul3A_1878 : i32
          %add3A_1880 = arith.constant 7 : i32
          %add3A_1881 = arith.addi %mul3A_1879, %add3A_1880 : i32
          %mul3A_1882 = arith.constant 64 : i32
          %mul3A_1883 = arith.muli %add3A_1881, %mul3A_1882 : i32
          %add3A_1884 = arith.constant 32 : i32
          %add3A_1885 = arith.addi %mul3A_1883, %add3A_1884 : i32
          %rem3A_1886 = arith.constant 2 : i32
          %rem3A_1887 = arith.remsi %add3A_1877, %rem3A_1886 : i32
          %get3A_1888 = arith.index_cast %rem3A_1887 : i32 to index
          %get3A_1889 = arith.index_cast %add3A_1885 : i32 to index
          %get3A_1890 = tpu.vector_load %arg5[%get3A_1888, %get3A_1889] {strides = array<i32>} : memref<2x2560xi32, #tpu.memory_space<vmem>>, vector<1x16xi32>,
          %get3A_1891 = vector.shape_cast %get3A_1890 : vector<1x16xi32> to vector<16xi32>
          %and3A_1892 = arith.constant 65535 : i32
          %and3A_1893 = vector.broadcast %and3A_1892 : i32 to vector<16xi32>
          %and3A_1894 = arith.andi %get3A_1891, %and3A_1893 : vector<16xi32>
          %shift_right_arithmetic3A_1895 = arith.constant 16 : i32
          %shift_right_arithmetic3A_1896 = vector.broadcast %shift_right_arithmetic3A_1895 : i32 to vector<16xi32>
          %shift_right_arithmetic3A_1897 = arith.shrsi %get3A_1891, %shift_right_arithmetic3A_1896 : vector<16xi32>
          %max3A_1898 = arith.constant 0 : i32
          %max3A_1899 = vector.broadcast %max3A_1898 : i32 to vector<16xi32>
          %max3A_1900 = arith.maxsi %and3A_1894, %max3A_1899 : vector<16xi32>
          %mul3A_1901 = arith.constant 19 : i32
          %mul3A_1902 = vector.broadcast %mul3A_1901 : i32 to vector<16xi32>
          %mul3A_1903 = arith.muli %max3A_1900, %mul3A_1902 : vector<16xi32>
          %max3A_1904 = arith.constant 0 : i32
          %max3A_1905 = vector.broadcast %max3A_1904 : i32 to vector<16xi32>
          %max3A_1906 = arith.maxsi %shift_right_arithmetic3A_1897, %max3A_1905 : vector<16xi32>
          %add3A_1907 = arith.addi %mul3A_1903, %max3A_1906 : vector<16xi32>
          %mul3A_1908 = arith.constant 40 : i32
          %mul3A_1909 = arith.muli %add3A_1877, %mul3A_1908 : i32
          %add3A_1910 = arith.addi %mul3A_1909, %add3A_1881 : i32
          %swap3A_1911 = arith.index_cast %add3A_1910 : i32 to index
          %swap3A_1912 = arith.constant 32 : index
          %swap3A_1913 = tpu.vector_load %arg6[%swap3A_1911, %swap3A_1912] {strides = array<i32>} : memref<400x64xi32, #tpu.memory_space<vmem>>, vector<1x16xi32>,
          %swap3A_1914 = vector.shape_cast %swap3A_1913 : vector<1x16xi32> to vector<16xi32>
          %swap3A_1915 = vector.shape_cast %add3A_1907 : vector<16xi32> to vector<1x16xi32>
          tpu.vector_store %arg6[%swap3A_1911, %swap3A_1912], %swap3A_1915 {strides = array<i32>} : memref<400x64xi32, #tpu.memory_space<vmem>>, vector<1x16xi32>,
          %add3A_1916 = arith.constant 1 : i32
          %add3A_1917 = arith.addi %scan3A_176, %add3A_1916 : i32
          %mul3A_1918 = arith.constant 8 : i32
          %mul3A_1919 = arith.muli %scan3A_186, %mul3A_1918 : i32
          %add3A_1920 = arith.constant 7 : i32
          %add3A_1921 = arith.addi %mul3A_1919, %add3A_1920 : i32
          %mul3A_1922 = arith.constant 64 : i32
          %mul3A_1923 = arith.muli %add3A_1921, %mul3A_1922 : i32
          %add3A_1924 = arith.constant 48 : i32
          %add3A_1925 = arith.addi %mul3A_1923, %add3A_1924 : i32
          %rem3A_1926 = arith.constant 2 : i32
          %rem3A_1927 = arith.remsi %add3A_1917, %rem3A_1926 : i32
          %get3A_1928 = arith.index_cast %rem3A_1927 : i32 to index
          %get3A_1929 = arith.index_cast %add3A_1925 : i32 to index
          %get3A_1930 = tpu.vector_load %arg5[%get3A_1928, %get3A_1929] {strides = array<i32>} : memref<2x2560xi32, #tpu.memory_space<vmem>>, vector<1x16xi32>,
          %get3A_1931 = vector.shape_cast %get3A_1930 : vector<1x16xi32> to vector<16xi32>
          %and3A_1932 = arith.constant 65535 : i32
          %and3A_1933 = vector.broadcast %and3A_1932 : i32 to vector<16xi32>
          %and3A_1934 = arith.andi %get3A_1931, %and3A_1933 : vector<16xi32>
          %shift_right_arithmetic3A_1935 = arith.constant 16 : i32
          %shift_right_arithmetic3A_1936 = vector.broadcast %shift_right_arithmetic3A_1935 : i32 to vector<16xi32>
          %shift_right_arithmetic3A_1937 = arith.shrsi %get3A_1931, %shift_right_arithmetic3A_1936 : vector<16xi32>
          %max3A_1938 = arith.constant 0 : i32
          %max3A_1939 = vector.broadcast %max3A_1938 : i32 to vector<16xi32>
          %max3A_1940 = arith.maxsi %and3A_1934, %max3A_1939 : vector<16xi32>
          %mul3A_1941 = arith.constant 19 : i32
          %mul3A_1942 = vector.broadcast %mul3A_1941 : i32 to vector<16xi32>
          %mul3A_1943 = arith.muli %max3A_1940, %mul3A_1942 : vector<16xi32>
          %max3A_1944 = arith.constant 0 : i32
          %max3A_1945 = vector.broadcast %max3A_1944 : i32 to vector<16xi32>
          %max3A_1946 = arith.maxsi %shift_right_arithmetic3A_1937, %max3A_1945 : vector<16xi32>
          %add3A_1947 = arith.addi %mul3A_1943, %max3A_1946 : vector<16xi32>
          %mul3A_1948 = arith.constant 40 : i32
          %mul3A_1949 = arith.muli %add3A_1917, %mul3A_1948 : i32
          %add3A_1950 = arith.addi %mul3A_1949, %add3A_1921 : i32
          %swap3A_1951 = arith.index_cast %add3A_1950 : i32 to index
          %swap3A_1952 = arith.constant 48 : index
          %swap3A_1953 = tpu.vector_load %arg6[%swap3A_1951, %swap3A_1952] {strides = array<i32>} : memref<400x64xi32, #tpu.memory_space<vmem>>, vector<1x16xi32>,
          %swap3A_1954 = vector.shape_cast %swap3A_1953 : vector<1x16xi32> to vector<16xi32>
          %swap3A_1955 = vector.shape_cast %add3A_1947 : vector<16xi32> to vector<1x16xi32>
          tpu.vector_store %arg6[%swap3A_1951, %swap3A_1952], %swap3A_1955 {strides = array<i32>} : memref<400x64xi32, #tpu.memory_space<vmem>>, vector<1x16xi32>,
        } else {
        }
        %mul3A_385 = arith.constant 8 : i32
        %mul3A_386 = arith.muli %add3A_190, %mul3A_385 : i32
        %add3A_387 = arith.constant 0 : i32
        %add3A_388 = arith.addi %mul3A_386, %add3A_387 : i32
        %dma_wait3A_389 = arith.constant 0 : i32
        %dma_wait3A_390 = arith.constant 0 : i32
        %dma_wait3A_391 = arith.constant 0 : i32
        %dma_wait3A_392 = arith.constant 0 : i32
        %dma_wait3A_393 = tpu.memref_slice %arg8[%dma_wait3A_389, %dma_wait3A_391, %dma_wait3A_392] : memref<8x64x128xf32, #tpu.memory_space<vmem>> -> memref<1x64x128xf32, #tpu.memory_space<vmem>>
        %dma_wait3A_394 = tpu.memref_squeeze %dma_wait3A_393 : memref<1x64x128xf32, #tpu.memory_space<vmem>> -> memref<64x128xf32, #tpu.memory_space<vmem>>
        %dma_wait3A_395 = arith.constant 0 : i32
        %dma_wait3A_396 = tpu.memref_slice %arg6[%add3A_194, %dma_wait3A_395] : memref<400x64xi32, #tpu.memory_space<vmem>> -> memref<1x64xi32, #tpu.memory_space<vmem>>
        %dma_wait3A_397 = tpu.memref_squeeze %dma_wait3A_396 : memref<1x64xi32, #tpu.memory_space<vmem>> -> memref<64xi32, #tpu.memory_space<vmem>>
        %dma_wait3A_398 = arith.constant 0 : i32
        %dma_wait3A_399 = arith.constant 0 : i32
        %dma_wait3A_400 = tpu.memref_slice %arg7[%dma_wait3A_398, %dma_wait3A_399] : memref<361x128xf32, #tpu.memory_space<vmem_shared>> -> memref<361x128xf32, #tpu.memory_space<vmem_shared>>
        %dma_wait3A_401 = tpu.memref_slice %arg9[%dma_wait3A_390] : memref<8x!tpu.dma_semaphore, #tpu.memory_space<semaphore_mem>> -> memref<1x!tpu.dma_semaphore, #tpu.memory_space<semaphore_mem>>
        %dma_wait3A_402 = tpu.memref_squeeze %dma_wait3A_401 : memref<1x!tpu.dma_semaphore, #tpu.memory_space<semaphore_mem>> -> memref<!tpu.dma_semaphore, #tpu.memory_space<semaphore_mem>>
        tpu.wait_indirect_dma semaphore(%dma_wait3A_402 : memref<!tpu.dma_semaphore, #tpu.memory_space<semaphore_mem>>) src(%dma_wait3A_400 : memref<361x128xf32, #tpu.memory_space<vmem_shared>>) dst(%dma_wait3A_394 : memref<64x128xf32, #tpu.memory_space<vmem>>)
        %mul3A_403 = arith.constant 64 : i32
        %mul3A_404 = arith.muli %add3A_388, %mul3A_403 : i32
        %add3A_405 = arith.addi %mul3A_2, %mul3A_404 : i32
        %dma_start3A_406 = arith.constant 0 : i32
        %dma_start3A_407 = arith.constant 0 : i32
        %dma_start3A_408 = arith.constant 0 : i32
        %dma_start3A_409 = arith.constant 0 : i32
        %dma_start3A_410 = tpu.memref_slice %arg8[%dma_start3A_406, %dma_start3A_408, %dma_start3A_409] : memref<8x64x128xf32, #tpu.memory_space<vmem>> -> memref<1x64x128xf32, #tpu.memory_space<vmem>>
        %dma_start3A_411 = tpu.memref_squeeze %dma_start3A_410 : memref<1x64x128xf32, #tpu.memory_space<vmem>> -> memref<64x128xf32, #tpu.memory_space<vmem>>
        %dma_start3A_412 = arith.constant 0 : i32
        %dma_start3A_413 = tpu.memref_slice %arg4[%add3A_405, %dma_start3A_412] : memref<819200x128xf32, #tpu.memory_space<hbm>> -> memref<64x128xf32, #tpu.memory_space<hbm>>
        %dma_start3A_414 = tpu.memref_slice %arg10[%dma_start3A_407] : memref<8x!tpu.dma_semaphore, #tpu.memory_space<semaphore_mem>> -> memref<1x!tpu.dma_semaphore, #tpu.memory_space<semaphore_mem>>
        %dma_start3A_415 = tpu.memref_squeeze %dma_start3A_414 : memref<1x!tpu.dma_semaphore, #tpu.memory_space<semaphore_mem>> -> memref<!tpu.dma_semaphore, #tpu.memory_space<semaphore_mem>>
        %dma_start3A_416 = arith.constant 0 : i32
        %dma_start3A_417 = tpu.memref_slice %arg4[%add3A_405, %dma_start3A_416] : memref<819200x128xf32, #tpu.memory_space<hbm>> -> memref<64x128xf32, #tpu.memory_space<hbm>>
        %dma_start3A_418 = arith.constant 0 : i32
        %dma_start3A_419 = arith.constant 0 : i32
        %dma_start3A_420 = tpu.memref_slice %arg8[%dma_start3A_406, %dma_start3A_418, %dma_start3A_419] : memref<8x64x128xf32, #tpu.memory_space<vmem>> -> memref<1x64x128xf32, #tpu.memory_space<vmem>>
        %dma_start3A_421 = tpu.memref_squeeze %dma_start3A_420 : memref<1x64x128xf32, #tpu.memory_space<vmem>> -> memref<64x128xf32, #tpu.memory_space<vmem>>
        tpu.enqueue_dma source(%dma_start3A_421 : memref<64x128xf32, #tpu.memory_space<vmem>>) target(%dma_start3A_417 : memref<64x128xf32, #tpu.memory_space<hbm>>) target_semaphore(%dma_start3A_415 : memref<!tpu.dma_semaphore, #tpu.memory_space<semaphore_mem>>)
        %mul3A_422 = arith.constant 8 : i32
        %mul3A_423 = arith.muli %add3A_190, %mul3A_422 : i32
        %add3A_424 = arith.constant 1 : i32
        %add3A_425 = arith.addi %mul3A_423, %add3A_424 : i32
        %dma_wait3A_426 = arith.constant 1 : i32
        %dma_wait3A_427 = arith.constant 1 : i32
        %dma_wait3A_428 = arith.constant 0 : i32
        %dma_wait3A_429 = arith.constant 0 : i32
        %dma_wait3A_430 = tpu.memref_slice %arg8[%dma_wait3A_426, %dma_wait3A_428, %dma_wait3A_429] : memref<8x64x128xf32, #tpu.memory_space<vmem>> -> memref<1x64x128xf32, #tpu.memory_space<vmem>>
        %dma_wait3A_431 = tpu.memref_squeeze %dma_wait3A_430 : memref<1x64x128xf32, #tpu.memory_space<vmem>> -> memref<64x128xf32, #tpu.memory_space<vmem>>
        %dma_wait3A_432 = arith.constant 0 : i32
        %dma_wait3A_433 = tpu.memref_slice %arg6[%add3A_216, %dma_wait3A_432] : memref<400x64xi32, #tpu.memory_space<vmem>> -> memref<1x64xi32, #tpu.memory_space<vmem>>
        %dma_wait3A_434 = tpu.memref_squeeze %dma_wait3A_433 : memref<1x64xi32, #tpu.memory_space<vmem>> -> memref<64xi32, #tpu.memory_space<vmem>>
        %dma_wait3A_435 = arith.constant 0 : i32
        %dma_wait3A_436 = arith.constant 0 : i32
        %dma_wait3A_437 = tpu.memref_slice %arg7[%dma_wait3A_435, %dma_wait3A_436] : memref<361x128xf32, #tpu.memory_space<vmem_shared>> -> memref<361x128xf32, #tpu.memory_space<vmem_shared>>
        %dma_wait3A_438 = tpu.memref_slice %arg9[%dma_wait3A_427] : memref<8x!tpu.dma_semaphore, #tpu.memory_space<semaphore_mem>> -> memref<1x!tpu.dma_semaphore, #tpu.memory_space<semaphore_mem>>
        %dma_wait3A_439 = tpu.memref_squeeze %dma_wait3A_438 : memref<1x!tpu.dma_semaphore, #tpu.memory_space<semaphore_mem>> -> memref<!tpu.dma_semaphore, #tpu.memory_space<semaphore_mem>>
        tpu.wait_indirect_dma semaphore(%dma_wait3A_439 : memref<!tpu.dma_semaphore, #tpu.memory_space<semaphore_mem>>) src(%dma_wait3A_437 : memref<361x128xf32, #tpu.memory_space<vmem_shared>>) dst(%dma_wait3A_431 : memref<64x128xf32, #tpu.memory_space<vmem>>)
        %mul3A_440 = arith.constant 64 : i32
        %mul3A_441 = arith.muli %add3A_425, %mul3A_440 : i32
        %add3A_442 = arith.addi %mul3A_2, %mul3A_441 : i32
        %dma_start3A_443 = arith.constant 1 : i32
        %dma_start3A_444 = arith.constant 1 : i32
        %dma_start3A_445 = arith.constant 0 : i32
        %dma_start3A_446 = arith.constant 0 : i32
        %dma_start3A_447 = tpu.memref_slice %arg8[%dma_start3A_443, %dma_start3A_445, %dma_start3A_446] : memref<8x64x128xf32, #tpu.memory_space<vmem>> -> memref<1x64x128xf32, #tpu.memory_space<vmem>>
        %dma_start3A_448 = tpu.memref_squeeze %dma_start3A_447 : memref<1x64x128xf32, #tpu.memory_space<vmem>> -> memref<64x128xf32, #tpu.memory_space<vmem>>
        %dma_start3A_449 = arith.constant 0 : i32
        %dma_start3A_450 = tpu.memref_slice %arg4[%add3A_442, %dma_start3A_449] : memref<819200x128xf32, #tpu.memory_space<hbm>> -> memref<64x128xf32, #tpu.memory_space<hbm>>
        %dma_start3A_451 = tpu.memref_slice %arg10[%dma_start3A_444] : memref<8x!tpu.dma_semaphore, #tpu.memory_space<semaphore_mem>> -> memref<1x!tpu.dma_semaphore, #tpu.memory_space<semaphore_mem>>
        %dma_start3A_452 = tpu.memref_squeeze %dma_start3A_451 : memref<1x!tpu.dma_semaphore, #tpu.memory_space<semaphore_mem>> -> memref<!tpu.dma_semaphore, #tpu.memory_space<semaphore_mem>>
        %dma_start3A_453 = arith.constant 0 : i32
        %dma_start3A_454 = tpu.memref_slice %arg4[%add3A_442, %dma_start3A_453] : memref<819200x128xf32, #tpu.memory_space<hbm>> -> memref<64x128xf32, #tpu.memory_space<hbm>>
        %dma_start3A_455 = arith.constant 0 : i32
        %dma_start3A_456 = arith.constant 0 : i32
        %dma_start3A_457 = tpu.memref_slice %arg8[%dma_start3A_443, %dma_start3A_455, %dma_start3A_456] : memref<8x64x128xf32, #tpu.memory_space<vmem>> -> memref<1x64x128xf32, #tpu.memory_space<vmem>>
        %dma_start3A_458 = tpu.memref_squeeze %dma_start3A_457 : memref<1x64x128xf32, #tpu.memory_space<vmem>> -> memref<64x128xf32, #tpu.memory_space<vmem>>
        tpu.enqueue_dma source(%dma_start3A_458 : memref<64x128xf32, #tpu.memory_space<vmem>>) target(%dma_start3A_454 : memref<64x128xf32, #tpu.memory_space<hbm>>) target_semaphore(%dma_start3A_452 : memref<!tpu.dma_semaphore, #tpu.memory_space<semaphore_mem>>)
        %mul3A_459 = arith.constant 8 : i32
        %mul3A_460 = arith.muli %add3A_190, %mul3A_459 : i32
        %add3A_461 = arith.constant 2 : i32
        %add3A_462 = arith.addi %mul3A_460, %add3A_461 : i32
        %dma_wait3A_463 = arith.constant 2 : i32
        %dma_wait3A_464 = arith.constant 2 : i32
        %dma_wait3A_465 = arith.constant 0 : i32
        %dma_wait3A_466 = arith.constant 0 : i32
        %dma_wait3A_467 = tpu.memref_slice %arg8[%dma_wait3A_463, %dma_wait3A_465, %dma_wait3A_466] : memref<8x64x128xf32, #tpu.memory_space<vmem>> -> memref<1x64x128xf32, #tpu.memory_space<vmem>>
        %dma_wait3A_468 = tpu.memref_squeeze %dma_wait3A_467 : memref<1x64x128xf32, #tpu.memory_space<vmem>> -> memref<64x128xf32, #tpu.memory_space<vmem>>
        %dma_wait3A_469 = arith.constant 0 : i32
        %dma_wait3A_470 = tpu.memref_slice %arg6[%add3A_239, %dma_wait3A_469] : memref<400x64xi32, #tpu.memory_space<vmem>> -> memref<1x64xi32, #tpu.memory_space<vmem>>
        %dma_wait3A_471 = tpu.memref_squeeze %dma_wait3A_470 : memref<1x64xi32, #tpu.memory_space<vmem>> -> memref<64xi32, #tpu.memory_space<vmem>>
        %dma_wait3A_472 = arith.constant 0 : i32
        %dma_wait3A_473 = arith.constant 0 : i32
        %dma_wait3A_474 = tpu.memref_slice %arg7[%dma_wait3A_472, %dma_wait3A_473] : memref<361x128xf32, #tpu.memory_space<vmem_shared>> -> memref<361x128xf32, #tpu.memory_space<vmem_shared>>
        %dma_wait3A_475 = tpu.memref_slice %arg9[%dma_wait3A_464] : memref<8x!tpu.dma_semaphore, #tpu.memory_space<semaphore_mem>> -> memref<1x!tpu.dma_semaphore, #tpu.memory_space<semaphore_mem>>
        %dma_wait3A_476 = tpu.memref_squeeze %dma_wait3A_475 : memref<1x!tpu.dma_semaphore, #tpu.memory_space<semaphore_mem>> -> memref<!tpu.dma_semaphore, #tpu.memory_space<semaphore_mem>>
        tpu.wait_indirect_dma semaphore(%dma_wait3A_476 : memref<!tpu.dma_semaphore, #tpu.memory_space<semaphore_mem>>) src(%dma_wait3A_474 : memref<361x128xf32, #tpu.memory_space<vmem_shared>>) dst(%dma_wait3A_468 : memref<64x128xf32, #tpu.memory_space<vmem>>)
        %mul3A_477 = arith.constant 64 : i32
        %mul3A_478 = arith.muli %add3A_462, %mul3A_477 : i32
        %add3A_479 = arith.addi %mul3A_2, %mul3A_478 : i32
        %dma_start3A_480 = arith.constant 2 : i32
        %dma_start3A_481 = arith.constant 2 : i32
        %dma_start3A_482 = arith.constant 0 : i32
        %dma_start3A_483 = arith.constant 0 : i32
        %dma_start3A_484 = tpu.memref_slice %arg8[%dma_start3A_480, %dma_start3A_482, %dma_start3A_483] : memref<8x64x128xf32, #tpu.memory_space<vmem>> -> memref<1x64x128xf32, #tpu.memory_space<vmem>>
        %dma_start3A_485 = tpu.memref_squeeze %dma_start3A_484 : memref<1x64x128xf32, #tpu.memory_space<vmem>> -> memref<64x128xf32, #tpu.memory_space<vmem>>
        %dma_start3A_486 = arith.constant 0 : i32
        %dma_start3A_487 = tpu.memref_slice %arg4[%add3A_479, %dma_start3A_486] : memref<819200x128xf32, #tpu.memory_space<hbm>> -> memref<64x128xf32, #tpu.memory_space<hbm>>
        %dma_start3A_488 = tpu.memref_slice %arg10[%dma_start3A_481] : memref<8x!tpu.dma_semaphore, #tpu.memory_space<semaphore_mem>> -> memref<1x!tpu.dma_semaphore, #tpu.memory_space<semaphore_mem>>
        %dma_start3A_489 = tpu.memref_squeeze %dma_start3A_488 : memref<1x!tpu.dma_semaphore, #tpu.memory_space<semaphore_mem>> -> memref<!tpu.dma_semaphore, #tpu.memory_space<semaphore_mem>>
        %dma_start3A_490 = arith.constant 0 : i32
        %dma_start3A_491 = tpu.memref_slice %arg4[%add3A_479, %dma_start3A_490] : memref<819200x128xf32, #tpu.memory_space<hbm>> -> memref<64x128xf32, #tpu.memory_space<hbm>>
        %dma_start3A_492 = arith.constant 0 : i32
        %dma_start3A_493 = arith.constant 0 : i32
        %dma_start3A_494 = tpu.memref_slice %arg8[%dma_start3A_480, %dma_start3A_492, %dma_start3A_493] : memref<8x64x128xf32, #tpu.memory_space<vmem>> -> memref<1x64x128xf32, #tpu.memory_space<vmem>>
        %dma_start3A_495 = tpu.memref_squeeze %dma_start3A_494 : memref<1x64x128xf32, #tpu.memory_space<vmem>> -> memref<64x128xf32, #tpu.memory_space<vmem>>
        tpu.enqueue_dma source(%dma_start3A_495 : memref<64x128xf32, #tpu.memory_space<vmem>>) target(%dma_start3A_491 : memref<64x128xf32, #tpu.memory_space<hbm>>) target_semaphore(%dma_start3A_489 : memref<!tpu.dma_semaphore, #tpu.memory_space<semaphore_mem>>)
        %mul3A_496 = arith.constant 8 : i32
        %mul3A_497 = arith.muli %add3A_190, %mul3A_496 : i32
        %add3A_498 = arith.constant 3 : i32
        %add3A_499 = arith.addi %mul3A_497, %add3A_498 : i32
        %dma_wait3A_500 = arith.constant 3 : i32
        %dma_wait3A_501 = arith.constant 3 : i32
        %dma_wait3A_502 = arith.constant 0 : i32
        %dma_wait3A_503 = arith.constant 0 : i32
        %dma_wait3A_504 = tpu.memref_slice %arg8[%dma_wait3A_500, %dma_wait3A_502, %dma_wait3A_503] : memref<8x64x128xf32, #tpu.memory_space<vmem>> -> memref<1x64x128xf32, #tpu.memory_space<vmem>>
        %dma_wait3A_505 = tpu.memref_squeeze %dma_wait3A_504 : memref<1x64x128xf32, #tpu.memory_space<vmem>> -> memref<64x128xf32, #tpu.memory_space<vmem>>
        %dma_wait3A_506 = arith.constant 0 : i32
        %dma_wait3A_507 = tpu.memref_slice %arg6[%add3A_262, %dma_wait3A_506] : memref<400x64xi32, #tpu.memory_space<vmem>> -> memref<1x64xi32, #tpu.memory_space<vmem>>
        %dma_wait3A_508 = tpu.memref_squeeze %dma_wait3A_507 : memref<1x64xi32, #tpu.memory_space<vmem>> -> memref<64xi32, #tpu.memory_space<vmem>>
        %dma_wait3A_509 = arith.constant 0 : i32
        %dma_wait3A_510 = arith.constant 0 : i32
        %dma_wait3A_511 = tpu.memref_slice %arg7[%dma_wait3A_509, %dma_wait3A_510] : memref<361x128xf32, #tpu.memory_space<vmem_shared>> -> memref<361x128xf32, #tpu.memory_space<vmem_shared>>
        %dma_wait3A_512 = tpu.memref_slice %arg9[%dma_wait3A_501] : memref<8x!tpu.dma_semaphore, #tpu.memory_space<semaphore_mem>> -> memref<1x!tpu.dma_semaphore, #tpu.memory_space<semaphore_mem>>
        %dma_wait3A_513 = tpu.memref_squeeze %dma_wait3A_512 : memref<1x!tpu.dma_semaphore, #tpu.memory_space<semaphore_mem>> -> memref<!tpu.dma_semaphore, #tpu.memory_space<semaphore_mem>>
        tpu.wait_indirect_dma semaphore(%dma_wait3A_513 : memref<!tpu.dma_semaphore, #tpu.memory_space<semaphore_mem>>) src(%dma_wait3A_511 : memref<361x128xf32, #tpu.memory_space<vmem_shared>>) dst(%dma_wait3A_505 : memref<64x128xf32, #tpu.memory_space<vmem>>)
        %mul3A_514 = arith.constant 64 : i32
        %mul3A_515 = arith.muli %add3A_499, %mul3A_514 : i32
        %add3A_516 = arith.addi %mul3A_2, %mul3A_515 : i32
        %dma_start3A_517 = arith.constant 3 : i32
        %dma_start3A_518 = arith.constant 3 : i32
        %dma_start3A_519 = arith.constant 0 : i32
        %dma_start3A_520 = arith.constant 0 : i32
        %dma_start3A_521 = tpu.memref_slice %arg8[%dma_start3A_517, %dma_start3A_519, %dma_start3A_520] : memref<8x64x128xf32, #tpu.memory_space<vmem>> -> memref<1x64x128xf32, #tpu.memory_space<vmem>>
        %dma_start3A_522 = tpu.memref_squeeze %dma_start3A_521 : memref<1x64x128xf32, #tpu.memory_space<vmem>> -> memref<64x128xf32, #tpu.memory_space<vmem>>
        %dma_start3A_523 = arith.constant 0 : i32
        %dma_start3A_524 = tpu.memref_slice %arg4[%add3A_516, %dma_start3A_523] : memref<819200x128xf32, #tpu.memory_space<hbm>> -> memref<64x128xf32, #tpu.memory_space<hbm>>
        %dma_start3A_525 = tpu.memref_slice %arg10[%dma_start3A_518] : memref<8x!tpu.dma_semaphore, #tpu.memory_space<semaphore_mem>> -> memref<1x!tpu.dma_semaphore, #tpu.memory_space<semaphore_mem>>
        %dma_start3A_526 = tpu.memref_squeeze %dma_start3A_525 : memref<1x!tpu.dma_semaphore, #tpu.memory_space<semaphore_mem>> -> memref<!tpu.dma_semaphore, #tpu.memory_space<semaphore_mem>>
        %dma_start3A_527 = arith.constant 0 : i32
        %dma_start3A_528 = tpu.memref_slice %arg4[%add3A_516, %dma_start3A_527] : memref<819200x128xf32, #tpu.memory_space<hbm>> -> memref<64x128xf32, #tpu.memory_space<hbm>>
        %dma_start3A_529 = arith.constant 0 : i32
        %dma_start3A_530 = arith.constant 0 : i32
        %dma_start3A_531 = tpu.memref_slice %arg8[%dma_start3A_517, %dma_start3A_529, %dma_start3A_530] : memref<8x64x128xf32, #tpu.memory_space<vmem>> -> memref<1x64x128xf32, #tpu.memory_space<vmem>>
        %dma_start3A_532 = tpu.memref_squeeze %dma_start3A_531 : memref<1x64x128xf32, #tpu.memory_space<vmem>> -> memref<64x128xf32, #tpu.memory_space<vmem>>
        tpu.enqueue_dma source(%dma_start3A_532 : memref<64x128xf32, #tpu.memory_space<vmem>>) target(%dma_start3A_528 : memref<64x128xf32, #tpu.memory_space<hbm>>) target_semaphore(%dma_start3A_526 : memref<!tpu.dma_semaphore, #tpu.memory_space<semaphore_mem>>)
        %mul3A_533 = arith.constant 8 : i32
        %mul3A_534 = arith.muli %add3A_190, %mul3A_533 : i32
        %add3A_535 = arith.constant 4 : i32
        %add3A_536 = arith.addi %mul3A_534, %add3A_535 : i32
        %dma_wait3A_537 = arith.constant 4 : i32
        %dma_wait3A_538 = arith.constant 4 : i32
        %dma_wait3A_539 = arith.constant 0 : i32
        %dma_wait3A_540 = arith.constant 0 : i32
        %dma_wait3A_541 = tpu.memref_slice %arg8[%dma_wait3A_537, %dma_wait3A_539, %dma_wait3A_540] : memref<8x64x128xf32, #tpu.memory_space<vmem>> -> memref<1x64x128xf32, #tpu.memory_space<vmem>>
        %dma_wait3A_542 = tpu.memref_squeeze %dma_wait3A_541 : memref<1x64x128xf32, #tpu.memory_space<vmem>> -> memref<64x128xf32, #tpu.memory_space<vmem>>
        %dma_wait3A_543 = arith.constant 0 : i32
        %dma_wait3A_544 = tpu.memref_slice %arg6[%add3A_285, %dma_wait3A_543] : memref<400x64xi32, #tpu.memory_space<vmem>> -> memref<1x64xi32, #tpu.memory_space<vmem>>
        %dma_wait3A_545 = tpu.memref_squeeze %dma_wait3A_544 : memref<1x64xi32, #tpu.memory_space<vmem>> -> memref<64xi32, #tpu.memory_space<vmem>>
        %dma_wait3A_546 = arith.constant 0 : i32
        %dma_wait3A_547 = arith.constant 0 : i32
        %dma_wait3A_548 = tpu.memref_slice %arg7[%dma_wait3A_546, %dma_wait3A_547] : memref<361x128xf32, #tpu.memory_space<vmem_shared>> -> memref<361x128xf32, #tpu.memory_space<vmem_shared>>
        %dma_wait3A_549 = tpu.memref_slice %arg9[%dma_wait3A_538] : memref<8x!tpu.dma_semaphore, #tpu.memory_space<semaphore_mem>> -> memref<1x!tpu.dma_semaphore, #tpu.memory_space<semaphore_mem>>
        %dma_wait3A_550 = tpu.memref_squeeze %dma_wait3A_549 : memref<1x!tpu.dma_semaphore, #tpu.memory_space<semaphore_mem>> -> memref<!tpu.dma_semaphore, #tpu.memory_space<semaphore_mem>>
        tpu.wait_indirect_dma semaphore(%dma_wait3A_550 : memref<!tpu.dma_semaphore, #tpu.memory_space<semaphore_mem>>) src(%dma_wait3A_548 : memref<361x128xf32, #tpu.memory_space<vmem_shared>>) dst(%dma_wait3A_542 : memref<64x128xf32, #tpu.memory_space<vmem>>)
        %mul3A_551 = arith.constant 64 : i32
        %mul3A_552 = arith.muli %add3A_536, %mul3A_551 : i32
        %add3A_553 = arith.addi %mul3A_2, %mul3A_552 : i32
        %dma_start3A_554 = arith.constant 4 : i32
        %dma_start3A_555 = arith.constant 4 : i32
        %dma_start3A_556 = arith.constant 0 : i32
        %dma_start3A_557 = arith.constant 0 : i32
        %dma_start3A_558 = tpu.memref_slice %arg8[%dma_start3A_554, %dma_start3A_556, %dma_start3A_557] : memref<8x64x128xf32, #tpu.memory_space<vmem>> -> memref<1x64x128xf32, #tpu.memory_space<vmem>>
        %dma_start3A_559 = tpu.memref_squeeze %dma_start3A_558 : memref<1x64x128xf32, #tpu.memory_space<vmem>> -> memref<64x128xf32, #tpu.memory_space<vmem>>
        %dma_start3A_560 = arith.constant 0 : i32
        %dma_start3A_561 = tpu.memref_slice %arg4[%add3A_553, %dma_start3A_560] : memref<819200x128xf32, #tpu.memory_space<hbm>> -> memref<64x128xf32, #tpu.memory_space<hbm>>
        %dma_start3A_562 = tpu.memref_slice %arg10[%dma_start3A_555] : memref<8x!tpu.dma_semaphore, #tpu.memory_space<semaphore_mem>> -> memref<1x!tpu.dma_semaphore, #tpu.memory_space<semaphore_mem>>
        %dma_start3A_563 = tpu.memref_squeeze %dma_start3A_562 : memref<1x!tpu.dma_semaphore, #tpu.memory_space<semaphore_mem>> -> memref<!tpu.dma_semaphore, #tpu.memory_space<semaphore_mem>>
        %dma_start3A_564 = arith.constant 0 : i32
        %dma_start3A_565 = tpu.memref_slice %arg4[%add3A_553, %dma_start3A_564] : memref<819200x128xf32, #tpu.memory_space<hbm>> -> memref<64x128xf32, #tpu.memory_space<hbm>>
        %dma_start3A_566 = arith.constant 0 : i32
        %dma_start3A_567 = arith.constant 0 : i32
        %dma_start3A_568 = tpu.memref_slice %arg8[%dma_start3A_554, %dma_start3A_566, %dma_start3A_567] : memref<8x64x128xf32, #tpu.memory_space<vmem>> -> memref<1x64x128xf32, #tpu.memory_space<vmem>>
        %dma_start3A_569 = tpu.memref_squeeze %dma_start3A_568 : memref<1x64x128xf32, #tpu.memory_space<vmem>> -> memref<64x128xf32, #tpu.memory_space<vmem>>
        tpu.enqueue_dma source(%dma_start3A_569 : memref<64x128xf32, #tpu.memory_space<vmem>>) target(%dma_start3A_565 : memref<64x128xf32, #tpu.memory_space<hbm>>) target_semaphore(%dma_start3A_563 : memref<!tpu.dma_semaphore, #tpu.memory_space<semaphore_mem>>)
        %mul3A_570 = arith.constant 8 : i32
        %mul3A_571 = arith.muli %add3A_190, %mul3A_570 : i32
        %add3A_572 = arith.constant 5 : i32
        %add3A_573 = arith.addi %mul3A_571, %add3A_572 : i32
        %dma_wait3A_574 = arith.constant 5 : i32
        %dma_wait3A_575 = arith.constant 5 : i32
        %dma_wait3A_576 = arith.constant 0 : i32
        %dma_wait3A_577 = arith.constant 0 : i32
        %dma_wait3A_578 = tpu.memref_slice %arg8[%dma_wait3A_574, %dma_wait3A_576, %dma_wait3A_577] : memref<8x64x128xf32, #tpu.memory_space<vmem>> -> memref<1x64x128xf32, #tpu.memory_space<vmem>>
        %dma_wait3A_579 = tpu.memref_squeeze %dma_wait3A_578 : memref<1x64x128xf32, #tpu.memory_space<vmem>> -> memref<64x128xf32, #tpu.memory_space<vmem>>
        %dma_wait3A_580 = arith.constant 0 : i32
        %dma_wait3A_581 = tpu.memref_slice %arg6[%add3A_308, %dma_wait3A_580] : memref<400x64xi32, #tpu.memory_space<vmem>> -> memref<1x64xi32, #tpu.memory_space<vmem>>
        %dma_wait3A_582 = tpu.memref_squeeze %dma_wait3A_581 : memref<1x64xi32, #tpu.memory_space<vmem>> -> memref<64xi32, #tpu.memory_space<vmem>>
        %dma_wait3A_583 = arith.constant 0 : i32
        %dma_wait3A_584 = arith.constant 0 : i32
        %dma_wait3A_585 = tpu.memref_slice %arg7[%dma_wait3A_583, %dma_wait3A_584] : memref<361x128xf32, #tpu.memory_space<vmem_shared>> -> memref<361x128xf32, #tpu.memory_space<vmem_shared>>
        %dma_wait3A_586 = tpu.memref_slice %arg9[%dma_wait3A_575] : memref<8x!tpu.dma_semaphore, #tpu.memory_space<semaphore_mem>> -> memref<1x!tpu.dma_semaphore, #tpu.memory_space<semaphore_mem>>
        %dma_wait3A_587 = tpu.memref_squeeze %dma_wait3A_586 : memref<1x!tpu.dma_semaphore, #tpu.memory_space<semaphore_mem>> -> memref<!tpu.dma_semaphore, #tpu.memory_space<semaphore_mem>>
        tpu.wait_indirect_dma semaphore(%dma_wait3A_587 : memref<!tpu.dma_semaphore, #tpu.memory_space<semaphore_mem>>) src(%dma_wait3A_585 : memref<361x128xf32, #tpu.memory_space<vmem_shared>>) dst(%dma_wait3A_579 : memref<64x128xf32, #tpu.memory_space<vmem>>)
        %mul3A_588 = arith.constant 64 : i32
        %mul3A_589 = arith.muli %add3A_573, %mul3A_588 : i32
        %add3A_590 = arith.addi %mul3A_2, %mul3A_589 : i32
        %dma_start3A_591 = arith.constant 5 : i32
        %dma_start3A_592 = arith.constant 5 : i32
        %dma_start3A_593 = arith.constant 0 : i32
        %dma_start3A_594 = arith.constant 0 : i32
        %dma_start3A_595 = tpu.memref_slice %arg8[%dma_start3A_591, %dma_start3A_593, %dma_start3A_594] : memref<8x64x128xf32, #tpu.memory_space<vmem>> -> memref<1x64x128xf32, #tpu.memory_space<vmem>>
        %dma_start3A_596 = tpu.memref_squeeze %dma_start3A_595 : memref<1x64x128xf32, #tpu.memory_space<vmem>> -> memref<64x128xf32, #tpu.memory_space<vmem>>
        %dma_start3A_597 = arith.constant 0 : i32
        %dma_start3A_598 = tpu.memref_slice %arg4[%add3A_590, %dma_start3A_597] : memref<819200x128xf32, #tpu.memory_space<hbm>> -> memref<64x128xf32, #tpu.memory_space<hbm>>
        %dma_start3A_599 = tpu.memref_slice %arg10[%dma_start3A_592] : memref<8x!tpu.dma_semaphore, #tpu.memory_space<semaphore_mem>> -> memref<1x!tpu.dma_semaphore, #tpu.memory_space<semaphore_mem>>
        %dma_start3A_600 = tpu.memref_squeeze %dma_start3A_599 : memref<1x!tpu.dma_semaphore, #tpu.memory_space<semaphore_mem>> -> memref<!tpu.dma_semaphore, #tpu.memory_space<semaphore_mem>>
        %dma_start3A_601 = arith.constant 0 : i32
        %dma_start3A_602 = tpu.memref_slice %arg4[%add3A_590, %dma_start3A_601] : memref<819200x128xf32, #tpu.memory_space<hbm>> -> memref<64x128xf32, #tpu.memory_space<hbm>>
        %dma_start3A_603 = arith.constant 0 : i32
        %dma_start3A_604 = arith.constant 0 : i32
        %dma_start3A_605 = tpu.memref_slice %arg8[%dma_start3A_591, %dma_start3A_603, %dma_start3A_604] : memref<8x64x128xf32, #tpu.memory_space<vmem>> -> memref<1x64x128xf32, #tpu.memory_space<vmem>>
        %dma_start3A_606 = tpu.memref_squeeze %dma_start3A_605 : memref<1x64x128xf32, #tpu.memory_space<vmem>> -> memref<64x128xf32, #tpu.memory_space<vmem>>
        tpu.enqueue_dma source(%dma_start3A_606 : memref<64x128xf32, #tpu.memory_space<vmem>>) target(%dma_start3A_602 : memref<64x128xf32, #tpu.memory_space<hbm>>) target_semaphore(%dma_start3A_600 : memref<!tpu.dma_semaphore, #tpu.memory_space<semaphore_mem>>)
        %mul3A_607 = arith.constant 8 : i32
        %mul3A_608 = arith.muli %add3A_190, %mul3A_607 : i32
        %add3A_609 = arith.constant 6 : i32
        %add3A_610 = arith.addi %mul3A_608, %add3A_609 : i32
        %dma_wait3A_611 = arith.constant 6 : i32
        %dma_wait3A_612 = arith.constant 6 : i32
        %dma_wait3A_613 = arith.constant 0 : i32
        %dma_wait3A_614 = arith.constant 0 : i32
        %dma_wait3A_615 = tpu.memref_slice %arg8[%dma_wait3A_611, %dma_wait3A_613, %dma_wait3A_614] : memref<8x64x128xf32, #tpu.memory_space<vmem>> -> memref<1x64x128xf32, #tpu.memory_space<vmem>>
        %dma_wait3A_616 = tpu.memref_squeeze %dma_wait3A_615 : memref<1x64x128xf32, #tpu.memory_space<vmem>> -> memref<64x128xf32, #tpu.memory_space<vmem>>
        %dma_wait3A_617 = arith.constant 0 : i32
        %dma_wait3A_618 = tpu.memref_slice %arg6[%add3A_331, %dma_wait3A_617] : memref<400x64xi32, #tpu.memory_space<vmem>> -> memref<1x64xi32, #tpu.memory_space<vmem>>
        %dma_wait3A_619 = tpu.memref_squeeze %dma_wait3A_618 : memref<1x64xi32, #tpu.memory_space<vmem>> -> memref<64xi32, #tpu.memory_space<vmem>>
        %dma_wait3A_620 = arith.constant 0 : i32
        %dma_wait3A_621 = arith.constant 0 : i32
        %dma_wait3A_622 = tpu.memref_slice %arg7[%dma_wait3A_620, %dma_wait3A_621] : memref<361x128xf32, #tpu.memory_space<vmem_shared>> -> memref<361x128xf32, #tpu.memory_space<vmem_shared>>
        %dma_wait3A_623 = tpu.memref_slice %arg9[%dma_wait3A_612] : memref<8x!tpu.dma_semaphore, #tpu.memory_space<semaphore_mem>> -> memref<1x!tpu.dma_semaphore, #tpu.memory_space<semaphore_mem>>
        %dma_wait3A_624 = tpu.memref_squeeze %dma_wait3A_623 : memref<1x!tpu.dma_semaphore, #tpu.memory_space<semaphore_mem>> -> memref<!tpu.dma_semaphore, #tpu.memory_space<semaphore_mem>>
        tpu.wait_indirect_dma semaphore(%dma_wait3A_624 : memref<!tpu.dma_semaphore, #tpu.memory_space<semaphore_mem>>) src(%dma_wait3A_622 : memref<361x128xf32, #tpu.memory_space<vmem_shared>>) dst(%dma_wait3A_616 : memref<64x128xf32, #tpu.memory_space<vmem>>)
        %mul3A_625 = arith.constant 64 : i32
        %mul3A_626 = arith.muli %add3A_610, %mul3A_625 : i32
        %add3A_627 = arith.addi %mul3A_2, %mul3A_626 : i32
        %dma_start3A_628 = arith.constant 6 : i32
        %dma_start3A_629 = arith.constant 6 : i32
        %dma_start3A_630 = arith.constant 0 : i32
        %dma_start3A_631 = arith.constant 0 : i32
        %dma_start3A_632 = tpu.memref_slice %arg8[%dma_start3A_628, %dma_start3A_630, %dma_start3A_631] : memref<8x64x128xf32, #tpu.memory_space<vmem>> -> memref<1x64x128xf32, #tpu.memory_space<vmem>>
        %dma_start3A_633 = tpu.memref_squeeze %dma_start3A_632 : memref<1x64x128xf32, #tpu.memory_space<vmem>> -> memref<64x128xf32, #tpu.memory_space<vmem>>
        %dma_start3A_634 = arith.constant 0 : i32
        %dma_start3A_635 = tpu.memref_slice %arg4[%add3A_627, %dma_start3A_634] : memref<819200x128xf32, #tpu.memory_space<hbm>> -> memref<64x128xf32, #tpu.memory_space<hbm>>
        %dma_start3A_636 = tpu.memref_slice %arg10[%dma_start3A_629] : memref<8x!tpu.dma_semaphore, #tpu.memory_space<semaphore_mem>> -> memref<1x!tpu.dma_semaphore, #tpu.memory_space<semaphore_mem>>
        %dma_start3A_637 = tpu.memref_squeeze %dma_start3A_636 : memref<1x!tpu.dma_semaphore, #tpu.memory_space<semaphore_mem>> -> memref<!tpu.dma_semaphore, #tpu.memory_space<semaphore_mem>>
        %dma_start3A_638 = arith.constant 0 : i32
        %dma_start3A_639 = tpu.memref_slice %arg4[%add3A_627, %dma_start3A_638] : memref<819200x128xf32, #tpu.memory_space<hbm>> -> memref<64x128xf32, #tpu.memory_space<hbm>>
        %dma_start3A_640 = arith.constant 0 : i32
        %dma_start3A_641 = arith.constant 0 : i32
        %dma_start3A_642 = tpu.memref_slice %arg8[%dma_start3A_628, %dma_start3A_640, %dma_start3A_641] : memref<8x64x128xf32, #tpu.memory_space<vmem>> -> memref<1x64x128xf32, #tpu.memory_space<vmem>>
        %dma_start3A_643 = tpu.memref_squeeze %dma_start3A_642 : memref<1x64x128xf32, #tpu.memory_space<vmem>> -> memref<64x128xf32, #tpu.memory_space<vmem>>
        tpu.enqueue_dma source(%dma_start3A_643 : memref<64x128xf32, #tpu.memory_space<vmem>>) target(%dma_start3A_639 : memref<64x128xf32, #tpu.memory_space<hbm>>) target_semaphore(%dma_start3A_637 : memref<!tpu.dma_semaphore, #tpu.memory_space<semaphore_mem>>)
        %mul3A_644 = arith.constant 8 : i32
        %mul3A_645 = arith.muli %add3A_190, %mul3A_644 : i32
        %add3A_646 = arith.constant 7 : i32
        %add3A_647 = arith.addi %mul3A_645, %add3A_646 : i32
        %dma_wait3A_648 = arith.constant 7 : i32
        %dma_wait3A_649 = arith.constant 7 : i32
        %dma_wait3A_650 = arith.constant 0 : i32
        %dma_wait3A_651 = arith.constant 0 : i32
        %dma_wait3A_652 = tpu.memref_slice %arg8[%dma_wait3A_648, %dma_wait3A_650, %dma_wait3A_651] : memref<8x64x128xf32, #tpu.memory_space<vmem>> -> memref<1x64x128xf32, #tpu.memory_space<vmem>>
        %dma_wait3A_653 = tpu.memref_squeeze %dma_wait3A_652 : memref<1x64x128xf32, #tpu.memory_space<vmem>> -> memref<64x128xf32, #tpu.memory_space<vmem>>
        %dma_wait3A_654 = arith.constant 0 : i32
        %dma_wait3A_655 = tpu.memref_slice %arg6[%add3A_354, %dma_wait3A_654] : memref<400x64xi32, #tpu.memory_space<vmem>> -> memref<1x64xi32, #tpu.memory_space<vmem>>
        %dma_wait3A_656 = tpu.memref_squeeze %dma_wait3A_655 : memref<1x64xi32, #tpu.memory_space<vmem>> -> memref<64xi32, #tpu.memory_space<vmem>>
        %dma_wait3A_657 = arith.constant 0 : i32
        %dma_wait3A_658 = arith.constant 0 : i32
        %dma_wait3A_659 = tpu.memref_slice %arg7[%dma_wait3A_657, %dma_wait3A_658] : memref<361x128xf32, #tpu.memory_space<vmem_shared>> -> memref<361x128xf32, #tpu.memory_space<vmem_shared>>
        %dma_wait3A_660 = tpu.memref_slice %arg9[%dma_wait3A_649] : memref<8x!tpu.dma_semaphore, #tpu.memory_space<semaphore_mem>> -> memref<1x!tpu.dma_semaphore, #tpu.memory_space<semaphore_mem>>
        %dma_wait3A_661 = tpu.memref_squeeze %dma_wait3A_660 : memref<1x!tpu.dma_semaphore, #tpu.memory_space<semaphore_mem>> -> memref<!tpu.dma_semaphore, #tpu.memory_space<semaphore_mem>>
        tpu.wait_indirect_dma semaphore(%dma_wait3A_661 : memref<!tpu.dma_semaphore, #tpu.memory_space<semaphore_mem>>) src(%dma_wait3A_659 : memref<361x128xf32, #tpu.memory_space<vmem_shared>>) dst(%dma_wait3A_653 : memref<64x128xf32, #tpu.memory_space<vmem>>)
        %mul3A_662 = arith.constant 64 : i32
        %mul3A_663 = arith.muli %add3A_647, %mul3A_662 : i32
        %add3A_664 = arith.addi %mul3A_2, %mul3A_663 : i32
        %dma_start3A_665 = arith.constant 7 : i32
        %dma_start3A_666 = arith.constant 7 : i32
        %dma_start3A_667 = arith.constant 0 : i32
        %dma_start3A_668 = arith.constant 0 : i32
        %dma_start3A_669 = tpu.memref_slice %arg8[%dma_start3A_665, %dma_start3A_667, %dma_start3A_668] : memref<8x64x128xf32, #tpu.memory_space<vmem>> -> memref<1x64x128xf32, #tpu.memory_space<vmem>>
        %dma_start3A_670 = tpu.memref_squeeze %dma_start3A_669 : memref<1x64x128xf32, #tpu.memory_space<vmem>> -> memref<64x128xf32, #tpu.memory_space<vmem>>
        %dma_start3A_671 = arith.constant 0 : i32
        %dma_start3A_672 = tpu.memref_slice %arg4[%add3A_664, %dma_start3A_671] : memref<819200x128xf32, #tpu.memory_space<hbm>> -> memref<64x128xf32, #tpu.memory_space<hbm>>
        %dma_start3A_673 = tpu.memref_slice %arg10[%dma_start3A_666] : memref<8x!tpu.dma_semaphore, #tpu.memory_space<semaphore_mem>> -> memref<1x!tpu.dma_semaphore, #tpu.memory_space<semaphore_mem>>
        %dma_start3A_674 = tpu.memref_squeeze %dma_start3A_673 : memref<1x!tpu.dma_semaphore, #tpu.memory_space<semaphore_mem>> -> memref<!tpu.dma_semaphore, #tpu.memory_space<semaphore_mem>>
        %dma_start3A_675 = arith.constant 0 : i32
        %dma_start3A_676 = tpu.memref_slice %arg4[%add3A_664, %dma_start3A_675] : memref<819200x128xf32, #tpu.memory_space<hbm>> -> memref<64x128xf32, #tpu.memory_space<hbm>>
        %dma_start3A_677 = arith.constant 0 : i32
        %dma_start3A_678 = arith.constant 0 : i32
        %dma_start3A_679 = tpu.memref_slice %arg8[%dma_start3A_665, %dma_start3A_677, %dma_start3A_678] : memref<8x64x128xf32, #tpu.memory_space<vmem>> -> memref<1x64x128xf32, #tpu.memory_space<vmem>>
        %dma_start3A_680 = tpu.memref_squeeze %dma_start3A_679 : memref<1x64x128xf32, #tpu.memory_space<vmem>> -> memref<64x128xf32, #tpu.memory_space<vmem>>
        tpu.enqueue_dma source(%dma_start3A_680 : memref<64x128xf32, #tpu.memory_space<vmem>>) target(%dma_start3A_676 : memref<64x128xf32, #tpu.memory_space<hbm>>) target_semaphore(%dma_start3A_674 : memref<!tpu.dma_semaphore, #tpu.memory_space<semaphore_mem>>)
        %scan3A_681 = arith.constant 0 : i32
        scf.yield %scan3A_681 : i32
      }
      %scan3A_184 = arith.constant 5 : i32
      %scan3A_185 = arith.constant 0 : i32
      scf.yield %scan3A_185 : i32
    }
    %scan3A_32 = arith.constant 10 : i32
    %add3A_33 = arith.constant 25088 : i32
    %add3A_34 = arith.addi %mul3A_2, %add3A_33 : i32
    %dma_wait3A = arith.constant 0 : i32
    %dma_wait3A_35 = arith.constant 0 : i32
    %dma_wait3A_36 = arith.constant 0 : i32
    %dma_wait3A_37 = arith.constant 0 : i32
    %dma_wait3A_38 = tpu.memref_slice %arg8[%dma_wait3A, %dma_wait3A_36, %dma_wait3A_37] : memref<8x64x128xf32, #tpu.memory_space<vmem>> -> memref<1x64x128xf32, #tpu.memory_space<vmem>>
    %dma_wait3A_39 = tpu.memref_squeeze %dma_wait3A_38 : memref<1x64x128xf32, #tpu.memory_space<vmem>> -> memref<64x128xf32, #tpu.memory_space<vmem>>
    %dma_wait3A_40 = arith.constant 0 : i32
    %dma_wait3A_41 = tpu.memref_slice %arg4[%add3A_34, %dma_wait3A_40] : memref<819200x128xf32, #tpu.memory_space<hbm>> -> memref<64x128xf32, #tpu.memory_space<hbm>>
    %dma_wait3A_42 = tpu.memref_slice %arg10[%dma_wait3A_35] : memref<8x!tpu.dma_semaphore, #tpu.memory_space<semaphore_mem>> -> memref<1x!tpu.dma_semaphore, #tpu.memory_space<semaphore_mem>>
    %dma_wait3A_43 = tpu.memref_squeeze %dma_wait3A_42 : memref<1x!tpu.dma_semaphore, #tpu.memory_space<semaphore_mem>> -> memref<!tpu.dma_semaphore, #tpu.memory_space<semaphore_mem>>
    %dma_wait3A_44 = arith.constant 0 : i32
    %dma_wait3A_45 = tpu.memref_slice %arg4[%add3A_34, %dma_wait3A_44] : memref<819200x128xf32, #tpu.memory_space<hbm>> -> memref<64x128xf32, #tpu.memory_space<hbm>>
    %dma_wait3A_46 = arith.constant 0 : i32
    %dma_wait3A_47 = arith.constant 0 : i32
    %dma_wait3A_48 = tpu.memref_slice %arg8[%dma_wait3A, %dma_wait3A_46, %dma_wait3A_47] : memref<8x64x128xf32, #tpu.memory_space<vmem>> -> memref<1x64x128xf32, #tpu.memory_space<vmem>>
    %dma_wait3A_49 = tpu.memref_squeeze %dma_wait3A_48 : memref<1x64x128xf32, #tpu.memory_space<vmem>> -> memref<64x128xf32, #tpu.memory_space<vmem>>
    tpu.wait_dma2 semaphore(%dma_wait3A_43 : memref<!tpu.dma_semaphore, #tpu.memory_space<semaphore_mem>>) src(%dma_wait3A_49 : memref<64x128xf32, #tpu.memory_space<vmem>>) dst(%dma_wait3A_45 : memref<64x128xf32, #tpu.memory_space<hbm>>)
    %add3A_50 = arith.constant 25152 : i32
    %add3A_51 = arith.addi %mul3A_2, %add3A_50 : i32
    %dma_wait3A_52 = arith.constant 1 : i32
    %dma_wait3A_53 = arith.constant 1 : i32
    %dma_wait3A_54 = arith.constant 0 : i32
    %dma_wait3A_55 = arith.constant 0 : i32
    %dma_wait3A_56 = tpu.memref_slice %arg8[%dma_wait3A_52, %dma_wait3A_54, %dma_wait3A_55] : memref<8x64x128xf32, #tpu.memory_space<vmem>> -> memref<1x64x128xf32, #tpu.memory_space<vmem>>
    %dma_wait3A_57 = tpu.memref_squeeze %dma_wait3A_56 : memref<1x64x128xf32, #tpu.memory_space<vmem>> -> memref<64x128xf32, #tpu.memory_space<vmem>>
    %dma_wait3A_58 = arith.constant 0 : i32
    %dma_wait3A_59 = tpu.memref_slice %arg4[%add3A_51, %dma_wait3A_58] : memref<819200x128xf32, #tpu.memory_space<hbm>> -> memref<64x128xf32, #tpu.memory_space<hbm>>
    %dma_wait3A_60 = tpu.memref_slice %arg10[%dma_wait3A_53] : memref<8x!tpu.dma_semaphore, #tpu.memory_space<semaphore_mem>> -> memref<1x!tpu.dma_semaphore, #tpu.memory_space<semaphore_mem>>
    %dma_wait3A_61 = tpu.memref_squeeze %dma_wait3A_60 : memref<1x!tpu.dma_semaphore, #tpu.memory_space<semaphore_mem>> -> memref<!tpu.dma_semaphore, #tpu.memory_space<semaphore_mem>>
    %dma_wait3A_62 = arith.constant 0 : i32
    %dma_wait3A_63 = tpu.memref_slice %arg4[%add3A_51, %dma_wait3A_62] : memref<819200x128xf32, #tpu.memory_space<hbm>> -> memref<64x128xf32, #tpu.memory_space<hbm>>
    %dma_wait3A_64 = arith.constant 0 : i32
    %dma_wait3A_65 = arith.constant 0 : i32
    %dma_wait3A_66 = tpu.memref_slice %arg8[%dma_wait3A_52, %dma_wait3A_64, %dma_wait3A_65] : memref<8x64x128xf32, #tpu.memory_space<vmem>> -> memref<1x64x128xf32, #tpu.memory_space<vmem>>
    %dma_wait3A_67 = tpu.memref_squeeze %dma_wait3A_66 : memref<1x64x128xf32, #tpu.memory_space<vmem>> -> memref<64x128xf32, #tpu.memory_space<vmem>>
    tpu.wait_dma2 semaphore(%dma_wait3A_61 : memref<!tpu.dma_semaphore, #tpu.memory_space<semaphore_mem>>) src(%dma_wait3A_67 : memref<64x128xf32, #tpu.memory_space<vmem>>) dst(%dma_wait3A_63 : memref<64x128xf32, #tpu.memory_space<hbm>>)
    %add3A_68 = arith.constant 25216 : i32
    %add3A_69 = arith.addi %mul3A_2, %add3A_68 : i32
    %dma_wait3A_70 = arith.constant 2 : i32
    %dma_wait3A_71 = arith.constant 2 : i32
    %dma_wait3A_72 = arith.constant 0 : i32
    %dma_wait3A_73 = arith.constant 0 : i32
    %dma_wait3A_74 = tpu.memref_slice %arg8[%dma_wait3A_70, %dma_wait3A_72, %dma_wait3A_73] : memref<8x64x128xf32, #tpu.memory_space<vmem>> -> memref<1x64x128xf32, #tpu.memory_space<vmem>>
    %dma_wait3A_75 = tpu.memref_squeeze %dma_wait3A_74 : memref<1x64x128xf32, #tpu.memory_space<vmem>> -> memref<64x128xf32, #tpu.memory_space<vmem>>
    %dma_wait3A_76 = arith.constant 0 : i32
    %dma_wait3A_77 = tpu.memref_slice %arg4[%add3A_69, %dma_wait3A_76] : memref<819200x128xf32, #tpu.memory_space<hbm>> -> memref<64x128xf32, #tpu.memory_space<hbm>>
    %dma_wait3A_78 = tpu.memref_slice %arg10[%dma_wait3A_71] : memref<8x!tpu.dma_semaphore, #tpu.memory_space<semaphore_mem>> -> memref<1x!tpu.dma_semaphore, #tpu.memory_space<semaphore_mem>>
    %dma_wait3A_79 = tpu.memref_squeeze %dma_wait3A_78 : memref<1x!tpu.dma_semaphore, #tpu.memory_space<semaphore_mem>> -> memref<!tpu.dma_semaphore, #tpu.memory_space<semaphore_mem>>
    %dma_wait3A_80 = arith.constant 0 : i32
    %dma_wait3A_81 = tpu.memref_slice %arg4[%add3A_69, %dma_wait3A_80] : memref<819200x128xf32, #tpu.memory_space<hbm>> -> memref<64x128xf32, #tpu.memory_space<hbm>>
    %dma_wait3A_82 = arith.constant 0 : i32
    %dma_wait3A_83 = arith.constant 0 : i32
    %dma_wait3A_84 = tpu.memref_slice %arg8[%dma_wait3A_70, %dma_wait3A_82, %dma_wait3A_83] : memref<8x64x128xf32, #tpu.memory_space<vmem>> -> memref<1x64x128xf32, #tpu.memory_space<vmem>>
    %dma_wait3A_85 = tpu.memref_squeeze %dma_wait3A_84 : memref<1x64x128xf32, #tpu.memory_space<vmem>> -> memref<64x128xf32, #tpu.memory_space<vmem>>
    tpu.wait_dma2 semaphore(%dma_wait3A_79 : memref<!tpu.dma_semaphore, #tpu.memory_space<semaphore_mem>>) src(%dma_wait3A_85 : memref<64x128xf32, #tpu.memory_space<vmem>>) dst(%dma_wait3A_81 : memref<64x128xf32, #tpu.memory_space<hbm>>)
    %add3A_86 = arith.constant 25280 : i32
    %add3A_87 = arith.addi %mul3A_2, %add3A_86 : i32
    %dma_wait3A_88 = arith.constant 3 : i32
    %dma_wait3A_89 = arith.constant 3 : i32
    %dma_wait3A_90 = arith.constant 0 : i32
    %dma_wait3A_91 = arith.constant 0 : i32
    %dma_wait3A_92 = tpu.memref_slice %arg8[%dma_wait3A_88, %dma_wait3A_90, %dma_wait3A_91] : memref<8x64x128xf32, #tpu.memory_space<vmem>> -> memref<1x64x128xf32, #tpu.memory_space<vmem>>
    %dma_wait3A_93 = tpu.memref_squeeze %dma_wait3A_92 : memref<1x64x128xf32, #tpu.memory_space<vmem>> -> memref<64x128xf32, #tpu.memory_space<vmem>>
    %dma_wait3A_94 = arith.constant 0 : i32
    %dma_wait3A_95 = tpu.memref_slice %arg4[%add3A_87, %dma_wait3A_94] : memref<819200x128xf32, #tpu.memory_space<hbm>> -> memref<64x128xf32, #tpu.memory_space<hbm>>
    %dma_wait3A_96 = tpu.memref_slice %arg10[%dma_wait3A_89] : memref<8x!tpu.dma_semaphore, #tpu.memory_space<semaphore_mem>> -> memref<1x!tpu.dma_semaphore, #tpu.memory_space<semaphore_mem>>
    %dma_wait3A_97 = tpu.memref_squeeze %dma_wait3A_96 : memref<1x!tpu.dma_semaphore, #tpu.memory_space<semaphore_mem>> -> memref<!tpu.dma_semaphore, #tpu.memory_space<semaphore_mem>>
    %dma_wait3A_98 = arith.constant 0 : i32
    %dma_wait3A_99 = tpu.memref_slice %arg4[%add3A_87, %dma_wait3A_98] : memref<819200x128xf32, #tpu.memory_space<hbm>> -> memref<64x128xf32, #tpu.memory_space<hbm>>
    %dma_wait3A_100 = arith.constant 0 : i32
    %dma_wait3A_101 = arith.constant 0 : i32
    %dma_wait3A_102 = tpu.memref_slice %arg8[%dma_wait3A_88, %dma_wait3A_100, %dma_wait3A_101] : memref<8x64x128xf32, #tpu.memory_space<vmem>> -> memref<1x64x128xf32, #tpu.memory_space<vmem>>
    %dma_wait3A_103 = tpu.memref_squeeze %dma_wait3A_102 : memref<1x64x128xf32, #tpu.memory_space<vmem>> -> memref<64x128xf32, #tpu.memory_space<vmem>>
    tpu.wait_dma2 semaphore(%dma_wait3A_97 : memref<!tpu.dma_semaphore, #tpu.memory_space<semaphore_mem>>) src(%dma_wait3A_103 : memref<64x128xf32, #tpu.memory_space<vmem>>) dst(%dma_wait3A_99 : memref<64x128xf32, #tpu.memory_space<hbm>>)
    %add3A_104 = arith.constant 25344 : i32
    %add3A_105 = arith.addi %mul3A_2, %add3A_104 : i32
    %dma_wait3A_106 = arith.constant 4 : i32
    %dma_wait3A_107 = arith.constant 4 : i32
    %dma_wait3A_108 = arith.constant 0 : i32
    %dma_wait3A_109 = arith.constant 0 : i32
    %dma_wait3A_110 = tpu.memref_slice %arg8[%dma_wait3A_106, %dma_wait3A_108, %dma_wait3A_109] : memref<8x64x128xf32, #tpu.memory_space<vmem>> -> memref<1x64x128xf32, #tpu.memory_space<vmem>>
    %dma_wait3A_111 = tpu.memref_squeeze %dma_wait3A_110 : memref<1x64x128xf32, #tpu.memory_space<vmem>> -> memref<64x128xf32, #tpu.memory_space<vmem>>
    %dma_wait3A_112 = arith.constant 0 : i32
    %dma_wait3A_113 = tpu.memref_slice %arg4[%add3A_105, %dma_wait3A_112] : memref<819200x128xf32, #tpu.memory_space<hbm>> -> memref<64x128xf32, #tpu.memory_space<hbm>>
    %dma_wait3A_114 = tpu.memref_slice %arg10[%dma_wait3A_107] : memref<8x!tpu.dma_semaphore, #tpu.memory_space<semaphore_mem>> -> memref<1x!tpu.dma_semaphore, #tpu.memory_space<semaphore_mem>>
    %dma_wait3A_115 = tpu.memref_squeeze %dma_wait3A_114 : memref<1x!tpu.dma_semaphore, #tpu.memory_space<semaphore_mem>> -> memref<!tpu.dma_semaphore, #tpu.memory_space<semaphore_mem>>
    %dma_wait3A_116 = arith.constant 0 : i32
    %dma_wait3A_117 = tpu.memref_slice %arg4[%add3A_105, %dma_wait3A_116] : memref<819200x128xf32, #tpu.memory_space<hbm>> -> memref<64x128xf32, #tpu.memory_space<hbm>>
    %dma_wait3A_118 = arith.constant 0 : i32
    %dma_wait3A_119 = arith.constant 0 : i32
    %dma_wait3A_120 = tpu.memref_slice %arg8[%dma_wait3A_106, %dma_wait3A_118, %dma_wait3A_119] : memref<8x64x128xf32, #tpu.memory_space<vmem>> -> memref<1x64x128xf32, #tpu.memory_space<vmem>>
    %dma_wait3A_121 = tpu.memref_squeeze %dma_wait3A_120 : memref<1x64x128xf32, #tpu.memory_space<vmem>> -> memref<64x128xf32, #tpu.memory_space<vmem>>
    tpu.wait_dma2 semaphore(%dma_wait3A_115 : memref<!tpu.dma_semaphore, #tpu.memory_space<semaphore_mem>>) src(%dma_wait3A_121 : memref<64x128xf32, #tpu.memory_space<vmem>>) dst(%dma_wait3A_117 : memref<64x128xf32, #tpu.memory_space<hbm>>)
    %add3A_122 = arith.constant 25408 : i32
    %add3A_123 = arith.addi %mul3A_2, %add3A_122 : i32
    %dma_wait3A_124 = arith.constant 5 : i32
    %dma_wait3A_125 = arith.constant 5 : i32
    %dma_wait3A_126 = arith.constant 0 : i32
    %dma_wait3A_127 = arith.constant 0 : i32
    %dma_wait3A_128 = tpu.memref_slice %arg8[%dma_wait3A_124, %dma_wait3A_126, %dma_wait3A_127] : memref<8x64x128xf32, #tpu.memory_space<vmem>> -> memref<1x64x128xf32, #tpu.memory_space<vmem>>
    %dma_wait3A_129 = tpu.memref_squeeze %dma_wait3A_128 : memref<1x64x128xf32, #tpu.memory_space<vmem>> -> memref<64x128xf32, #tpu.memory_space<vmem>>
    %dma_wait3A_130 = arith.constant 0 : i32
    %dma_wait3A_131 = tpu.memref_slice %arg4[%add3A_123, %dma_wait3A_130] : memref<819200x128xf32, #tpu.memory_space<hbm>> -> memref<64x128xf32, #tpu.memory_space<hbm>>
    %dma_wait3A_132 = tpu.memref_slice %arg10[%dma_wait3A_125] : memref<8x!tpu.dma_semaphore, #tpu.memory_space<semaphore_mem>> -> memref<1x!tpu.dma_semaphore, #tpu.memory_space<semaphore_mem>>
    %dma_wait3A_133 = tpu.memref_squeeze %dma_wait3A_132 : memref<1x!tpu.dma_semaphore, #tpu.memory_space<semaphore_mem>> -> memref<!tpu.dma_semaphore, #tpu.memory_space<semaphore_mem>>
    %dma_wait3A_134 = arith.constant 0 : i32
    %dma_wait3A_135 = tpu.memref_slice %arg4[%add3A_123, %dma_wait3A_134] : memref<819200x128xf32, #tpu.memory_space<hbm>> -> memref<64x128xf32, #tpu.memory_space<hbm>>
    %dma_wait3A_136 = arith.constant 0 : i32
    %dma_wait3A_137 = arith.constant 0 : i32
    %dma_wait3A_138 = tpu.memref_slice %arg8[%dma_wait3A_124, %dma_wait3A_136, %dma_wait3A_137] : memref<8x64x128xf32, #tpu.memory_space<vmem>> -> memref<1x64x128xf32, #tpu.memory_space<vmem>>
    %dma_wait3A_139 = tpu.memref_squeeze %dma_wait3A_138 : memref<1x64x128xf32, #tpu.memory_space<vmem>> -> memref<64x128xf32, #tpu.memory_space<vmem>>
    tpu.wait_dma2 semaphore(%dma_wait3A_133 : memref<!tpu.dma_semaphore, #tpu.memory_space<semaphore_mem>>) src(%dma_wait3A_139 : memref<64x128xf32, #tpu.memory_space<vmem>>) dst(%dma_wait3A_135 : memref<64x128xf32, #tpu.memory_space<hbm>>)
    %add3A_140 = arith.constant 25472 : i32
    %add3A_141 = arith.addi %mul3A_2, %add3A_140 : i32
    %dma_wait3A_142 = arith.constant 6 : i32
    %dma_wait3A_143 = arith.constant 6 : i32
    %dma_wait3A_144 = arith.constant 0 : i32
    %dma_wait3A_145 = arith.constant 0 : i32
    %dma_wait3A_146 = tpu.memref_slice %arg8[%dma_wait3A_142, %dma_wait3A_144, %dma_wait3A_145] : memref<8x64x128xf32, #tpu.memory_space<vmem>> -> memref<1x64x128xf32, #tpu.memory_space<vmem>>
    %dma_wait3A_147 = tpu.memref_squeeze %dma_wait3A_146 : memref<1x64x128xf32, #tpu.memory_space<vmem>> -> memref<64x128xf32, #tpu.memory_space<vmem>>
    %dma_wait3A_148 = arith.constant 0 : i32
    %dma_wait3A_149 = tpu.memref_slice %arg4[%add3A_141, %dma_wait3A_148] : memref<819200x128xf32, #tpu.memory_space<hbm>> -> memref<64x128xf32, #tpu.memory_space<hbm>>
    %dma_wait3A_150 = tpu.memref_slice %arg10[%dma_wait3A_143] : memref<8x!tpu.dma_semaphore, #tpu.memory_space<semaphore_mem>> -> memref<1x!tpu.dma_semaphore, #tpu.memory_space<semaphore_mem>>
    %dma_wait3A_151 = tpu.memref_squeeze %dma_wait3A_150 : memref<1x!tpu.dma_semaphore, #tpu.memory_space<semaphore_mem>> -> memref<!tpu.dma_semaphore, #tpu.memory_space<semaphore_mem>>
    %dma_wait3A_152 = arith.constant 0 : i32
    %dma_wait3A_153 = tpu.memref_slice %arg4[%add3A_141, %dma_wait3A_152] : memref<819200x128xf32, #tpu.memory_space<hbm>> -> memref<64x128xf32, #tpu.memory_space<hbm>>
    %dma_wait3A_154 = arith.constant 0 : i32
    %dma_wait3A_155 = arith.constant 0 : i32
    %dma_wait3A_156 = tpu.memref_slice %arg8[%dma_wait3A_142, %dma_wait3A_154, %dma_wait3A_155] : memref<8x64x128xf32, #tpu.memory_space<vmem>> -> memref<1x64x128xf32, #tpu.memory_space<vmem>>
    %dma_wait3A_157 = tpu.memref_squeeze %dma_wait3A_156 : memref<1x64x128xf32, #tpu.memory_space<vmem>> -> memref<64x128xf32, #tpu.memory_space<vmem>>
    tpu.wait_dma2 semaphore(%dma_wait3A_151 : memref<!tpu.dma_semaphore, #tpu.memory_space<semaphore_mem>>) src(%dma_wait3A_157 : memref<64x128xf32, #tpu.memory_space<vmem>>) dst(%dma_wait3A_153 : memref<64x128xf32, #tpu.memory_space<hbm>>)
    %add3A_158 = arith.constant 25536 : i32
    %add3A_159 = arith.addi %mul3A_2, %add3A_158 : i32
    %dma_wait3A_160 = arith.constant 7 : i32
    %dma_wait3A_161 = arith.constant 7 : i32
    %dma_wait3A_162 = arith.constant 0 : i32
    %dma_wait3A_163 = arith.constant 0 : i32
    %dma_wait3A_164 = tpu.memref_slice %arg8[%dma_wait3A_160, %dma_wait3A_162, %dma_wait3A_163] : memref<8x64x128xf32, #tpu.memory_space<vmem>> -> memref<1x64x128xf32, #tpu.memory_space<vmem>>
    %dma_wait3A_165 = tpu.memref_squeeze %dma_wait3A_164 : memref<1x64x128xf32, #tpu.memory_space<vmem>> -> memref<64x128xf32, #tpu.memory_space<vmem>>
    %dma_wait3A_166 = arith.constant 0 : i32
    %dma_wait3A_167 = tpu.memref_slice %arg4[%add3A_159, %dma_wait3A_166] : memref<819200x128xf32, #tpu.memory_space<hbm>> -> memref<64x128xf32, #tpu.memory_space<hbm>>
    %dma_wait3A_168 = tpu.memref_slice %arg10[%dma_wait3A_161] : memref<8x!tpu.dma_semaphore, #tpu.memory_space<semaphore_mem>> -> memref<1x!tpu.dma_semaphore, #tpu.memory_space<semaphore_mem>>
    %dma_wait3A_169 = tpu.memref_squeeze %dma_wait3A_168 : memref<1x!tpu.dma_semaphore, #tpu.memory_space<semaphore_mem>> -> memref<!tpu.dma_semaphore, #tpu.memory_space<semaphore_mem>>
    %dma_wait3A_170 = arith.constant 0 : i32
    %dma_wait3A_171 = tpu.memref_slice %arg4[%add3A_159, %dma_wait3A_170] : memref<819200x128xf32, #tpu.memory_space<hbm>> -> memref<64x128xf32, #tpu.memory_space<hbm>>
    %dma_wait3A_172 = arith.constant 0 : i32
    %dma_wait3A_173 = arith.constant 0 : i32
    %dma_wait3A_174 = tpu.memref_slice %arg8[%dma_wait3A_160, %dma_wait3A_172, %dma_wait3A_173] : memref<8x64x128xf32, #tpu.memory_space<vmem>> -> memref<1x64x128xf32, #tpu.memory_space<vmem>>
    %dma_wait3A_175 = tpu.memref_squeeze %dma_wait3A_174 : memref<1x64x128xf32, #tpu.memory_space<vmem>> -> memref<64x128xf32, #tpu.memory_space<vmem>>
    tpu.wait_dma2 semaphore(%dma_wait3A_169 : memref<!tpu.dma_semaphore, #tpu.memory_space<semaphore_mem>>) src(%dma_wait3A_175 : memref<64x128xf32, #tpu.memory_space<vmem>>) dst(%dma_wait3A_171 : memref<64x128xf32, #tpu.memory_space<hbm>>)
    return
  }
}

module attributes {stable_mosaic.version = 14 : i64} {
  func.func @_table_body(%arg0: memref<19x64xf32, #tpu.memory_space<vmem>>, %arg1: memref<19x64xf32, #tpu.memory_space<vmem>>, %arg2: memref<19x19x128xf32, #tpu.memory_space<vmem>>) attributes {dimension_semantics = [], scalar_prefetch = 0 : i64, scratch_operands = 0 : i64, tpu.core_type = #tpu.core_type<tc>} {
    %get3A = arith.constant 0 : index
    %get3A_0 = arith.constant 0 : index
    %get3A_1 = vector.load %arg0[%get3A, %get3A_0] : memref<19x64xf32, #tpu.memory_space<vmem>>, vector<19x64xf32>
    %broadcast_in_dim3A = vector.shape_cast %get3A_1 : vector<19x64xf32> to vector<19x1x64xf32>
    %broadcast_in_dim3A_2 = vector.shape_cast %broadcast_in_dim3A : vector<19x1x64xf32> to vector<19x1x64xf32>
    %broadcast_in_dim3A_3 = vector.broadcast %broadcast_in_dim3A_2 : vector<19x1x64xf32> to vector<19x19x64xf32>
    %get3A_4 = arith.constant 0 : index
    %get3A_5 = arith.constant 0 : index
    %get3A_6 = vector.load %arg1[%get3A_4, %get3A_5] : memref<19x64xf32, #tpu.memory_space<vmem>>, vector<19x64xf32>
    %broadcast_in_dim3A_7 = vector.shape_cast %get3A_6 : vector<19x64xf32> to vector<1x19x64xf32>
    %broadcast_in_dim3A_8 = vector.shape_cast %broadcast_in_dim3A_7 : vector<1x19x64xf32> to vector<1x19x64xf32>
    %broadcast_in_dim3A_9 = vector.broadcast %broadcast_in_dim3A_8 : vector<1x19x64xf32> to vector<19x19x64xf32>
    %concatenate3A = tpu.concatenate %broadcast_in_dim3A_3, %broadcast_in_dim3A_9 in 2 : vector<19x19x64xf32>, vector<19x19x64xf32> -> vector<19x19x128xf32>
    %swap3A = arith.constant 0 : index
    %swap3A_10 = arith.constant 0 : index
    %swap3A_11 = arith.constant 0 : index
    %swap3A_12 = vector.load %arg2[%swap3A, %swap3A_10, %swap3A_11] : memref<19x19x128xf32, #tpu.memory_space<vmem>>, vector<19x19x128xf32>
    tpu.vector_store %arg2[%swap3A, %swap3A_10, %swap3A_11], %concatenate3A {strides = array<i32>} : memref<19x19x128xf32, #tpu.memory_space<vmem>>, vector<19x19x128xf32>,
    return
  }
}

</mosaic_0001>

<sc_bundles>
// kernel: kernel.4.cloned.1.call-start
scs
__scs_entry_jumppad:
0x0: {  	(pc) =	sbr.rel $0x88, $3  }
0x1: {  	(tag) =	ssettag $0x0;
	lr =	simm.s32 $0x1  }
0x2: {  	[smem:$0x3F9E] =	sst lr;
	_ =	strace $0xD0000000  }
0x3: {  	_ = 	snop  }
0x4: {  	_ = 	snop  }
0x5: {  	_ = 	snop  }
0x6: {  	_ = 	snop  }
0x7: {  	_ = 	snop  }
__scs_overlays_trampoline_lowered:
0x8: {  	[smem:$0x3FAD] =	sst s0  }
0x9: {  	[smem:$0x3FAE] =	sst s1  }
0xa: {  	[smem:$0x3FAF] =	sst s2  }
0xb: {  	[smem:$0x3FB0] =	sst s3  }
0xc: {  	[smem:$0x3FB1] =	sst s4  }
0xd: {  	[smem:$0x3FB2] =	sst s5  }
0xe: {  	[smem:$0x3FB3] =	sst s6  }
0xf: {  	[smem:$0x3FB4] =	sst s7  }
0x10: {  	[smem:$0x3FB5] =	sst s8  }
0x11: {  	[smem:$0x3FB6] =	sst s9;
	s0 =	simm.s32 @!p0 $0x0  }
0x12: {  	s1 =	sld [smem:$0x3F9C];
	s0 =	simm.s32 @p0 $0x1  }
0x13: {  	[smem:$0x3FB7] =	sst s0;
	s0 =	simm.s32 @!p1 $0x0  }
0x14: {  	s2 =	sld [smem:$0x3F9B];
	s0 =	simm.s32 @p1 $0x1  }
0x15: {  	[smem:$0x3FB8] =	sst s0;
	s0 =	simm.s32 @!p2 $0x0  }
0x16: {  	s3 =	sld [smem:$0x3FDB];
	s0 =	simm.s32 @p2 $0x1  }
0x17: {  	s4 =	simm.s32 $0x1BF5;
	[smem:$0x3FBA] =	sst s0  }
0x18: {  	s0 =	sld [smem:$0x3F9D];
	_ =	swait.ge [sflag:s4], $0x0  }
0x19: {  	s7 =	sld [smem:$0x3F9E]  }
0x1a: {  	s8 =	sadd.s32 $0xFFFFE003, lr  }
0x1b: {  	s9 =	sadd.s32 $0xFFFFFEF7, lr;
	s5 =	simm.s32 $0xFFFFFFFF;
	p2 =	slt.u32 s8, $0xFFFFF086  }
0x1c: {  	p1 =	slt.u32 s9, $0xF7A;
	s5 =	simm.s32 @!p2 $0x0  }
0x1d: {  	s5 =	simm.s32 @p1 $0x1;
	p0 =	seq.s32 s7, s2  }
0x1e: {  	s7 =	smul.u32 @!p0 $0xF7A, s2;
	p2 =	seq.s32 @!p0 s5, $0x0  }
0x1f: {  	s9 =	smul.u32 $0xF7A, s1;
	s8 =	simm.s32 @!p0 $0x1BF5;
	p2 =	por !p2, p0  }
0x20: {  	[sflag:s8] =	ssyncset.s32 @!p0 $0xFFFFF086;
	s6 =	sadd.s32 @!p0 s3, s7;
	s7 =	simm.s32 @!p0 $0x108  }
0x21: {  	s3 =	sadd.s32 s3, s9;
	s6 =	sadd.s32 @!p0 $0x88, s6;
	s7 =	simm.s32 @p2 $0x1082  }
0x22: {  	[simem:s7], [sflag:s8] =	dma.local @!p0 [hbm:s6], $0xF7A  }
0x23: {  	s9 =	sor.u32 $0xD0000000, s2;
	s6 =	simm.s32 $0x108;
	_ =	swait.ge @!p0 [sflag:s8], $0x0  }
0x24: {  	s3 =	sadd.s32 $0x88, s3;
	s6 =	simm.s32 @!p1 $0x1082;
	[sflag:s4] =	ssyncset.s32 $0xFFFFF086  }
0x25: {  	[simem:s6], [sflag:s4] =	dma.local [hbm:s3], $0xF7A  }
0x26: {  	[smem:$0x3F9E] =	sst s1;
	(tag) =	ssettag s2;
	_ =	strace s9  }
0x27: {  	s1 =	sld [smem:$0x3FAE]  }
0x28: {  	s2 =	sld [smem:$0x3FAF]  }
0x29: {  	s4 =	sld [smem:$0x3FB1]  }
0x2a: {  	p0 =	seq.s32 s5, $0x0;
	s5 =	sld [smem:$0x3FB2]  }
0x2b: {  	s6 =	sld [smem:$0x3FB3]  }
0x2c: {  	s7 =	sld [smem:$0x3FB4]  }
0x2d: {  	s3 =	simm.s32 $0x108;
	s8 =	sld [smem:$0x3FB5]  }
0x2e: {  	s3 =	simm.s32 @!p0 $0x1082;
	s9 =	sld [smem:$0x3FB6]  }
0x2f: {  	lr =	sadd.s32 s0, s3;
	s0 =	sld [smem:$0x3FAD]  }
0x30: {  	s3 =	sld [smem:$0x3FB0]  }
0x31: {  	[smem:$0x3FB9] =	sst s10  }
0x32: {  	s10 =	sld [smem:$0x3FB7];
	_ =	sdelay $0x3  }
0x33: {  	p0 =	seq.s32 s10, $0x1;
	s10 =	sld [smem:$0x3FB9];
	_ =	sdelay $0x3  }
0x34: {  	[smem:$0x3FB9] =	sst s10  }
0x35: {  	s10 =	sld [smem:$0x3FB8];
	_ =	sdelay $0x3  }
0x36: {  	p1 =	seq.s32 s10, $0x1;
	s10 =	sld [smem:$0x3FB9];
	_ =	sdelay $0x3  }
0x37: {  	[smem:$0x3FB9] =	sst s10  }
0x38: {  	s10 =	sld [smem:$0x3FBA]  }
0x39: {  	_ = 	snop;
	(pc) =	sbr.ind lr, $3  }
0x3a: {  	_ = 	snop  }
0x3b: {  	_ = 	snop  }
0x3c: {  	p2 =	seq.s32 s10, $0x1;
	s10 =	sld [smem:$0x3FB9]  }
0x3d: {  	_ =	shalt  }
0x3e: {  	_ =	shalt  }
0x3f: {  	_ =	shalt  }
0x40: {  	_ =	shalt  }
0x41: {  	_ =	shalt  }
0x42: {  	_ =	shalt  }
0x43: {  	_ =	shalt  }
0x44: {  	_ =	shalt  }
0x45: {  	_ =	shalt  }
0x46: {  	_ =	shalt  }
0x47: {  	_ =	shalt  }
0x48: {  	_ =	shalt  }
0x49: {  	_ =	shalt  }
0x4a: {  	_ =	shalt  }
0x4b: {  	_ =	shalt  }
0x4c: {  	_ =	shalt  }
0x4d: {  	_ =	shalt  }
0x4e: {  	_ =	shalt  }
0x4f: {  	_ =	shalt  }
0x50: {  	_ =	shalt  }
0x51: {  	_ =	shalt  }
0x52: {  	_ =	shalt  }
0x53: {  	_ =	shalt  }
0x54: {  	_ =	shalt  }
0x55: {  	_ =	shalt  }
0x56: {  	_ =	shalt  }
0x57: {  	_ =	shalt  }
0x58: {  	_ =	shalt  }
0x59: {  	_ =	shalt  }
0x5a: {  	_ =	shalt  }
0x5b: {  	_ =	shalt  }
0x5c: {  	_ =	shalt  }
0x5d: {  	_ =	shalt  }
0x5e: {  	_ =	shalt  }
0x5f: {  	_ =	shalt  }
0x60: {  	_ =	shalt  }
0x61: {  	_ =	shalt  }
0x62: {  	_ =	shalt  }
0x63: {  	_ =	shalt  }
0x64: {  	_ =	shalt  }
0x65: {  	_ =	shalt  }
0x66: {  	_ =	shalt  }
0x67: {  	_ =	shalt  }
0x68: {  	_ =	shalt  }
0x69: {  	_ =	shalt  }
0x6a: {  	_ =	shalt  }
0x6b: {  	_ =	shalt  }
0x6c: {  	_ =	shalt  }
0x6d: {  	_ =	shalt  }
0x6e: {  	_ =	shalt  }
0x6f: {  	_ =	shalt  }
0x70: {  	_ =	shalt  }
0x71: {  	_ =	shalt  }
0x72: {  	_ =	shalt  }
0x73: {  	_ =	shalt  }
0x74: {  	_ =	shalt  }
0x75: {  	_ =	shalt  }
0x76: {  	_ =	shalt  }
0x77: {  	_ =	shalt  }
0x78: {  	_ =	shalt  }
0x79: {  	_ =	shalt  }
0x7a: {  	_ =	shalt  }
0x7b: {  	_ =	shalt  }
0x7c: {  	_ =	shalt  }
0x7d: {  	_ =	shalt  }
0x7e: {  	_ =	shalt  }
0x7f: {  	_ =	shalt  }
0x80: {  	_ =	shalt  }
0x81: {  	_ =	shalt  }
0x82: {  	_ =	shalt  }
0x83: {  	_ =	shalt  }
0x84: {  	_ =	shalt  }
0x85: {  	_ =	shalt  }
0x86: {  	_ =	shalt  }
0x87: {  	_ =	shalt  }
.Lfunc_end0:
.L_simem_size_0:
called_computation_lowered:
.L_overlay_start_0:
0x88: {  	s2 =	sld [smem:$0x3FD9]  }
0x89: {  	s3 =	sld [smem:$0x3FFE];
	_ =	sdelay $0x1  }
0x8a: {  	s1 =	srdreg.scid  }
0x8b: {  	s0 =	sand.u32 $0x1, s1  }
0x8c: {  	s17 =	sshll.u32 s0, $0xA;
	s2 =	sadd.s32 s3, s2  }
0x8d: {  	s2 =	sadd.s32 s2, s17  }
0x8e: {  	[smem:$0x3FC5] =	sst s2  }
0x8f: {  	_ = 	snop  }
0x90: {  	s2 =	sld [smem:$0x3FD0];
	(tm) =	ssettm $0x1  }
0x91: {  	s18 =	sld [smem:$0x3FFB];
	_ =	sdelay $0x3  }
0x92: {  	_ =	strace s18  }
0x93: {  	s3 =	sld [smem:$0x3FFC];
	_ =	sdelay $0x3  }
0x94: {  	_ =	strace s3  }
0x95: {  	s3 =	sld [smem:$0x3FFD];
	_ =	sdelay $0x3  }
0x96: {  	_ =	strace s3  }
0x97: {  	_ =	strace $0x8FFFFFFF  }
0x98: {  	s19 =	sld [smem:$0x3FDB];
	_ =	sdelay $0x1  }
0x99: {  	s4 =	simm.s32 $_scs_section_size  }
0x9a: {  	s5 =	simm.s32 $_size__tile_overlayer_lowered;
	s6 =	simm.s32 $_tile_overlayer_lowered  }
0x9b: {  	s22 =	simm.s32 $0x1BFF;
	s21 =	sshll.u32 s6, $0x1;
	s3 =	sadd.s32 s4, s19  }
0x9c: {  	s7 =	simm.s32 $0x0;
	s20 =	sshll.u32 s5, $0x1;
	s5 =	sadd.s32 s21, s3  }
0x9d: {  	[timem:s7], [sflag:s22] =	dma.local [hbm:s5], s20  }
0x9e: {  	_ =	swait.ge [sflag:s22], s20  }
0x9f: {  	s4 =	ssub.s32 $0x0, s20;
	[sflag:s22] =	ssyncset.done $0x0  }
0xa0: {  	[sflag:s22] =	ssyncadd.s32 s4;
	_ =	sdelay $0x1  }
0xa1: {  	s23 =	simm.s32 $0x1B8B  }
0xa2: {  	_ =	swait.ge [sflag:s23], $0x1  }
0xa3: {  	[sflag:s23] =	ssyncset.done $0x0  }
0xa4: {  	s25 =	simm.s32 $0x1B8E;
	s24 =	sld [smem:$0x3FFE];
	[sflag:s23] =	ssyncadd.s32 $0xFFFFFFFF  }
0xa5: {  	s26 =	simm.s32 $execute0_lowered;
	[smem:$0x3FD2] =	sst s25  }
0xa6: {  	s5 =	sshll.u32 s26, $0x1;
	_ =	strace $0x80000046;
	[dreg:$0x1] =	wrdreg $0xFFFFFFFF  }
0xa7: {  	s28 =	simm.s32 $_size_execute0_lowered;
	s3 =	sadd.s32 s3, s5;
	[dreg:$0x0] =	wrdreg $0x0  }
0xa8: {  	s5 =	sshll.u32 s28, $0x1;
	[dreg:$0x2] =	wrdreg s3  }
0xa9: {  	[dreg:$0x3] =	wrdreg s5  }
0xaa: {  	[dreg:$0x4] =	wrdreg $0xC0  }
0xab: {  	_ =	task [dreg:s7], $0x5FFFF  }
0xac: {  	[dreg:$0x1] =	wrdreg $0xFFFFFFFF  }
0xad: {  	[dreg:$0x0] =	wrdreg $0x60  }
0xae: {  	[dreg:$0x2] =	wrdreg s24  }
0xaf: {  	[dreg:$0x3] =	wrdreg s2  }
0xb0: {  	[dreg:$0x4] =	wrdreg $0xDC000  }
0xb1: {  	[dreg:$0x5] =	wrdreg $0x9  }
0xb2: {  	_ =	task.clear_ibuf [dreg:s7], $0x6FFFF;
	_ =	strace $0x90000046  }
0xb3: {  	s29 =	simm.s32 $0x9;
	_ =	strace $0x80000048  }
0xb4: {  	_ =	swait.ge [sflag:s29], $0x1  }
0xb5: {  	[sflag:s29] =	ssyncadd.s32 $0xFFFFFFFF  }
0xb6: {  	_ =	strace $0x90000048  }
0xb7: {  	_ =	sfence  }
0xb8: {  	s30 =	sld [smem:$0x0];
	_ =	sdelay $0x2  }
0xb9: {  	s31 =	sshll.u32 s1, $0xD;
	s1 =	sshrl.u32 s1, $0x2  }
0xba: {  	s3 =	sand.u32 $0x4000, s31;
	s1 =	sadd.s32 s1, s30  }
0xbb: {  	s0 =	sor.u32 s3, s0;
	s1 =	sshll.u32 s1, $0x11  }
0xbc: {  	s0 =	sor.u32 s1, s0  }
0xbd: {  	s0 =	sadd.s32 $0x8F2B, s0  }
0xbe: {  	[sflag:s0] =	ssyncadd.remote.s32 $0x1  }
0xbf: {  	_ =	sfence.sel $0xFFFF  }
0xc0: {  	[dreg:$0x0] =	wrdreg $0xFFFFFFFF;
	(pc) =	sbr.abs _section_cstart, $3  }
0xc1: {  	[dreg:$0x1] =	wrdreg $0xFFFFFFFF  }
0xc2: {  	_ =	task.clear_ibuf [dreg:s7], $0x2FFFF;
	_ =	strace $0x9FFFFFFF  }
0xc3: {  	(tm) =	ssettm $0x7FFFFFFF  }
tec
execute0_lowered:
.L_overlay_start_1:
0x0: {  	(tag) =	ssettag $0x1  }
0x1: {  	s1 =	rddreg [dreg:$0x0]  }
0x2: {  	s0 =	rddreg [dreg:$0x1]  }
0x3: {  	s3 =	srdreg.scid;
	s4 =	stileid.u32  }
0x4: {  	s2 =	rddreg [dreg:$0x2];
	s13 =	simm.s32 $0x1;
	s14 =	simm.s32 $0x40  }
0x5: {  	s29 =	simm.s32 $0xE748;
	s22 =	simm.s32 $0x10748;
	s24 =	simm.s32 $0x12748  }
0x6: {  	s28 =	simm.s32 $0x16748;
	s30 =	simm.s32 $0x1C748;
	s10 =	simm.s32 $0x4  }
0x7: {  	s11 =	simm.s32 $0x5;
	s12 =	simm.s32 $0x6;
	s15 =	simm.s32 $0x0  }
0x8: {  	s5 =	sand.u32 $0x1, s3;
	s6 =	sshll.u32 s4, $0x1;
	s3 =	simm.s32 $0x0  }
0x9: {  	s9 =	sadd.s32 $0x2000, s1;
	s1 =	sadd.s32 $0x800, s1;
	p0 =	sne.s32 s4, $0x0  }
0xa: {  	s6 =	sor.u32 s5, s6;
	[smem:$0x7FF] =	sst s3;
	s5 =	ssub.s32 $0x2, s5  }
0xb: {  	s7 =	smul.u32 $0x6400, s6;
	_ =	strace $0x80000047;
	[dreg:$0x5] =	wrdreg s1  }
0xc: {  	s4 =	simm.s32 $0x7;
	s26 =	sshrl.u32 s5, $0x1;
	[dreg:$0x4] =	wrdreg s9  }
0xd: {  	s1 =	ssub.s32 s5, s26;
	s26 =	simm.s32 $0x14748;
	s31 =	sadd.s32 $0x1400, s7  }
.Ltmp0:
0xe: {  	s1 =	smax.u32 s1, $0x1;
	[dreg:$0x8] =	wrdreg s31;
	(pc) =	sbr.rel .LBB2_1-.Ltmp0, $4  }
0xf: {  	s8 =	sshrl.u32 s7, $0x3;
	[dreg:$0x9] =	wrdreg s1;
	s1 =	sshrl.u32 @!p0 s2, $0x3  }
0x10: {  	s5 =	simm.s32 $0x3;
	s17 =	sadd.s32 s9, s8;
	[dreg:$0xa] =	wrdreg s1  }
0x11: {  	s7 =	simm.s32 $0x8;
	s18 =	sadd.s32 $0x140, s17;
	[dreg:$0x6] =	wrdreg s17  }
0x12: {  	s9 =	smul.u32 $0x320000, s6;
	s1 =	simm.s32 $0x2;
	[dreg:$0x7] =	wrdreg s18  }
.LBB2_22:
0x13: {  	s6 =	simm.s32 $0x9  }
0x14: {  	_ =	swait.ge [sflag:s6], $0x2000  }
0x15: {  	[sflag:s6] =	ssyncset.done $0x0  }
0x16: {  	s18 =	simm.s32 $0xA;
	[sflag:s6] =	ssyncadd.s32 $0xFFFFE000  }
0x17: {  	_ =	swait.ge [sflag:s18], $0x2000  }
0x18: {  	[sflag:s18] =	ssyncset.done $0x0  }
0x19: {  	s19 =	simm.s32 $0xB;
	[sflag:s18] =	ssyncadd.s32 $0xFFFFE000  }
0x1a: {  	_ =	swait.ge [sflag:s19], $0x2000  }
0x1b: {  	[sflag:s19] =	ssyncset.done $0x0  }
0x1c: {  	s20 =	simm.s32 $0xC;
	[sflag:s19] =	ssyncadd.s32 $0xFFFFE000  }
0x1d: {  	_ =	swait.ge [sflag:s20], $0x2000  }
0x1e: {  	[sflag:s20] =	ssyncset.done $0x0  }
0x1f: {  	s21 =	simm.s32 $0xD;
	[sflag:s20] =	ssyncadd.s32 $0xFFFFE000  }
0x20: {  	_ =	swait.ge [sflag:s21], $0x2000  }
0x21: {  	[sflag:s21] =	ssyncset.done $0x0  }
0x22: {  	s23 =	simm.s32 $0xE;
	[sflag:s21] =	ssyncadd.s32 $0xFFFFE000  }
0x23: {  	_ =	swait.ge [sflag:s23], $0x2000  }
0x24: {  	[sflag:s23] =	ssyncset.done $0x0  }
0x25: {  	s25 =	simm.s32 $0xF;
	[sflag:s23] =	ssyncadd.s32 $0xFFFFE000  }
0x26: {  	_ =	swait.ge [sflag:s25], $0x2000  }
0x27: {  	[sflag:s25] =	ssyncset.done $0x0  }
0x28: {  	s8 =	simm.s32 $0x10;
	[sflag:s25] =	ssyncadd.s32 $0xFFFFE000  }
0x29: {  	_ =	swait.ge [sflag:s8], $0x2000  }
0x2a: {  	s15 =	rddreg [dreg:$0xb]  }
0x2b: {  	s31 =	rddreg [dreg:$0x9];
	s15 =	sadd.s32 $0x1, s15  }
0x2c: {  	p1 =	sne.s32 s15, s31  }
.Ltmp1:
0x2d: {  	_ = 	snop;
	(pc) =	sbr.rel @!p1 .LBB2_23-.Ltmp1, $3  }
0x2e: {  	_ =	sdelay $0x1  }
0x2f: {  	[sflag:s8] =	ssyncset.done $0x0;
	s17 =	rddreg [dreg:$0x6]  }
0x30: {  	s18 =	rddreg [dreg:$0x7];
	[sflag:s8] =	ssyncadd.s32 $0xFFFFE000  }
.LBB2_1:
0x31: {  	[dreg:$0xb] =	wrdreg s15  }
0x32: {  	s8 =	rddreg [dreg:$0x5]  }
0x33: {  	s6 =	simm.s32 @!p0 $0x1C12;
	s15 =	rddreg [dreg:$0xa]  }
0x34: {  	[spmem:s15], [sflag:s6] =	dma.local @!p0 [hbm:s8], $0x1690  }
0x35: {  	s6 =	simm.s32 @!p0 $0x12  }
0x36: {  	_ =	swait.ge @!p0 [sflag:s6], $0x1690  }
0x37: {  	[sflag:s6] =	ssyncset.done @!p0 $0x0  }
0x38: {  	s16 =	sadd.s32 $0x0, s17;
	s8 =	simm.s32 $0x100;
	[sflag:s6] =	ssyncadd.s32 @!p0 $0xFFFFE970  }
0x39: {  	s15 =	simm.s32 $0x0;
	s6 =	simm.s32 $0x10;
	[bflag:$0x0] =	sbarrier.arrive $0xFFFF  }
.LBB2_2:
0x3a: {  	[tilespmem:s15], [sflag:$0x12] =	stream.linear.gather [hbm4b:s16+s3], $0x80, $0x38;
	[tilespmem:$0x1E748] =	vst v63  }
0x3b: {  	s16 =	smov.u32 s6;
	s15 =	smov.u32 s8;
	p1 =	sne.s32 s6, $0x130  }
.Ltmp2:
0x3c: {  	s6 =	sadd.s32 $0x10, s6;
	(pc) =	sbr.rel @p1 .LBB2_2-.Ltmp2, $2  }
0x3d: {  	_ =	sdelay $0x2  }
0x3e: {  	s8 =	sadd.s32 $0x100, s8;
	s16 =	sadd.s32 s16, s17  }
0x3f: {  	[tilespmem:s15], [sflag:$0x12] =	stream.linear.gather [hbm4b:s16+s3], $0x80, $0x38;
	[tilespmem:$0x1E748] =	vst v63  }
0x40: {  	s25 =	simm.s32 $0x12  }
0x41: {  	s6 =	simm.s32 $0x0;
	_ =	swait.ge [sflag:s25], $0xA00  }
0x42: {  	s8 =	sand.u32 $0x40, s6;
	s6 =	sand.u32 $0x1F00, s6;
	[sflag:s25] =	ssyncset.done $0x0  }
0x43: {  	s8 =	sor.u32 s8, s6;
	[sflag:s25] =	ssyncadd.s32 $0xFFFFF600  }
0x44: {  	v0 =	vld [tilespmem:s8+$0x0];
	_ =	sdelay $0x4  }
0x45: {  	v1 =	vand.u32 $0xFFFF, v0;
	v0 =	vshra.s32 v0, $0x10  }
0x46: {  	v1 =	vmul.u32 $0x13, v1;
	vm0 =	vgt.s32 v0, $0x0  }
0x47: {  	v0 =	vnsel vm0, $0x0, v0  }
0x48: {  	s6 =	simm.s32 $0x1420;
	v0 =	vadd.s32 v0, v1  }
0x49: {  	[tilespmem:s6+$0xFFFFFFE0] =	vst v0  }
0x4a: {  	v0 =	vld [tilespmem:s8+$0x10];
	_ =	sdelay $0x4  }
0x4b: {  	v1 =	vand.u32 $0xFFFF, v0;
	v0 =	vshra.s32 v0, $0x10  }
0x4c: {  	v1 =	vmul.u32 $0x13, v1;
	vm13 =	vgt.s32 v0, $0x0  }
0x4d: {  	v0 =	vnsel vm13, $0x0, v0  }
0x4e: {  	v0 =	vadd.s32 v0, v1  }
0x4f: {  	[tilespmem:s6+$0xFFFFFFF0] =	vst v0  }
0x50: {  	v0 =	vld [tilespmem:s8+$0x20];
	_ =	sdelay $0x4  }
0x51: {  	v1 =	vand.u32 $0xFFFF, v0;
	v0 =	vshra.s32 v0, $0x10  }
0x52: {  	v1 =	vmul.u32 $0x13, v1;
	vm14 =	vgt.s32 v0, $0x0  }
0x53: {  	v0 =	vnsel vm14, $0x0, v0  }
0x54: {  	v0 =	vadd.s32 v0, v1  }
0x55: {  	[tilespmem:s6+$0x0] =	vst v0  }
0x56: {  	v0 =	vld [tilespmem:s8+$0x30];
	_ =	sdelay $0x4  }
0x57: {  	v1 =	vand.u32 $0xFFFF, v0;
	v0 =	vshra.s32 v0, $0x10  }
0x58: {  	v1 =	vmul.u32 $0x13, v1;
	vm15 =	vgt.s32 v0, $0x0  }
0x59: {  	s31 =	simm.s32 $0x40;
	s8 =	simm.s32 $0x80;
	v0 =	vnsel vm15, $0x0, v0  }
0x5a: {  	s15 =	simm.s32 $0x80;
	s16 =	sand.u32 $0x40, s31;
	s17 =	sand.u32 $0x1F00, s8;
	v0 =	vadd.s32 v0, v1  }
.LBB2_4:
0x5b: {  	p1 =	sne.s32 s15, $0x9C0;
	s16 =	sor.u32 s16, s17;
	[tilespmem:s6+$0x10] =	vst v0  }
0x5c: {  	v0 =	vld [tilespmem:s16+$0x0];
	_ =	sdelay $0x4  }
0x5d: {  	v1 =	vand.u32 $0xFFFF, v0;
	v0 =	vshra.s32 v0, $0x10  }
0x5e: {  	v1 =	vmul.u32 $0x13, v1;
	vm0 =	vgt.s32 v0, $0x0  }
0x5f: {  	v0 =	vnsel vm0, $0x0, v0  }
0x60: {  	s6 =	sadd.s32 $0x80, s6;
	v0 =	vadd.s32 v0, v1  }
0x61: {  	[tilespmem:s6+$0xFFFFFFE0] =	vst v0  }
0x62: {  	v0 =	vld [tilespmem:s16+$0x10];
	_ =	sdelay $0x4  }
0x63: {  	v1 =	vand.u32 $0xFFFF, v0;
	v0 =	vshra.s32 v0, $0x10  }
0x64: {  	v1 =	vmul.u32 $0x13, v1;
	vm0 =	vgt.s32 v0, $0x0  }
0x65: {  	v0 =	vnsel vm0, $0x0, v0  }
0x66: {  	v0 =	vadd.s32 v0, v1  }
0x67: {  	[tilespmem:s6+$0xFFFFFFF0] =	vst v0  }
0x68: {  	v0 =	vld [tilespmem:s16+$0x20];
	_ =	sdelay $0x4  }
0x69: {  	v1 =	vand.u32 $0xFFFF, v0;
	v0 =	vshra.s32 v0, $0x10  }
0x6a: {  	v1 =	vmul.u32 $0x13, v1;
	vm0 =	vgt.s32 v0, $0x0  }
0x6b: {  	v0 =	vnsel vm0, $0x0, v0  }
0x6c: {  	v0 =	vadd.s32 v0, v1  }
0x6d: {  	[tilespmem:s6+$0x0] =	vst v0  }
0x6e: {  	v0 =	vld [tilespmem:s16+$0x30];
	_ =	sdelay $0x3  }
.Ltmp3:
0x6f: {  	(pc) =	sbr.rel @p1 .LBB2_4-.Ltmp3, $4  }
0x70: {  	v1 =	vand.u32 $0xFFFF, v0;
	v0 =	vshra.s32 v0, $0x10  }
0x71: {  	v1 =	vmul.u32 $0x13, v1;
	vm0 =	vgt.s32 v0, $0x0  }
0x72: {  	s8 =	sadd.s32 $0x80, s8;
	v0 =	vnsel vm0, $0x0, v0  }
0x73: {  	s17 =	sand.u32 $0x1F00, s8;
	s16 =	sand.u32 $0x40, s15;
	s15 =	sadd.s32 $0x40, s15;
	v0 =	vadd.s32 v0, v1  }
0x74: {  	s8 =	sor.u32 s16, s17;
	[tilespmem:s6+$0x10] =	vst v0  }
0x75: {  	v0 =	vld [tilespmem:s8+$0x0];
	_ =	sdelay $0x4  }
0x76: {  	v1 =	vand.u32 $0xFFFF, v0;
	v0 =	vshra.s32 v0, $0x10  }
0x77: {  	v1 =	vmul.u32 $0x13, v1;
	vm0 =	vgt.s32 v0, $0x0  }
0x78: {  	v0 =	vnsel vm0, $0x0, v0  }
0x79: {  	s31 =	sadd.s32 $0x80, s6;
	v0 =	vadd.s32 v0, v1  }
0x7a: {  	[tilespmem:s31+$0xFFFFFFE0] =	vst v0  }
0x7b: {  	v0 =	vld [tilespmem:s8+$0x10];
	_ =	sdelay $0x4  }
0x7c: {  	v61 =	vand.u32 $0xFFFF, v0;
	v0 =	vshra.s32 v0, $0x10  }
0x7d: {  	v1 =	vmul.u32 $0x13, v61;
	vm13 =	vgt.s32 v0, $0x0  }
0x7e: {  	v0 =	vnsel vm13, $0x0, v0  }
0x7f: {  	v0 =	vadd.s32 v0, v1  }
0x80: {  	[tilespmem:s31+$0xFFFFFFF0] =	vst v0  }
0x81: {  	v0 =	vld [tilespmem:s8+$0x20];
	_ =	sdelay $0x4  }
0x82: {  	v62 =	vand.u32 $0xFFFF, v0;
	v0 =	vshra.s32 v0, $0x10  }
0x83: {  	v1 =	vmul.u32 $0x13, v62;
	vm14 =	vgt.s32 v0, $0x0  }
0x84: {  	v0 =	vnsel vm14, $0x0, v0  }
0x85: {  	v0 =	vadd.s32 v0, v1  }
0x86: {  	[tilespmem:s31+$0x0] =	vst v0  }
0x87: {  	v0 =	vld [tilespmem:s8+$0x30];
	_ =	sdelay $0x4  }
0x88: {  	v63 =	vand.u32 $0xFFFF, v0;
	v0 =	vshra.s32 v0, $0x10  }
0x89: {  	v1 =	vmul.u32 $0x13, v63;
	vm15 =	vgt.s32 v0, $0x0  }
0x8a: {  	v0 =	vnsel vm15, $0x0, v0  }
0x8b: {  	v0 =	vadd.s32 v0, v1  }
0x8c: {  	s16 =	simm.s32 $0x0;
	s6 =	simm.s32 $0x80;
	s8 =	simm.s32 $0x0;
	[tilespmem:s31+$0x10] =	vst v0  }
.LBB2_6:
0x8d: {  	p1 =	sne.s32 s8, $0x130  }
.Ltmp4:
0x8e: {  	_ = 	snop;
	(pc) =	sbr.rel @p1 .LBB2_6-.Ltmp4, $4  }
0x8f: {  	_ = 	snop  }
0x90: {  	s15 =	sadd.s32 s8, s18  }
0x91: {  	[tilespmem:s6], [sflag:$0x11] =	stream.linear.gather [hbm4b:s15+s16], $0x80, $0x38;
	[tilespmem:$0x1E748] =	vst v63  }
0x92: {  	s8 =	sadd.s32 $0x10, s8;
	s6 =	sadd.s32 $0x100, s6  }
.Ltmp5:
0x93: {  	(pc) =	sbr.rel .LBB2_8-.Ltmp5, $2  }
0x94: {  	_ =	sdelay $0x2  }
0x95: {  	p1 =	por $0x0, $0x0  }
.LBB2_21:
0x96: {  	s16 =	rddreg [dreg:$0xc]  }
0x97: {  	p2 =	sne.s32 s16, $0xA  }
.Ltmp6:
0x98: {  	_ = 	snop;
	(pc) =	sbr.rel @!p2 .LBB2_22-.Ltmp6, $2  }
0x99: {  	_ =	sdelay $0x2  }
0x9a: {  	p1 =	por !p1, !p1  }
.LBB2_8:
0x9b: {  	s6 =	simm.s32 $0x1  }
0x9c: {  	s8 =	smul.u32 $0xA00, s16;
	s15 =	sadd.s32 $0x1, s16;
	s23 =	rddreg [dreg:$0x8]  }
0x9d: {  	s17 =	rddreg [dreg:$0x4];
	p2 =	seq.s32 s16, $0x9;
	s31 =	smul.u32 $0x28, s15  }
.Ltmp7:
0x9e: {  	p3 =	sgt.u32 s16, $0x7;
	s6 =	simm.s32 @!p1 $0x0;
	(pc) =	sbr.rel .LBB2_9-.Ltmp7, $4  }
0x9f: {  	[dreg:$0xc] =	wrdreg s15;
	s15 =	sshll.u32 s15, $0x7;
	s6 =	sshll.u32 s6, $0x7  }
0xa0: {  	s8 =	sadd.s32 s8, s23;
	s15 =	sand.u32 $0x80, s15;
	[dreg:$0xd] =	wrdreg s6  }
0xa1: {  	s6 =	smul.u32 $0x5, s16;
	s8 =	sshrl.u32 s8, $0x3;
	s25 =	sor.u32 $0x1, s31  }
0xa2: {  	s8 =	sadd.s32 s17, s8;
	[dreg:$0xe] =	wrdreg s25;
	s17 =	simm.s32 $0x0  }
.LBB2_19:
0xa3: {  	s22 =	sshll.u32 s17, $0xA  }
0xa4: {  	s22 =	sand.u32 $0x3FFFFC00, s22  }
0xa5: {  	s24 =	sor.u32 s22, s15  }
0xa6: {  	v0 =	vld [tilespmem:s24+$0x0];
	_ =	sdelay $0x4  }
0xa7: {  	s22 =	sshll.u32 s17, $0x3;
	v1 =	vand.u32 $0xFFFF, v0;
	v0 =	vshra.s32 v0, $0x10  }
0xa8: {  	s26 =	sadd.s32 s31, s22;
	v1 =	vmul.u32 $0x13, v1;
	vm0 =	vgt.s32 v0, $0x0  }
0xa9: {  	s26 =	sshll.u32 s26, $0x7;
	v0 =	vnsel vm0, $0x0, v0  }
0xaa: {  	s26 =	sand.u32 $0x3FFFFF80, s26;
	v0 =	vadd.s32 v0, v1  }
0xab: {  	[tilespmem:s26+$0x1400] =	vst v0  }
0xac: {  	v0 =	vld [tilespmem:s24+$0x10];
	_ =	sdelay $0x4  }
0xad: {  	v33 =	vand.u32 $0xFFFF, v0;
	v0 =	vshra.s32 v0, $0x10  }
0xae: {  	v1 =	vmul.u32 $0x13, v33;
	vm9 =	vgt.s32 v0, $0x0  }
0xaf: {  	v0 =	vnsel vm9, $0x0, v0  }
0xb0: {  	v0 =	vadd.s32 v0, v1  }
0xb1: {  	[tilespmem:s26+$0x1410] =	vst v0  }
0xb2: {  	v0 =	vld [tilespmem:s24+$0x20];
	_ =	sdelay $0x4  }
0xb3: {  	v34 =	vand.u32 $0xFFFF, v0;
	v0 =	vshra.s32 v0, $0x10  }
0xb4: {  	v1 =	vmul.u32 $0x13, v34;
	vm10 =	vgt.s32 v0, $0x0  }
0xb5: {  	v0 =	vnsel vm10, $0x0, v0  }
0xb6: {  	v0 =	vadd.s32 v0, v1  }
0xb7: {  	[tilespmem:s26+$0x1420] =	vst v0  }
0xb8: {  	v0 =	vld [tilespmem:s24+$0x30];
	_ =	sdelay $0x4  }
0xb9: {  	v35 =	vand.u32 $0xFFFF, v0;
	v0 =	vshra.s32 v0, $0x10  }
0xba: {  	v1 =	vmul.u32 $0x13, v35;
	vm11 =	vgt.s32 v0, $0x0  }
0xbb: {  	v0 =	vnsel vm11, $0x0, v0  }
0xbc: {  	v0 =	vadd.s32 v0, v1  }
0xbd: {  	[tilespmem:s26+$0x1430] =	vst v0  }
0xbe: {  	v0 =	vld [tilespmem:s24+$0x40];
	_ =	sdelay $0x4  }
0xbf: {  	s26 =	rddreg [dreg:$0xe];
	v36 =	vand.u32 $0xFFFF, v0;
	v0 =	vshra.s32 v0, $0x10  }
0xc0: {  	s26 =	sadd.s32 s22, s26;
	v1 =	vmul.u32 $0x13, v36;
	vm12 =	vgt.s32 v0, $0x0  }
0xc1: {  	s26 =	sshll.u32 s26, $0x7;
	v0 =	vnsel vm12, $0x0, v0  }
0xc2: {  	s26 =	sand.u32 $0x3FFFFF80, s26;
	v0 =	vadd.s32 v0, v1  }
0xc3: {  	[tilespmem:s26+$0x1400] =	vst v0  }
0xc4: {  	v0 =	vld [tilespmem:s24+$0x50];
	_ =	sdelay $0x4  }
0xc5: {  	v37 =	vand.u32 $0xFFFF, v0;
	v0 =	vshra.s32 v0, $0x10  }
0xc6: {  	v1 =	vmul.u32 $0x13, v37;
	vm13 =	vgt.s32 v0, $0x0  }
0xc7: {  	v0 =	vnsel vm13, $0x0, v0  }
0xc8: {  	v0 =	vadd.s32 v0, v1  }
0xc9: {  	[tilespmem:s26+$0x1410] =	vst v0  }
0xca: {  	v0 =	vld [tilespmem:s24+$0x60];
	_ =	sdelay $0x4  }
0xcb: {  	v38 =	vand.u32 $0xFFFF, v0;
	v0 =	vshra.s32 v0, $0x10  }
0xcc: {  	v1 =	vmul.u32 $0x13, v38;
	vm14 =	vgt.s32 v0, $0x0  }
0xcd: {  	v0 =	vnsel vm14, $0x0, v0  }
0xce: {  	v0 =	vadd.s32 v0, v1  }
0xcf: {  	[tilespmem:s26+$0x1420] =	vst v0  }
0xd0: {  	v0 =	vld [tilespmem:s24+$0x70];
	_ =	sdelay $0x4  }
0xd1: {  	v39 =	vand.u32 $0xFFFF, v0;
	v0 =	vshra.s32 v0, $0x10  }
0xd2: {  	s24 =	sor.u32 $0x2, s22;
	v1 =	vmul.u32 $0x13, v39;
	vm15 =	vgt.s32 v0, $0x0  }
0xd3: {  	s29 =	sshll.u32 s24, $0x7;
	v0 =	vnsel vm15, $0x0, v0  }
0xd4: {  	s29 =	sand.u32 $0x3FFFFD00, s29;
	v0 =	vadd.s32 v0, v1  }
0xd5: {  	[tilespmem:s26+$0x1430] =	vst v0;
	s26 =	sor.u32 s29, s15  }
0xd6: {  	v0 =	vld [tilespmem:s26+$0x0];
	_ =	sdelay $0x4  }
0xd7: {  	v40 =	vand.u32 $0xFFFF, v0;
	v0 =	vshra.s32 v0, $0x10  }
0xd8: {  	s24 =	sadd.s32 s31, s24;
	v1 =	vmul.u32 $0x13, v40;
	vm4 =	vgt.s32 v0, $0x0  }
0xd9: {  	s24 =	sshll.u32 s24, $0x7;
	v0 =	vnsel vm4, $0x0, v0  }
0xda: {  	s24 =	sand.u32 $0x3FFFFF80, s24;
	v0 =	vadd.s32 v0, v1  }
0xdb: {  	[tilespmem:s24+$0x1400] =	vst v0  }
0xdc: {  	v0 =	vld [tilespmem:s26+$0x10];
	_ =	sdelay $0x4  }
0xdd: {  	v41 =	vand.u32 $0xFFFF, v0;
	v0 =	vshra.s32 v0, $0x10  }
0xde: {  	v1 =	vmul.u32 $0x13, v41;
	vm5 =	vgt.s32 v0, $0x0  }
0xdf: {  	v0 =	vnsel vm5, $0x0, v0  }
0xe0: {  	v0 =	vadd.s32 v0, v1  }
0xe1: {  	[tilespmem:s24+$0x1410] =	vst v0  }
0xe2: {  	v0 =	vld [tilespmem:s26+$0x20];
	_ =	sdelay $0x4  }
0xe3: {  	v42 =	vand.u32 $0xFFFF, v0;
	v0 =	vshra.s32 v0, $0x10  }
0xe4: {  	v1 =	vmul.u32 $0x13, v42;
	vm6 =	vgt.s32 v0, $0x0  }
0xe5: {  	v0 =	vnsel vm6, $0x0, v0  }
0xe6: {  	v0 =	vadd.s32 v0, v1  }
0xe7: {  	[tilespmem:s24+$0x1420] =	vst v0  }
0xe8: {  	v0 =	vld [tilespmem:s26+$0x30];
	_ =	sdelay $0x4  }
0xe9: {  	v43 =	vand.u32 $0xFFFF, v0;
	v0 =	vshra.s32 v0, $0x10  }
0xea: {  	s26 =	sor.u32 $0x3, s22;
	v1 =	vmul.u32 $0x13, v43;
	vm7 =	vgt.s32 v0, $0x0  }
0xeb: {  	s29 =	sshll.u32 s26, $0x7;
	v0 =	vnsel vm7, $0x0, v0  }
0xec: {  	s29 =	sand.u32 $0x1D00, s29;
	v0 =	vadd.s32 v0, v1  }
0xed: {  	[tilespmem:s24+$0x1430] =	vst v0;
	s24 =	sor.u32 s29, s15  }
0xee: {  	v0 =	vld [tilespmem:s24+$0x40];
	_ =	sdelay $0x4  }
0xef: {  	v44 =	vand.u32 $0xFFFF, v0;
	v0 =	vshra.s32 v0, $0x10  }
0xf0: {  	s26 =	sadd.s32 s31, s26;
	v1 =	vmul.u32 $0x13, v44;
	vm8 =	vgt.s32 v0, $0x0  }
0xf1: {  	s26 =	sshll.u32 s26, $0x7;
	v0 =	vnsel vm8, $0x0, v0  }
0xf2: {  	s26 =	sand.u32 $0x3FFFFF80, s26;
	v0 =	vadd.s32 v0, v1  }
0xf3: {  	[tilespmem:s26+$0x1400] =	vst v0  }
0xf4: {  	v0 =	vld [tilespmem:s24+$0x50];
	_ =	sdelay $0x4  }
0xf5: {  	v45 =	vand.u32 $0xFFFF, v0;
	v0 =	vshra.s32 v0, $0x10  }
0xf6: {  	v1 =	vmul.u32 $0x13, v45;
	vm9 =	vgt.s32 v0, $0x0  }
0xf7: {  	v0 =	vnsel vm9, $0x0, v0  }
0xf8: {  	v0 =	vadd.s32 v0, v1  }
0xf9: {  	[tilespmem:s26+$0x1410] =	vst v0  }
0xfa: {  	v0 =	vld [tilespmem:s24+$0x60];
	_ =	sdelay $0x4  }
0xfb: {  	v46 =	vand.u32 $0xFFFF, v0;
	v0 =	vshra.s32 v0, $0x10  }
0xfc: {  	v1 =	vmul.u32 $0x13, v46;
	vm10 =	vgt.s32 v0, $0x0  }
0xfd: {  	v0 =	vnsel vm10, $0x0, v0  }
0xfe: {  	v0 =	vadd.s32 v0, v1  }
0xff: {  	[tilespmem:s26+$0x1420] =	vst v0  }
0x100: {  	v0 =	vld [tilespmem:s24+$0x70];
	_ =	sdelay $0x4  }
0x101: {  	v47 =	vand.u32 $0xFFFF, v0;
	v0 =	vshra.s32 v0, $0x10  }
0x102: {  	s24 =	sor.u32 $0x4, s22;
	v1 =	vmul.u32 $0x13, v47;
	vm11 =	vgt.s32 v0, $0x0  }
0x103: {  	s29 =	sshll.u32 s24, $0x7;
	v0 =	vnsel vm11, $0x0, v0  }
0x104: {  	s29 =	sand.u32 $0x3FFFFE00, s29;
	v0 =	vadd.s32 v0, v1  }
0x105: {  	[tilespmem:s26+$0x1430] =	vst v0;
	s26 =	sor.u32 s29, s15  }
0x106: {  	v0 =	vld [tilespmem:s26+$0x0];
	_ =	sdelay $0x4  }
0x107: {  	v48 =	vand.u32 $0xFFFF, v0;
	v0 =	vshra.s32 v0, $0x10  }
0x108: {  	s24 =	sadd.s32 s31, s24;
	v1 =	vmul.u32 $0x13, v48;
	vm12 =	vgt.s32 v0, $0x0  }
0x109: {  	s24 =	sshll.u32 s24, $0x7;
	v0 =	vnsel vm12, $0x0, v0  }
0x10a: {  	s24 =	sand.u32 $0x3FFFFF80, s24;
	v0 =	vadd.s32 v0, v1  }
0x10b: {  	[tilespmem:s24+$0x1400] =	vst v0  }
0x10c: {  	v0 =	vld [tilespmem:s26+$0x10];
	_ =	sdelay $0x4  }
0x10d: {  	v49 =	vand.u32 $0xFFFF, v0;
	v0 =	vshra.s32 v0, $0x10  }
0x10e: {  	v1 =	vmul.u32 $0x13, v49;
	vm13 =	vgt.s32 v0, $0x0  }
0x10f: {  	v0 =	vnsel vm13, $0x0, v0  }
0x110: {  	v0 =	vadd.s32 v0, v1  }
0x111: {  	[tilespmem:s24+$0x1410] =	vst v0  }
0x112: {  	v0 =	vld [tilespmem:s26+$0x20];
	_ =	sdelay $0x4  }
0x113: {  	v50 =	vand.u32 $0xFFFF, v0;
	v0 =	vshra.s32 v0, $0x10  }
0x114: {  	v1 =	vmul.u32 $0x13, v50;
	vm14 =	vgt.s32 v0, $0x0  }
0x115: {  	v0 =	vnsel vm14, $0x0, v0  }
0x116: {  	v0 =	vadd.s32 v0, v1  }
0x117: {  	[tilespmem:s24+$0x1420] =	vst v0  }
0x118: {  	v0 =	vld [tilespmem:s26+$0x30];
	_ =	sdelay $0x4  }
0x119: {  	v51 =	vand.u32 $0xFFFF, v0;
	v0 =	vshra.s32 v0, $0x10  }
0x11a: {  	s26 =	sor.u32 $0x5, s22;
	v1 =	vmul.u32 $0x13, v51;
	vm15 =	vgt.s32 v0, $0x0  }
0x11b: {  	s29 =	sshll.u32 s26, $0x7;
	v0 =	vnsel vm15, $0x0, v0  }
0x11c: {  	s29 =	sand.u32 $0x1E00, s29;
	v0 =	vadd.s32 v0, v1  }
0x11d: {  	[tilespmem:s24+$0x1430] =	vst v0;
	s24 =	sor.u32 s29, s15  }
0x11e: {  	v0 =	vld [tilespmem:s24+$0x40];
	_ =	sdelay $0x4  }
0x11f: {  	v52 =	vand.u32 $0xFFFF, v0;
	v0 =	vshra.s32 v0, $0x10  }
0x120: {  	s26 =	sadd.s32 s31, s26;
	v1 =	vmul.u32 $0x13, v52;
	vm4 =	vgt.s32 v0, $0x0  }
0x121: {  	s26 =	sshll.u32 s26, $0x7;
	v0 =	vnsel vm4, $0x0, v0  }
0x122: {  	s26 =	sand.u32 $0x3FFFFF80, s26;
	v0 =	vadd.s32 v0, v1  }
0x123: {  	[tilespmem:s26+$0x1400] =	vst v0  }
0x124: {  	v0 =	vld [tilespmem:s24+$0x50];
	_ =	sdelay $0x4  }
0x125: {  	v53 =	vand.u32 $0xFFFF, v0;
	v0 =	vshra.s32 v0, $0x10  }
0x126: {  	v1 =	vmul.u32 $0x13, v53;
	vm5 =	vgt.s32 v0, $0x0  }
0x127: {  	v0 =	vnsel vm5, $0x0, v0  }
0x128: {  	v0 =	vadd.s32 v0, v1  }
0x129: {  	[tilespmem:s26+$0x1410] =	vst v0  }
0x12a: {  	v0 =	vld [tilespmem:s24+$0x60];
	_ =	sdelay $0x4  }
0x12b: {  	v54 =	vand.u32 $0xFFFF, v0;
	v0 =	vshra.s32 v0, $0x10  }
0x12c: {  	v1 =	vmul.u32 $0x13, v54;
	vm6 =	vgt.s32 v0, $0x0  }
0x12d: {  	v0 =	vnsel vm6, $0x0, v0  }
0x12e: {  	v0 =	vadd.s32 v0, v1  }
0x12f: {  	[tilespmem:s26+$0x1420] =	vst v0  }
0x130: {  	v0 =	vld [tilespmem:s24+$0x70];
	_ =	sdelay $0x4  }
0x131: {  	v55 =	vand.u32 $0xFFFF, v0;
	v0 =	vshra.s32 v0, $0x10  }
0x132: {  	s22 =	sor.u32 $0x6, s22;
	v1 =	vmul.u32 $0x13, v55;
	vm7 =	vgt.s32 v0, $0x0  }
0x133: {  	s24 =	sshll.u32 s22, $0x7;
	v0 =	vnsel vm7, $0x0, v0  }
0x134: {  	s24 =	sand.u32 $0x3FFFFF00, s24;
	v0 =	vadd.s32 v0, v1  }
0x135: {  	s24 =	sor.u32 s24, s15;
	[tilespmem:s26+$0x1430] =	vst v0  }
0x136: {  	v0 =	vld [tilespmem:s24+$0x0];
	_ =	sdelay $0x4  }
0x137: {  	v56 =	vand.u32 $0xFFFF, v0;
	v0 =	vshra.s32 v0, $0x10  }
0x138: {  	s22 =	sadd.s32 s31, s22;
	v1 =	vmul.u32 $0x13, v56;
	vm8 =	vgt.s32 v0, $0x0  }
0x139: {  	s22 =	sshll.u32 s22, $0x7;
	v0 =	vnsel vm8, $0x0, v0  }
0x13a: {  	s22 =	sand.u32 $0x3FFFFF80, s22;
	v0 =	vadd.s32 v0, v1  }
0x13b: {  	[tilespmem:s22+$0x1400] =	vst v0  }
0x13c: {  	v0 =	vld [tilespmem:s24+$0x10];
	_ =	sdelay $0x4  }
0x13d: {  	v57 =	vand.u32 $0xFFFF, v0;
	v0 =	vshra.s32 v0, $0x10  }
0x13e: {  	v1 =	vmul.u32 $0x13, v57;
	vm9 =	vgt.s32 v0, $0x0  }
0x13f: {  	v0 =	vnsel vm9, $0x0, v0  }
0x140: {  	v0 =	vadd.s32 v0, v1  }
0x141: {  	[tilespmem:s22+$0x1410] =	vst v0  }
0x142: {  	v0 =	vld [tilespmem:s24+$0x20];
	_ =	sdelay $0x4  }
0x143: {  	v58 =	vand.u32 $0xFFFF, v0;
	v0 =	vshra.s32 v0, $0x10  }
0x144: {  	v1 =	vmul.u32 $0x13, v58;
	vm10 =	vgt.s32 v0, $0x0  }
0x145: {  	v0 =	vnsel vm10, $0x0, v0  }
0x146: {  	v0 =	vadd.s32 v0, v1  }
0x147: {  	[tilespmem:s22+$0x1420] =	vst v0  }
0x148: {  	v0 =	vld [tilespmem:s24+$0x30];
	_ =	sdelay $0x4  }
0x149: {  	v59 =	vand.u32 $0xFFFF, v0;
	v0 =	vshra.s32 v0, $0x10  }
0x14a: {  	s24 =	sshllo.u32 s17, $0x3;
	v1 =	vmul.u32 $0x13, v59;
	vm11 =	vgt.s32 v0, $0x0  }
0x14b: {  	s26 =	sshll.u32 s24, $0x7;
	v0 =	vnsel vm11, $0x0, v0  }
0x14c: {  	s26 =	sand.u32 $0x1F00, s26;
	v0 =	vadd.s32 v0, v1  }
0x14d: {  	s26 =	sor.u32 s26, s15;
	[tilespmem:s22+$0x1430] =	vst v0  }
0x14e: {  	v0 =	vld [tilespmem:s26+$0x40];
	_ =	sdelay $0x4  }
0x14f: {  	v60 =	vand.u32 $0xFFFF, v0;
	v0 =	vshra.s32 v0, $0x10  }
0x150: {  	s24 =	sadd.s32 s31, s24;
	v1 =	vmul.u32 $0x13, v60;
	vm12 =	vgt.s32 v0, $0x0  }
0x151: {  	s24 =	sshll.u32 s24, $0x7;
	v0 =	vnsel vm12, $0x0, v0  }
0x152: {  	s24 =	sand.u32 $0x3FFFFF80, s24;
	v0 =	vadd.s32 v0, v1  }
0x153: {  	[tilespmem:s24+$0x1400] =	vst v0  }
0x154: {  	v0 =	vld [tilespmem:s26+$0x50];
	_ =	sdelay $0x4  }
0x155: {  	v61 =	vand.u32 $0xFFFF, v0;
	v0 =	vshra.s32 v0, $0x10  }
0x156: {  	v1 =	vmul.u32 $0x13, v61;
	vm13 =	vgt.s32 v0, $0x0  }
0x157: {  	v0 =	vnsel vm13, $0x0, v0  }
0x158: {  	v0 =	vadd.s32 v0, v1  }
0x159: {  	[tilespmem:s24+$0x1410] =	vst v0  }
0x15a: {  	v0 =	vld [tilespmem:s26+$0x60];
	_ =	sdelay $0x4  }
0x15b: {  	v62 =	vand.u32 $0xFFFF, v0;
	v0 =	vshra.s32 v0, $0x10  }
0x15c: {  	v1 =	vmul.u32 $0x13, v62;
	vm14 =	vgt.s32 v0, $0x0  }
0x15d: {  	v0 =	vnsel vm14, $0x0, v0  }
0x15e: {  	v0 =	vadd.s32 v0, v1  }
0x15f: {  	[tilespmem:s24+$0x1420] =	vst v0  }
0x160: {  	v0 =	vld [tilespmem:s26+$0x70];
	_ =	sdelay $0x4  }
0x161: {  	v63 =	vand.u32 $0xFFFF, v0;
	v0 =	vshra.s32 v0, $0x10  }
0x162: {  	v1 =	vmul.u32 $0x13, v63;
	vm15 =	vgt.s32 v0, $0x0  }
0x163: {  	v0 =	vnsel vm15, $0x0, v0  }
0x164: {  	v0 =	vadd.s32 v0, v1  }
0x165: {  	s29 =	simm.s32 $0xE748;
	[tilespmem:s24+$0x1430] =	vst v0  }
.LBB2_20:
0x166: {  	s19 =	sshll.u32 s19, $0x10  }
0x167: {  	_ =	swait.ge [sflag:s13], $0x2000;
	s19 =	sadd.s32 s9, s19  }
0x168: {  	[sflag:s13] =	ssyncset.done $0x0;
	s19 =	sshrl.u32 s19, $0x3  }
0x169: {  	[sflag:s13] =	ssyncadd.s32 $0xFFFFE000;
	s19 =	sadd.s32 s0, s19  }
0x16a: {  	[hbm4b:s19+s3] =	stream.linear.scatter [tilespmem:s29], [sflag:$0x9], $0x2000, $0x38;
	[tilespmem:$0x1E748] =	vst v63  }
0x16b: {  	s26 =	sadd.s32 s9, s20;
	_ =	swait.ge [sflag:s1], $0x2000  }
0x16c: {  	s19 =	sshrl.u32 s26, $0x3;
	[sflag:s1] =	ssyncset.done $0x0  }
0x16d: {  	s22 =	simm.s32 $0x10748;
	s19 =	sadd.s32 s0, s19;
	[sflag:s1] =	ssyncadd.s32 $0xFFFFE000  }
0x16e: {  	[hbm4b:s19+s3] =	stream.linear.scatter [tilespmem:s22], [sflag:$0xA], $0x2000, $0x38;
	[tilespmem:$0x1E748] =	vst v63  }
0x16f: {  	s18 =	sadd.s32 s9, s18;
	_ =	swait.ge [sflag:s5], $0x2000  }
0x170: {  	s18 =	sshrl.u32 s18, $0x3;
	[sflag:s5] =	ssyncset.done $0x0  }
0x171: {  	s24 =	simm.s32 $0x12748;
	s18 =	sadd.s32 s0, s18;
	[sflag:s5] =	ssyncadd.s32 $0xFFFFE000  }
0x172: {  	[hbm4b:s18+s3] =	stream.linear.scatter [tilespmem:s24], [sflag:$0xB], $0x2000, $0x38;
	[tilespmem:$0x1E748] =	vst v63  }
0x173: {  	s16 =	sadd.s32 s9, s16;
	_ =	swait.ge [sflag:s10], $0x2000  }
0x174: {  	s16 =	sshrl.u32 s16, $0x3;
	[sflag:s10] =	ssyncset.done $0x0  }
0x175: {  	s16 =	sadd.s32 s0, s16;
	s26 =	simm.s32 $0x14748;
	[sflag:s10] =	ssyncadd.s32 $0xFFFFE000  }
0x176: {  	[hbm4b:s16+s3] =	stream.linear.scatter [tilespmem:s26], [sflag:$0xC], $0x2000, $0x38;
	[tilespmem:$0x1E748] =	vst v63  }
0x177: {  	s20 =	sadd.s32 s9, s28;
	_ =	swait.ge [sflag:s11], $0x2000  }
0x178: {  	s16 =	sshrl.u32 s20, $0x3;
	[sflag:s11] =	ssyncset.done $0x0  }
0x179: {  	s28 =	simm.s32 $0x16748;
	s16 =	sadd.s32 s0, s16;
	[sflag:s11] =	ssyncadd.s32 $0xFFFFE000  }
0x17a: {  	[hbm4b:s16+s3] =	stream.linear.scatter [tilespmem:s28], [sflag:$0xD], $0x2000, $0x38;
	[tilespmem:$0x1E748] =	vst v63  }
0x17b: {  	s18 =	sadd.s32 s9, s25;
	_ =	swait.ge [sflag:s12], $0x2000  }
0x17c: {  	s16 =	sshrl.u32 s18, $0x3;
	[sflag:s12] =	ssyncset.done $0x0  }
0x17d: {  	s19 =	simm.s32 $0x18748;
	s16 =	sadd.s32 s0, s16;
	[sflag:s12] =	ssyncadd.s32 $0xFFFFE000  }
0x17e: {  	[hbm4b:s16+s3] =	stream.linear.scatter [tilespmem:s19], [sflag:$0xE], $0x2000, $0x38;
	[tilespmem:$0x1E748] =	vst v63  }
0x17f: {  	s17 =	sadd.s32 $0x1, s17;
	s20 =	sadd.s32 s9, s23;
	_ =	swait.ge [sflag:s4], $0x2000  }
0x180: {  	p4 =	sne.s32 s17, $0x5;
	s16 =	sshrl.u32 s20, $0x3;
	[sflag:s4] =	ssyncset.done $0x0  }
0x181: {  	s23 =	simm.s32 $0x1A748;
	s16 =	sadd.s32 s0, s16;
	[sflag:s4] =	ssyncadd.s32 $0xFFFFE000  }
0x182: {  	[hbm4b:s16+s3] =	stream.linear.scatter [tilespmem:s23], [sflag:$0xF], $0x2000, $0x38;
	[tilespmem:$0x1E748] =	vst v63  }
.Ltmp8:
0x183: {  	s25 =	sshll.u32 s21, $0xD;
	(pc) =	sbr.rel @!p4 .LBB2_21-.Ltmp8, $4  }
0x184: {  	s16 =	sadd.s32 s9, s25;
	_ =	swait.ge [sflag:s7], $0x2000  }
0x185: {  	s16 =	sshrl.u32 s16, $0x3;
	[sflag:s7] =	ssyncset.done $0x0  }
0x186: {  	s16 =	sadd.s32 s0, s16;
	[sflag:s7] =	ssyncadd.s32 $0xFFFFE000  }
0x187: {  	[hbm4b:s16+s3] =	stream.linear.scatter [tilespmem:s30], [sflag:$0x10], $0x2000, $0x38;
	[tilespmem:$0x1E748] =	vst v63  }
.LBB2_9:
0x188: {  	s19 =	sadd.s32 s6, s17  }
0x189: {  	p4 =	sne.s32 s19, $0x0  }
.Ltmp9:
0x18a: {  	_ = 	snop;
	(pc) =	sbr.rel @!p4 .LBB2_10-.Ltmp9, $1  }
0x18b: {  	_ =	sdelay $0x3  }
0x18c: {  	s20 =	simm.s32 $0x9  }
0x18d: {  	s16 =	sshll.u32 s19, $0xA;
	_ =	swait.ge [sflag:s20], $0x2000  }
0x18e: {  	s16 =	sand.u32 $0x3FFFFC00, s16;
	[sflag:s20] =	ssyncset.done $0x0  }
0x18f: {  	s18 =	sshll.u32 s19, $0x3;
	s16 =	sadd.s32 $0x1400, s16;
	[sflag:s20] =	ssyncadd.s32 $0xFFFFE000  }
0x190: {  	[tilespmem:s29], [sflag:$0x1] =	stream.indirect.gather [spmem:s2], $0x80, s16, s14, $0xb8;
	[tilespmem:$0x1E748] =	vst v63  }
0x191: {  	s21 =	simm.s32 $0xA;
	s16 =	sor.u32 $0x1, s18  }
0x192: {  	_ =	swait.ge [sflag:s21], $0x2000;
	s23 =	sshll.u32 s16, $0x7  }
0x193: {  	[sflag:s21] =	ssyncset.done $0x0;
	s20 =	sand.u32 $0x3FFFFC80, s23  }
0x194: {  	[sflag:s21] =	ssyncadd.s32 $0xFFFFE000;
	s20 =	sadd.s32 $0x1400, s20  }
0x195: {  	[tilespmem:s22], [sflag:$0x2] =	stream.indirect.gather [spmem:s2], $0x80, s20, s14, $0xb8;
	[tilespmem:$0x1E748] =	vst v63  }
0x196: {  	s25 =	simm.s32 $0xB;
	s22 =	sor.u32 $0x2, s18  }
0x197: {  	_ =	swait.ge [sflag:s25], $0x2000;
	s23 =	sshll.u32 s22, $0x7  }
0x198: {  	[sflag:s25] =	ssyncset.done $0x0;
	s20 =	sand.u32 $0x3FFFFD00, s23  }
0x199: {  	[sflag:s25] =	ssyncadd.s32 $0xFFFFE000;
	s20 =	sadd.s32 $0x1400, s20  }
0x19a: {  	[tilespmem:s24], [sflag:$0x3] =	stream.indirect.gather [spmem:s2], $0x80, s20, s14, $0xb8;
	[tilespmem:$0x1E748] =	vst v63  }
0x19b: {  	s23 =	sor.u32 $0x3, s18;
	s24 =	simm.s32 $0xC  }
0x19c: {  	s25 =	sshll.u32 s23, $0x7;
	_ =	swait.ge [sflag:s24], $0x2000  }
0x19d: {  	s20 =	sand.u32 $0x3FFFFD80, s25;
	[sflag:s24] =	ssyncset.done $0x0  }
0x19e: {  	s20 =	sadd.s32 $0x1400, s20;
	[sflag:s24] =	ssyncadd.s32 $0xFFFFE000  }
0x19f: {  	[tilespmem:s26], [sflag:$0x4] =	stream.indirect.gather [spmem:s2], $0x80, s20, s14, $0xb8;
	[tilespmem:$0x1E748] =	vst v63  }
0x1a0: {  	s24 =	sor.u32 $0x4, s18;
	s26 =	simm.s32 $0xD  }
0x1a1: {  	s25 =	sshll.u32 s24, $0x7;
	_ =	swait.ge [sflag:s26], $0x2000  }
0x1a2: {  	s21 =	simm.s32 $0xE;
	s20 =	sand.u32 $0x3FFFFE00, s25;
	[sflag:s26] =	ssyncset.done $0x0  }
0x1a3: {  	s25 =	sor.u32 $0x5, s18;
	s20 =	sadd.s32 $0x1400, s20;
	[sflag:s26] =	ssyncadd.s32 $0xFFFFE000  }
0x1a4: {  	[tilespmem:s28], [sflag:$0x5] =	stream.indirect.gather [spmem:s2], $0x80, s20, s14, $0xb8;
	[tilespmem:$0x1E748] =	vst v63  }
0x1a5: {  	s26 =	sshll.u32 s25, $0x7;
	_ =	swait.ge [sflag:s21], $0x2000  }
0x1a6: {  	s20 =	sand.u32 $0x3FFFFE80, s26;
	[sflag:s21] =	ssyncset.done $0x0  }
0x1a7: {  	s26 =	simm.s32 $0x18748;
	s20 =	sadd.s32 $0x1400, s20;
	[sflag:s21] =	ssyncadd.s32 $0xFFFFE000  }
0x1a8: {  	[tilespmem:s26], [sflag:$0x6] =	stream.indirect.gather [spmem:s2], $0x80, s20, s14, $0xb8;
	[tilespmem:$0x1E748] =	vst v63  }
0x1a9: {  	s21 =	simm.s32 $0xF;
	s26 =	sor.u32 $0x6, s18  }
0x1aa: {  	_ =	swait.ge [sflag:s21], $0x2000;
	s18 =	sshll.u32 s26, $0x7  }
0x1ab: {  	[sflag:s21] =	ssyncset.done $0x0;
	s18 =	sand.u32 $0x3FFFFF00, s18  }
0x1ac: {  	[sflag:s21] =	ssyncadd.s32 $0xFFFFE000;
	s18 =	sadd.s32 $0x1400, s18;
	s21 =	simm.s32 $0x1A748  }
0x1ad: {  	[tilespmem:s21], [sflag:$0x7] =	stream.indirect.gather [spmem:s2], $0x80, s18, s14, $0xb8;
	[tilespmem:$0x1E748] =	vst v63  }
.Ltmp10:
0x1ae: {  	s20 =	simm.s32 $0x10;
	(pc) =	sbr.rel .LBB2_12-.Ltmp10, $4  }
0x1af: {  	_ =	swait.ge [sflag:s20], $0x2000  }
0x1b0: {  	s25 =	sshll.u32 s25, $0xD;
	s28 =	sshll.u32 s24, $0xD;
	[sflag:s20] =	ssyncset.done $0x0  }
0x1b1: {  	s21 =	sshllo.u32 s19, $0x3;
	s18 =	sshll.u32 s22, $0xD;
	[sflag:s20] =	ssyncadd.s32 $0xFFFFE000  }
0x1b2: {  	s20 =	sshll.u32 s16, $0xD;
	s16 =	sshll.u32 s23, $0xD;
	s23 =	sshll.u32 s26, $0xD  }
.LBB2_10:
0x1b3: {  	s16 =	simm.s32 $0x1400  }
0x1b4: {  	[tilespmem:s29], [sflag:$0x1] =	stream.indirect.gather [spmem:s2], $0x80, s16, s14, $0xb8;
	[tilespmem:$0x1E748] =	vst v63  }
0x1b5: {  	s20 =	simm.s32 $0x1480  }
0x1b6: {  	[tilespmem:s22], [sflag:$0x2] =	stream.indirect.gather [spmem:s2], $0x80, s20, s14, $0xb8;
	[tilespmem:$0x1E748] =	vst v63  }
0x1b7: {  	s21 =	simm.s32 $0x1500  }
0x1b8: {  	[tilespmem:s24], [sflag:$0x3] =	stream.indirect.gather [spmem:s2], $0x80, s21, s14, $0xb8;
	[tilespmem:$0x1E748] =	vst v63  }
0x1b9: {  	s22 =	simm.s32 $0x1580  }
0x1ba: {  	[tilespmem:s26], [sflag:$0x4] =	stream.indirect.gather [spmem:s2], $0x80, s22, s14, $0xb8;
	[tilespmem:$0x1E748] =	vst v63  }
0x1bb: {  	s23 =	simm.s32 $0x1600;
	s18 =	simm.s32 $0x18748;
	s25 =	simm.s32 $0x1700  }
0x1bc: {  	[tilespmem:s28], [sflag:$0x5] =	stream.indirect.gather [spmem:s2], $0x80, s23, s14, $0xb8;
	[tilespmem:$0x1E748] =	vst v63  }
0x1bd: {  	s16 =	simm.s32 $0x6000;
	s20 =	simm.s32 $0x2000;
	s24 =	simm.s32 $0x1680  }
0x1be: {  	[tilespmem:s18], [sflag:$0x6] =	stream.indirect.gather [spmem:s2], $0x80, s24, s14, $0xb8;
	[tilespmem:$0x1E748] =	vst v63  }
0x1bf: {  	s21 =	simm.s32 $0x7;
	s26 =	simm.s32 $0x1A748;
	s23 =	simm.s32 $0xC000  }
0x1c0: {  	[tilespmem:s26], [sflag:$0x7] =	stream.indirect.gather [spmem:s2], $0x80, s25, s14, $0xb8;
	[tilespmem:$0x1E748] =	vst v63  }
0x1c1: {  	s28 =	simm.s32 $0x8000;
	s18 =	simm.s32 $0x4000;
	s25 =	simm.s32 $0xA000  }
.LBB2_12:
0x1c2: {  	p4 =	sne.s32 s17, $0x0  }
.Ltmp11:
0x1c3: {  	_ = 	snop;
	(pc) =	sbr.rel @!p4 .LBB2_13-.Ltmp11, $4  }
0x1c4: {  	s22 =	sshll.u32 s21, $0x7  }
0x1c5: {  	s22 =	sand.u32 $0x3FFFFF80, s22  }
0x1c6: {  	s22 =	sadd.s32 $0x1400, s22  }
0x1c7: {  	[tilespmem:s30], [sflag:$0x8] =	stream.indirect.gather [spmem:s2], $0x80, s22, s14, $0xb8;
	[tilespmem:$0x1E748] =	vst v63  }
.Ltmp12:
0x1c8: {  	(pc) =	sbr.rel @p2 .LBB2_20-.Ltmp12, $4  }
.Ltmp13:
0x1c9: {  	(pc) =	sbr.rel @!p2 .LBB2_19-.Ltmp13, $4  }
0x1ca: {  	_ = 	snop  }
0x1cb: {  	_ = 	snop  }
0x1cc: {  	_ = 	snop  }
0x1cd: {  	_ = 	snop  }
.LBB2_13:
.Ltmp14:
0x1ce: {  	(pc) =	sbr.rel @p2 .LBB2_20-.Ltmp14, $1  }
0x1cf: {  	_ =	sdelay $0x3  }
.Ltmp15:
0x1d0: {  	(pc) =	sbr.rel @p3 .LBB2_19-.Ltmp15, $4  }
0x1d1: {  	s22 =	simm.s32 $0x11  }
0x1d2: {  	_ =	swait.ge [sflag:s22], $0xA00  }
0x1d3: {  	[sflag:s22] =	ssyncset.done $0x0  }
0x1d4: {  	[sflag:s22] =	ssyncadd.s32 $0xFFFFF600  }
0x1d5: {  	s26 =	rddreg [dreg:$0xd]  }
0x1d6: {  	s22 =	simm.s32 $0x10;
	s29 =	sadd.s32 $0x0, s8;
	s24 =	sadd.s32 $0x100, s26  }
.LBB2_16:
0x1d7: {  	[tilespmem:s26], [sflag:$0x11] =	stream.linear.gather [hbm4b:s29+s3], $0x80, $0x38;
	[tilespmem:$0x1E748] =	vst v63  }
0x1d8: {  	s29 =	smov.u32 s22;
	s26 =	smov.u32 s24;
	p4 =	seq.s32 s22, $0x130  }
.Ltmp16:
0x1d9: {  	s22 =	sadd.s32 $0x10, s22;
	(pc) =	sbr.rel @!p4 .LBB2_16-.Ltmp16, $2  }
0x1da: {  	_ =	sdelay $0x2  }
0x1db: {  	s24 =	sadd.s32 $0x100, s24;
	s29 =	sadd.s32 s29, s8  }
.Ltmp17:
0x1dc: {  	(pc) =	sbr.rel .LBB2_19-.Ltmp17, $2  }
0x1dd: {  	_ =	sdelay $0x2  }
0x1de: {  	[tilespmem:s26], [sflag:$0x11] =	stream.linear.gather [hbm4b:s29+s3], $0x80, $0x38;
	[tilespmem:$0x1E748] =	vst v63  }
.LBB2_23:
0x1df: {  	_ =	sfence.sel $0x180000  }
0x1e0: {  	[bflag:$0x0] =	sbarrier.arrive $0xFFFF  }
0x1e1: {  	_ =	strace $0x90000047  }
0x1e2: {  	[bflag:$0x2] =	sbarrier.arrive $0xFFFF  }
0x1e3: {  	s0 =	rddreg [dreg:$0x3]  }
0x1e4: {  	s0 =	sadd.s32 @!p0 $0x100000, s0  }
0x1e5: {  	[sflag:s0] =	ssyncadd.tile.s32 @!p0 $0x1;
	_ =	shalt  }
.Lfunc_end2:
_tile_overlayer_lowered:
.L_overlay_start_2:
0x1e6: {  	(tag) =	ssettag $0x2  }
0x1e7: {  	s0 =	rddreg [dreg:$0x0];
	s2 =	stileid.u32  }
0x1e8: {  	s1 =	rddreg [dreg:$0x1];
	p0 =	sne.s32 s2, $0x0  }
0x1e9: {  	s3 =	rddreg [dreg:$0x2];
	[bflag:$0x3] =	sbarrier.arrive $0xFFFF;
	s2 =	simm.s32 @!p0 $0x1C12  }
0x1ea: {  	[timem:s3], [sflag:s2] =	dma.local @!p0 [hbm:s0], s1  }
0x1eb: {  	s0 =	simm.s32 @!p0 $0x12  }
0x1ec: {  	_ =	swait.ge @!p0 [sflag:s0], s1  }
0x1ed: {  	s1 =	ssub.s32 @!p0 $0x0, s1;
	[sflag:s0] =	ssyncset.done @!p0 $0x0  }
0x1ee: {  	[sflag:s0] =	ssyncadd.s32 @!p0 s1  }
0x1ef: {  	[bflag:$0x3] =	sbarrier.arrive $0xFFFF  }
0x1f0: {  	_ =	shalt  }

</sc_bundles>
